<compile_context>
chip_gen: v7x
topology: tpu7x:2x2x1
jax: 0.10.2.dev20260603
libtpu: 0.0.44.dev20260713+nightly
codegen_flags: <defaults>
</compile_context>

<pallas_src>
import functools

import jax
import jax.numpy as jnp
from jax import lax
from jax.experimental import pallas as pl
from jax.experimental.pallas import tpu as pltpu
from jax.experimental.pallas import tpu_sc as plsc

EMB = 64
BATCH = 16384
NB = 500001
NB_AL = 499968
TAIL = NB - NB_AL

_info = plsc.get_sparse_core_info()
_NC, _NS = _info.num_cores, _info.num_subcores
_NW = _NC * _NS
_R = 15744
_W = 128
_NCH = 123
_CAP = 576
_NPIECE = -(-BATCH // _CAP)
_NOB = -(-_CAP // 128)
_LSZ = BATCH + 16
_LDUMP = _LSZ - 1
_SSZ = _CAP + 16
_SDUMP = _SSZ - 1
_NROW = _NOB * 128 + 64
_RDUMP = _NOB * 128
_OUTR = BATCH + 128


def _iota16():
    return lax.iota(jnp.int32, 16)


@functools.partial(
    pl.kernel,
    out_type=jax.ShapeDtypeStruct((_OUTR, 128), jnp.float32),
    mesh=plsc.VectorSubcoreMesh(core_axis_name="c", subcore_axis_name="s"),
    scratch_types=[
        pltpu.VMEM((1024,), jnp.int32),
        pltpu.VMEM((_LSZ,), jnp.int32),
        pltpu.VMEM((_SSZ,), jnp.int32),
        pltpu.VMEM((_SSZ,), jnp.int32),
        pltpu.VMEM((2, 8, 8, _W), jnp.float32),
        pltpu.VMEM((_NROW, 128), jnp.float32),
        pltpu.VMEM((1, 128), jnp.int32),
        pltpu.SemaphoreType.DMA,
    ],
    compiler_params=pltpu.CompilerParams(use_tc_tiling_on_sc=True,
                                         needs_layout_passes=False),
)
def _gather(table_hbm, tail_hbm, idx_hbm, out_hbm,
            idx_buf, plist, lane_list, q_list,
            chunk_v, rows_v, p_stage, sem):
    wid = lax.axis_index("s") * _NC + lax.axis_index("c")
    lo = wid * _R
    off_max = NB_AL - _W - lo

    def scan_piece(pp, cnt):
        pltpu.sync_copy(idx_hbm.at[pl.ds(pp * 1024, 1024)], idx_buf)

        def group(g, cnt):
            i_vec = idx_buf[pl.ds(g * 16, 16)]
            il_vec = i_vec - lo
            p_vec = pp * 1024 + g * 16 + _iota16()
            m = (il_vec >= 0) & (il_vec < _R)
            mi = m.astype(jnp.int32)
            pos = cnt + plsc.cumsum(mi) - 1
            tgt = jnp.where(m, pos, _LDUMP)
            plsc.store_scatter(plist, [tgt],
                               jnp.where(m, (il_vec << 14) | p_vec, 0))
            return cnt + jnp.sum(mi)

        return lax.fori_loop(0, 64, group, cnt)

    cnt = lax.fori_loop(0, 16, scan_piece, jnp.int32(0))

    def off_l_of(c):
        return jnp.minimum(c * _W, off_max)

    def fire_chunk(c, par):
        off = lo + off_l_of(c)
        return [pltpu.async_copy(
            table_hbm.at[a, pl.ds(0, 8), pl.ds(off, _W)],
            chunk_v.at[par, a], sem) for a in range(8)]

    def wait_chunk():
        for a in range(8):
            pltpu.make_async_copy(
                table_hbm.at[a, pl.ds(0, 8), pl.ds(0, _W)],
                chunk_v.at[0, a], sem).wait()

    def process_chunk(piece, pc, par, off_l, width):
        def sub(gg, scnt):
            qpos = piece * _CAP + gg * 16
            v = plist[pl.ds(qpos, 16)]
            il_vec = v >> 14
            ql_vec = gg * 16 + _iota16()
            m = ((ql_vec < pc) & (il_vec >= off_l) &
                 (il_vec < off_l + width))
            mi = m.astype(jnp.int32)
            pos = scnt + plsc.cumsum(mi) - 1
            tgt = jnp.where(m, pos, _SDUMP)
            plsc.store_scatter(lane_list, [tgt], il_vec - off_l)
            plsc.store_scatter(q_list, [tgt], ql_vec)
            return scnt + jnp.sum(mi)

        scnt = lax.fori_loop(0, _CAP // 16, sub, jnp.int32(0))
        par_vec = jnp.full((16,), par, jnp.int32)

        def gath(sg, carry):
            @pl.when(sg * 16 < scnt)
            def _():
                lane_vec = lane_list[pl.ds(sg * 16, 16)]
                q_vec = q_list[pl.ds(sg * 16, 16)]
                valid = (sg * 16 + _iota16()) < scnt
                lane_vec = jnp.where(valid, lane_vec, 0)
                q_vec = jnp.where(valid, q_vec, _RDUMP)
                for a in range(8):
                    a_vec = jnp.full((16,), a, jnp.int32)
                    for b in range(8):
                        v = plsc.load_gather(
                            chunk_v,
                            [par_vec, a_vec,
                             jnp.full((16,), b, jnp.int32), lane_vec])
                        plsc.store_scatter(
                            rows_v,
                            [q_vec, jnp.full((16,), a * 8 + b, jnp.int32)], v)

            return carry

        lax.fori_loop(0, _CAP // 16, gath, 0)

    def piece_body(piece, carry):
        pc = jnp.clip(cnt - piece * _CAP, 0, _CAP)

        @pl.when(pc > 0)
        def _():
            fire_chunk(0, 0)

            def chunk_body(c, carry2):
                par = c % 2
                wait_chunk()

                @pl.when(c + 1 < _NCH)
                def _fire_next():
                    fire_chunk(c + 1, 1 - par)

                process_chunk(piece, pc, par, off_l_of(c), _W)
                return carry2

            lax.fori_loop(0, _NCH, chunk_body, 0)

            cps = [pltpu.async_copy(
                tail_hbm.at[a],
                chunk_v.at[0, a, pl.ds(0, 8), pl.ds(0, 128)],
                sem) for a in range(8)]
            for cp in cps:
                cp.wait()
            process_chunk(piece, pc, 0, NB_AL - lo, 128)

            def out_body(ob, carry3):
                @pl.when(ob * 128 < pc)
                def _o():
                    for gg8 in range(8):
                        qpos = ob * 128 + gg8 * 16
                        pv = plist[pl.ds(piece * _CAP + qpos, 16)] & 0x3FFF
                        valid = (qpos + _iota16()) < pc
                        dummy = BATCH + gg8 * 16 + _iota16()
                        p_stage[0, pl.ds(gg8 * 16, 16)] = jnp.where(
                            valid, pv, dummy)
                    pltpu.async_copy(rows_v.at[pl.ds(ob * 128, 128)],
                                     out_hbm.at[p_stage.at[0]], sem).wait()

                return carry3

            lax.fori_loop(0, _NOB, out_body, 0)

        return carry

    lax.fori_loop(0, _NPIECE, piece_body, 0)


def kernel(node_ids, table):
    idx = node_ids.astype(jnp.int32)
    table_t3 = table.T.reshape(8, 8, NB)
    tail = jnp.pad(table_t3[:, :, NB_AL:], ((0, 0), (0, 0), (0, 128 - TAIL)))
    out = _gather(table_t3, tail, idx)
    return out[:BATCH, :EMB]

# --- scband reference (transcript-rebuilt; emitter-appended) ---
"""Pipeline reference for scband-simple-node-embedder-16604343566682 (READ-ONLY COPY).

The authoritative reference and input builder live on the scoring server;
editing this copy changes nothing except your own understanding.
"""

import jax, jax.numpy as jnp
import numpy as np

N_BUCKETS = 500000
EMB_SIZE = 64
BATCH = 16384

def setup_inputs(seed: int = 0) -> dict:
    key = jax.random.key(seed)
    k1, k2 = jax.random.split(key)
    # node_ids are pre-hashed bucket indices in [0, n_buckets); n_buckets is the padding index
    node_ids = jax.random.randint(k1, (BATCH,), 0, N_BUCKETS, dtype=jnp.int64 if jax.config.jax_enable_x64 else jnp.int32)
    # embedding table with an extra padding row (padding_idx = n_buckets, zero vector)
    table = jax.random.normal(k2, (N_BUCKETS + 1, EMB_SIZE), dtype=jnp.float32) * 0.02
    table = table.at[N_BUCKETS].set(0.0)
    return {"node_ids": node_ids, "table": table}

def reference(node_ids, table):
    # SimpleNodeEmbedder.forward: hash node names -> bucket indices, then nn.Embedding lookup.
    # The hashing (token_hasher on python strings) is non-tensor preprocessing; the tensor
    # computation is a plain gather into the bucket embedding table.
    return jnp.take(table, node_ids, axis=0)

if __name__ == "__main__":
    import jax
    _d = setup_inputs()
    print(jax.jit(kernel)(*tuple(_d.values())))

</pallas_src>

<mosaic_0001>
#map = affine_map<(d0, d1) -> (0, 0, 0)>
#map1 = affine_map<(d0, d1) -> (0)>
#map2 = affine_map<(d0, d1) -> (0, 0)>
module attributes {stable_mosaic.version = 14 : i64} {
  func.func @_gather(%arg0: i32, %arg1: i32, %arg2: memref<8x8x500001xf32, #tpu.memory_space<hbm>>, %arg3: memref<8x8x128xf32, #tpu.memory_space<hbm>>, %arg4: memref<16384xi32, #tpu.memory_space<hbm>>, %arg5: memref<16512x128xf32, #tpu.memory_space<hbm>>, %arg6: memref<1024xi32, #tpu.memory_space<vmem>>, %arg7: memref<16400xi32, #tpu.memory_space<vmem>>, %arg8: memref<592xi32, #tpu.memory_space<vmem>>, %arg9: memref<592xi32, #tpu.memory_space<vmem>>, %arg10: memref<2x8x8x128xf32, #tpu.memory_space<vmem>>, %arg11: memref<704x128xf32, #tpu.memory_space<vmem>>, %arg12: memref<1x128xi32, #tpu.memory_space<vmem>>, %arg13: memref<!tpu.dma_semaphore, #tpu.memory_space<semaphore_mem>>) attributes {dimension_semantics = [#tpu.dimension_semantics<core_parallel>, #tpu.dimension_semantics<subcore_parallel>], iteration_bounds = array<i64: 2, 16>, scalar_prefetch = 0 : i64, scratch_operands = 8 : i64, tpu.core_type = #tpu.core_type<sc_vector_subcore>, window_params = [{transform_indices = #map}, {transform_indices = #map}, {transform_indices = #map1}, {transform_indices = #map2}]} {
    %mul3A = arith.constant 2 : i32
    %mul3A_0 = arith.muli %arg1, %mul3A : i32
    %add3A = arith.addi %mul3A_0, %arg0 : i32
    %mul3A_1 = arith.constant 15744 : i32
    %mul3A_2 = arith.muli %add3A, %mul3A_1 : i32
    %sub3A = arith.constant 499840 : i32
    %sub3A_3 = arith.subi %sub3A, %mul3A_2 : i32
    %scan3A = arith.constant 0 : i32
    %scan3A_4 = arith.constant 0 : i32
    %scan3A_5 = arith.constant 16 : i32
    %scan3A_6 = arith.addi %scan3A_4, %scan3A_5 : i32
    %scan3A_7 = arith.constant 1 : i32
    %scan3A_8 = scf.for %scan3A_16 = %scan3A_4 to %scan3A_6 step %scan3A_7 iter_args(%scan3A_17 = %scan3A) -> (i32)  : i32 {
      %mul3A_18 = arith.constant 1024 : i32
      %mul3A_19 = arith.muli %scan3A_16, %mul3A_18 : i32
      "tpu.region"() ({
        %run_scoped3A = tpu.sem_alloc : memref<!tpu.dma_semaphore, #tpu.memory_space<semaphore_mem>>
        %dma_start3A = tpu.memref_slice %arg4[%mul3A_19] : memref<16384xi32, #tpu.memory_space<hbm>> -> memref<1024xi32, #tpu.memory_space<hbm>>
        %dma_start3A_26 = tpu.memref_slice %arg4[%mul3A_19] : memref<16384xi32, #tpu.memory_space<hbm>> -> memref<1024xi32, #tpu.memory_space<hbm>>
        tpu.enqueue_dma source(%dma_start3A_26 : memref<1024xi32, #tpu.memory_space<hbm>>) target(%arg6 : memref<1024xi32, #tpu.memory_space<vmem>>) target_semaphore(%run_scoped3A : memref<!tpu.dma_semaphore, #tpu.memory_space<semaphore_mem>>)
        %dma_wait3A = tpu.memref_slice %arg4[%mul3A_19] : memref<16384xi32, #tpu.memory_space<hbm>> -> memref<1024xi32, #tpu.memory_space<hbm>>
        %dma_wait3A_27 = tpu.memref_slice %arg4[%mul3A_19] : memref<16384xi32, #tpu.memory_space<hbm>> -> memref<1024xi32, #tpu.memory_space<hbm>>
        tpu.wait_dma2 semaphore(%run_scoped3A : memref<!tpu.dma_semaphore, #tpu.memory_space<semaphore_mem>>) src(%dma_wait3A_27 : memref<1024xi32, #tpu.memory_space<hbm>>) dst(%arg6 : memref<1024xi32, #tpu.memory_space<vmem>>)
        tpu.yield
      }) : () -> ()
      %scan3A_20 = arith.constant 0 : i32
      %scan3A_21 = arith.constant 64 : i32
      %scan3A_22 = arith.addi %scan3A_20, %scan3A_21 : i32
      %scan3A_23 = arith.constant 1 : i32
      %scan3A_24 = scf.for %scan3A_26 = %scan3A_20 to %scan3A_22 step %scan3A_23 iter_args(%scan3A_27 = %scan3A_17) -> (i32)  : i32 {
        %mul3A_28 = arith.constant 16 : i32
        %mul3A_29 = arith.muli %scan3A_26, %mul3A_28 : i32
        %get3A = arith.index_cast %mul3A_29 : i32 to index
        %get3A_30 = tpu.vector_load %arg6[%get3A] {strides = array<i32>} : memref<1024xi32, #tpu.memory_space<vmem>>, vector<16xi32>,
        %sub3A_31 = vector.broadcast %mul3A_2 : i32 to vector<16xi32>
        %sub3A_32 = arith.subi %get3A_30, %sub3A_31 : vector<16xi32>
        %mul3A_33 = arith.constant 1024 : i32
        %mul3A_34 = arith.muli %scan3A_16, %mul3A_33 : i32
        %mul3A_35 = arith.constant 16 : i32
        %mul3A_36 = arith.muli %scan3A_26, %mul3A_35 : i32
        %add3A_37 = arith.addi %mul3A_34, %mul3A_36 : i32
        %iota3A = tpu.iota {dimensions = array<i32: 0>} : vector<16xi32>
        %add3A_38 = vector.broadcast %add3A_37 : i32 to vector<16xi32>
        %add3A_39 = arith.addi %add3A_38, %iota3A : vector<16xi32>
        %ge3A = arith.constant 0 : i32
        %ge3A_40 = vector.broadcast %ge3A : i32 to vector<16xi32>
        %ge3A_41 = arith.cmpi sge, %sub3A_32, %ge3A_40 : vector<16xi32>
        %lt3A = arith.constant 15744 : i32
        %lt3A_42 = vector.broadcast %lt3A : i32 to vector<16xi32>
        %lt3A_43 = arith.cmpi slt, %sub3A_32, %lt3A_42 : vector<16xi32>
        %and3A = arith.andi %ge3A_41, %lt3A_43 : vector<16xi1>
        %convert_element_type3A = arith.extui %and3A : vector<16xi1> to vector<16xi32>
        %broadcast_in_dim3A = arith.constant true
        %broadcast_in_dim3A_44 = vector.broadcast %broadcast_in_dim3A : i1 to vector<16xi1>
        %masked_cumsum3A = tpu.scan <sum>, %convert_element_type3A masked %broadcast_in_dim3A_44 : vector<16xi32>, vector<16xi1> -> vector<16xi32>
        %add3A_45 = vector.broadcast %scan3A_27 : i32 to vector<16xi32>
        %add3A_46 = arith.addi %add3A_45, %masked_cumsum3A : vector<16xi32>
        %sub3A_47 = arith.constant 1 : i32
        %sub3A_48 = vector.broadcast %sub3A_47 : i32 to vector<16xi32>
        %sub3A_49 = arith.subi %add3A_46, %sub3A_48 : vector<16xi32>
        %jit3A = arith.constant 16399 : i32
        %broadcast_in_dim3A_50 = vector.broadcast %jit3A : i32 to vector<16xi32>
        %select_n3A = arith.select %and3A, %sub3A_49, %broadcast_in_dim3A_50 : vector<16xi1>, vector<16xi32>
        %shift_left3A = arith.constant 14 : i32
        %shift_left3A_51 = vector.broadcast %shift_left3A : i32 to vector<16xi32>
        %shift_left3A_52 = arith.shli %sub3A_32, %shift_left3A_51 : vector<16xi32>
        %or3A = arith.ori %shift_left3A_52, %add3A_39 : vector<16xi32>
        %jit3A_53 = arith.constant 0 : i32
        %broadcast_in_dim3A_54 = vector.broadcast %jit3A_53 : i32 to vector<16xi32>
        %select_n3A_55 = arith.select %and3A, %or3A, %broadcast_in_dim3A_54 : vector<16xi1>, vector<16xi32>
        tpu.vector_store_idx %arg7[%select_n3A], %select_n3A_55 : memref<16400xi32, #tpu.memory_space<vmem>>[vector<16xi32>], vector<16xi32>,
        %reduce_sum3A = arith.constant true
        %reduce_sum3A_56 = vector.broadcast %reduce_sum3A : i1 to vector<16xi1>
        %reduce_sum3A_57 = tpu.scan <sum>, %convert_element_type3A masked %reduce_sum3A_56 : vector<16xi32>, vector<16xi1> -> vector<16xi32>
        %reduce_sum3A_58 = vector.extract %reduce_sum3A_57[15] : i32 from vector<16xi32>
        %add3A_59 = arith.addi %scan3A_27, %reduce_sum3A_58 : i32
        scf.yield %add3A_59 : i32
      }
      %scan3A_25 = arith.constant 64 : i32
      scf.yield %scan3A_24 : i32
    }
    %scan3A_9 = arith.constant 16 : i32
    %scan3A_10 = arith.constant 0 : i32
    %scan3A_11 = arith.constant 0 : i32
    %scan3A_12 = arith.constant 29 : i32
    %scan3A_13 = arith.addi %scan3A_11, %scan3A_12 : i32
    %scan3A_14 = arith.constant 1 : i32
    scf.for %scan3A_16 = %scan3A_11 to %scan3A_13 step %scan3A_14  : i32 {
      %mul3A_17 = arith.constant 576 : i32
      %mul3A_18 = arith.muli %scan3A_16, %mul3A_17 : i32
      %sub3A_19 = arith.subi %scan3A_8, %mul3A_18 : i32
      %jit3A = arith.constant 0 : i32
      %jit3A_20 = arith.constant 576 : i32
      %max3A = arith.maxsi %jit3A, %sub3A_19 : i32
      %min3A = arith.minsi %jit3A_20, %max3A : i32
      %gt3A = arith.constant 0 : i32
      %gt3A_21 = arith.cmpi sgt, %min3A, %gt3A : i32
      %convert_element_type3A = arith.extui %gt3A_21 : i1 to i32
      %cond3A = arith.constant 0 : i32
      %cond3A_22 = arith.cmpi ne, %convert_element_type3A, %cond3A : i32
      scf.if %cond3A_22 {
        %min3A_23 = arith.constant 0 : i32
        %min3A_24 = arith.minsi %min3A_23, %sub3A_3 : i32
        %add3A_25 = arith.addi %mul3A_2, %min3A_24 : i32
        %dma_start3A = arith.constant 0 : i32
        %dma_start3A_26 = arith.constant 0 : i32
        %dma_start3A_27 = arith.constant 0 : i32
        %dma_start3A_28 = arith.constant 0 : i32
        %dma_start3A_29 = arith.constant 0 : i32
        %dma_start3A_30 = tpu.memref_slice %arg10[%dma_start3A_26, %dma_start3A_27, %dma_start3A_28, %dma_start3A_29] : memref<2x8x8x128xf32, #tpu.memory_space<vmem>> -> memref<1x1x8x128xf32, #tpu.memory_space<vmem>>
        %dma_start3A_31 = tpu.memref_squeeze %dma_start3A_30 : memref<1x1x8x128xf32, #tpu.memory_space<vmem>> -> memref<8x128xf32, #tpu.memory_space<vmem>>
        %dma_start3A_32 = arith.constant 0 : i32
        %dma_start3A_33 = tpu.memref_slice %arg2[%dma_start3A, %dma_start3A_32, %add3A_25] : memref<8x8x500001xf32, #tpu.memory_space<hbm>> -> memref<1x8x128xf32, #tpu.memory_space<hbm>>
        %dma_start3A_34 = tpu.memref_squeeze %dma_start3A_33 : memref<1x8x128xf32, #tpu.memory_space<hbm>> -> memref<8x128xf32, #tpu.memory_space<hbm>>
        %dma_start3A_35 = arith.constant 0 : i32
        %dma_start3A_36 = arith.constant 0 : i32
        %dma_start3A_37 = tpu.memref_slice %arg10[%dma_start3A_26, %dma_start3A_27, %dma_start3A_35, %dma_start3A_36] : memref<2x8x8x128xf32, #tpu.memory_space<vmem>> -> memref<1x1x8x128xf32, #tpu.memory_space<vmem>>
        %dma_start3A_38 = tpu.memref_squeeze %dma_start3A_37 : memref<1x1x8x128xf32, #tpu.memory_space<vmem>> -> memref<8x128xf32, #tpu.memory_space<vmem>>
        %dma_start3A_39 = arith.constant 0 : i32
        %dma_start3A_40 = tpu.memref_slice %arg2[%dma_start3A, %dma_start3A_39, %add3A_25] : memref<8x8x500001xf32, #tpu.memory_space<hbm>> -> memref<1x8x128xf32, #tpu.memory_space<hbm>>
        %dma_start3A_41 = tpu.memref_squeeze %dma_start3A_40 : memref<1x8x128xf32, #tpu.memory_space<hbm>> -> memref<8x128xf32, #tpu.memory_space<hbm>>
        tpu.enqueue_dma source(%dma_start3A_41 : memref<8x128xf32, #tpu.memory_space<hbm>>) target(%dma_start3A_38 : memref<8x128xf32, #tpu.memory_space<vmem>>) target_semaphore(%arg13 : memref<!tpu.dma_semaphore, #tpu.memory_space<semaphore_mem>>)
        %dma_start3A_42 = arith.constant 1 : i32
        %dma_start3A_43 = arith.constant 0 : i32
        %dma_start3A_44 = arith.constant 1 : i32
        %dma_start3A_45 = arith.constant 0 : i32
        %dma_start3A_46 = arith.constant 0 : i32
        %dma_start3A_47 = tpu.memref_slice %arg10[%dma_start3A_43, %dma_start3A_44, %dma_start3A_45, %dma_start3A_46] : memref<2x8x8x128xf32, #tpu.memory_space<vmem>> -> memref<1x1x8x128xf32, #tpu.memory_space<vmem>>
        %dma_start3A_48 = tpu.memref_squeeze %dma_start3A_47 : memref<1x1x8x128xf32, #tpu.memory_space<vmem>> -> memref<8x128xf32, #tpu.memory_space<vmem>>
        %dma_start3A_49 = arith.constant 0 : i32
        %dma_start3A_50 = tpu.memref_slice %arg2[%dma_start3A_42, %dma_start3A_49, %add3A_25] : memref<8x8x500001xf32, #tpu.memory_space<hbm>> -> memref<1x8x128xf32, #tpu.memory_space<hbm>>
        %dma_start3A_51 = tpu.memref_squeeze %dma_start3A_50 : memref<1x8x128xf32, #tpu.memory_space<hbm>> -> memref<8x128xf32, #tpu.memory_space<hbm>>
        %dma_start3A_52 = arith.constant 0 : i32
        %dma_start3A_53 = arith.constant 0 : i32
        %dma_start3A_54 = tpu.memref_slice %arg10[%dma_start3A_43, %dma_start3A_44, %dma_start3A_52, %dma_start3A_53] : memref<2x8x8x128xf32, #tpu.memory_space<vmem>> -> memref<1x1x8x128xf32, #tpu.memory_space<vmem>>
        %dma_start3A_55 = tpu.memref_squeeze %dma_start3A_54 : memref<1x1x8x128xf32, #tpu.memory_space<vmem>> -> memref<8x128xf32, #tpu.memory_space<vmem>>
        %dma_start3A_56 = arith.constant 0 : i32
        %dma_start3A_57 = tpu.memref_slice %arg2[%dma_start3A_42, %dma_start3A_56, %add3A_25] : memref<8x8x500001xf32, #tpu.memory_space<hbm>> -> memref<1x8x128xf32, #tpu.memory_space<hbm>>
        %dma_start3A_58 = tpu.memref_squeeze %dma_start3A_57 : memref<1x8x128xf32, #tpu.memory_space<hbm>> -> memref<8x128xf32, #tpu.memory_space<hbm>>
        tpu.enqueue_dma source(%dma_start3A_58 : memref<8x128xf32, #tpu.memory_space<hbm>>) target(%dma_start3A_55 : memref<8x128xf32, #tpu.memory_space<vmem>>) target_semaphore(%arg13 : memref<!tpu.dma_semaphore, #tpu.memory_space<semaphore_mem>>)
        %dma_start3A_59 = arith.constant 2 : i32
        %dma_start3A_60 = arith.constant 0 : i32
        %dma_start3A_61 = arith.constant 2 : i32
        %dma_start3A_62 = arith.constant 0 : i32
        %dma_start3A_63 = arith.constant 0 : i32
        %dma_start3A_64 = tpu.memref_slice %arg10[%dma_start3A_60, %dma_start3A_61, %dma_start3A_62, %dma_start3A_63] : memref<2x8x8x128xf32, #tpu.memory_space<vmem>> -> memref<1x1x8x128xf32, #tpu.memory_space<vmem>>
        %dma_start3A_65 = tpu.memref_squeeze %dma_start3A_64 : memref<1x1x8x128xf32, #tpu.memory_space<vmem>> -> memref<8x128xf32, #tpu.memory_space<vmem>>
        %dma_start3A_66 = arith.constant 0 : i32
        %dma_start3A_67 = tpu.memref_slice %arg2[%dma_start3A_59, %dma_start3A_66, %add3A_25] : memref<8x8x500001xf32, #tpu.memory_space<hbm>> -> memref<1x8x128xf32, #tpu.memory_space<hbm>>
        %dma_start3A_68 = tpu.memref_squeeze %dma_start3A_67 : memref<1x8x128xf32, #tpu.memory_space<hbm>> -> memref<8x128xf32, #tpu.memory_space<hbm>>
        %dma_start3A_69 = arith.constant 0 : i32
        %dma_start3A_70 = arith.constant 0 : i32
        %dma_start3A_71 = tpu.memref_slice %arg10[%dma_start3A_60, %dma_start3A_61, %dma_start3A_69, %dma_start3A_70] : memref<2x8x8x128xf32, #tpu.memory_space<vmem>> -> memref<1x1x8x128xf32, #tpu.memory_space<vmem>>
        %dma_start3A_72 = tpu.memref_squeeze %dma_start3A_71 : memref<1x1x8x128xf32, #tpu.memory_space<vmem>> -> memref<8x128xf32, #tpu.memory_space<vmem>>
        %dma_start3A_73 = arith.constant 0 : i32
        %dma_start3A_74 = tpu.memref_slice %arg2[%dma_start3A_59, %dma_start3A_73, %add3A_25] : memref<8x8x500001xf32, #tpu.memory_space<hbm>> -> memref<1x8x128xf32, #tpu.memory_space<hbm>>
        %dma_start3A_75 = tpu.memref_squeeze %dma_start3A_74 : memref<1x8x128xf32, #tpu.memory_space<hbm>> -> memref<8x128xf32, #tpu.memory_space<hbm>>
        tpu.enqueue_dma source(%dma_start3A_75 : memref<8x128xf32, #tpu.memory_space<hbm>>) target(%dma_start3A_72 : memref<8x128xf32, #tpu.memory_space<vmem>>) target_semaphore(%arg13 : memref<!tpu.dma_semaphore, #tpu.memory_space<semaphore_mem>>)
        %dma_start3A_76 = arith.constant 3 : i32
        %dma_start3A_77 = arith.constant 0 : i32
        %dma_start3A_78 = arith.constant 3 : i32
        %dma_start3A_79 = arith.constant 0 : i32
        %dma_start3A_80 = arith.constant 0 : i32
        %dma_start3A_81 = tpu.memref_slice %arg10[%dma_start3A_77, %dma_start3A_78, %dma_start3A_79, %dma_start3A_80] : memref<2x8x8x128xf32, #tpu.memory_space<vmem>> -> memref<1x1x8x128xf32, #tpu.memory_space<vmem>>
        %dma_start3A_82 = tpu.memref_squeeze %dma_start3A_81 : memref<1x1x8x128xf32, #tpu.memory_space<vmem>> -> memref<8x128xf32, #tpu.memory_space<vmem>>
        %dma_start3A_83 = arith.constant 0 : i32
        %dma_start3A_84 = tpu.memref_slice %arg2[%dma_start3A_76, %dma_start3A_83, %add3A_25] : memref<8x8x500001xf32, #tpu.memory_space<hbm>> -> memref<1x8x128xf32, #tpu.memory_space<hbm>>
        %dma_start3A_85 = tpu.memref_squeeze %dma_start3A_84 : memref<1x8x128xf32, #tpu.memory_space<hbm>> -> memref<8x128xf32, #tpu.memory_space<hbm>>
        %dma_start3A_86 = arith.constant 0 : i32
        %dma_start3A_87 = arith.constant 0 : i32
        %dma_start3A_88 = tpu.memref_slice %arg10[%dma_start3A_77, %dma_start3A_78, %dma_start3A_86, %dma_start3A_87] : memref<2x8x8x128xf32, #tpu.memory_space<vmem>> -> memref<1x1x8x128xf32, #tpu.memory_space<vmem>>
        %dma_start3A_89 = tpu.memref_squeeze %dma_start3A_88 : memref<1x1x8x128xf32, #tpu.memory_space<vmem>> -> memref<8x128xf32, #tpu.memory_space<vmem>>
        %dma_start3A_90 = arith.constant 0 : i32
        %dma_start3A_91 = tpu.memref_slice %arg2[%dma_start3A_76, %dma_start3A_90, %add3A_25] : memref<8x8x500001xf32, #tpu.memory_space<hbm>> -> memref<1x8x128xf32, #tpu.memory_space<hbm>>
        %dma_start3A_92 = tpu.memref_squeeze %dma_start3A_91 : memref<1x8x128xf32, #tpu.memory_space<hbm>> -> memref<8x128xf32, #tpu.memory_space<hbm>>
        tpu.enqueue_dma source(%dma_start3A_92 : memref<8x128xf32, #tpu.memory_space<hbm>>) target(%dma_start3A_89 : memref<8x128xf32, #tpu.memory_space<vmem>>) target_semaphore(%arg13 : memref<!tpu.dma_semaphore, #tpu.memory_space<semaphore_mem>>)
        %dma_start3A_93 = arith.constant 4 : i32
        %dma_start3A_94 = arith.constant 0 : i32
        %dma_start3A_95 = arith.constant 4 : i32
        %dma_start3A_96 = arith.constant 0 : i32
        %dma_start3A_97 = arith.constant 0 : i32
        %dma_start3A_98 = tpu.memref_slice %arg10[%dma_start3A_94, %dma_start3A_95, %dma_start3A_96, %dma_start3A_97] : memref<2x8x8x128xf32, #tpu.memory_space<vmem>> -> memref<1x1x8x128xf32, #tpu.memory_space<vmem>>
        %dma_start3A_99 = tpu.memref_squeeze %dma_start3A_98 : memref<1x1x8x128xf32, #tpu.memory_space<vmem>> -> memref<8x128xf32, #tpu.memory_space<vmem>>
        %dma_start3A_100 = arith.constant 0 : i32
        %dma_start3A_101 = tpu.memref_slice %arg2[%dma_start3A_93, %dma_start3A_100, %add3A_25] : memref<8x8x500001xf32, #tpu.memory_space<hbm>> -> memref<1x8x128xf32, #tpu.memory_space<hbm>>
        %dma_start3A_102 = tpu.memref_squeeze %dma_start3A_101 : memref<1x8x128xf32, #tpu.memory_space<hbm>> -> memref<8x128xf32, #tpu.memory_space<hbm>>
        %dma_start3A_103 = arith.constant 0 : i32
        %dma_start3A_104 = arith.constant 0 : i32
        %dma_start3A_105 = tpu.memref_slice %arg10[%dma_start3A_94, %dma_start3A_95, %dma_start3A_103, %dma_start3A_104] : memref<2x8x8x128xf32, #tpu.memory_space<vmem>> -> memref<1x1x8x128xf32, #tpu.memory_space<vmem>>
        %dma_start3A_106 = tpu.memref_squeeze %dma_start3A_105 : memref<1x1x8x128xf32, #tpu.memory_space<vmem>> -> memref<8x128xf32, #tpu.memory_space<vmem>>
        %dma_start3A_107 = arith.constant 0 : i32
        %dma_start3A_108 = tpu.memref_slice %arg2[%dma_start3A_93, %dma_start3A_107, %add3A_25] : memref<8x8x500001xf32, #tpu.memory_space<hbm>> -> memref<1x8x128xf32, #tpu.memory_space<hbm>>
        %dma_start3A_109 = tpu.memref_squeeze %dma_start3A_108 : memref<1x8x128xf32, #tpu.memory_space<hbm>> -> memref<8x128xf32, #tpu.memory_space<hbm>>
        tpu.enqueue_dma source(%dma_start3A_109 : memref<8x128xf32, #tpu.memory_space<hbm>>) target(%dma_start3A_106 : memref<8x128xf32, #tpu.memory_space<vmem>>) target_semaphore(%arg13 : memref<!tpu.dma_semaphore, #tpu.memory_space<semaphore_mem>>)
        %dma_start3A_110 = arith.constant 5 : i32
        %dma_start3A_111 = arith.constant 0 : i32
        %dma_start3A_112 = arith.constant 5 : i32
        %dma_start3A_113 = arith.constant 0 : i32
        %dma_start3A_114 = arith.constant 0 : i32
        %dma_start3A_115 = tpu.memref_slice %arg10[%dma_start3A_111, %dma_start3A_112, %dma_start3A_113, %dma_start3A_114] : memref<2x8x8x128xf32, #tpu.memory_space<vmem>> -> memref<1x1x8x128xf32, #tpu.memory_space<vmem>>
        %dma_start3A_116 = tpu.memref_squeeze %dma_start3A_115 : memref<1x1x8x128xf32, #tpu.memory_space<vmem>> -> memref<8x128xf32, #tpu.memory_space<vmem>>
        %dma_start3A_117 = arith.constant 0 : i32
        %dma_start3A_118 = tpu.memref_slice %arg2[%dma_start3A_110, %dma_start3A_117, %add3A_25] : memref<8x8x500001xf32, #tpu.memory_space<hbm>> -> memref<1x8x128xf32, #tpu.memory_space<hbm>>
        %dma_start3A_119 = tpu.memref_squeeze %dma_start3A_118 : memref<1x8x128xf32, #tpu.memory_space<hbm>> -> memref<8x128xf32, #tpu.memory_space<hbm>>
        %dma_start3A_120 = arith.constant 0 : i32
        %dma_start3A_121 = arith.constant 0 : i32
        %dma_start3A_122 = tpu.memref_slice %arg10[%dma_start3A_111, %dma_start3A_112, %dma_start3A_120, %dma_start3A_121] : memref<2x8x8x128xf32, #tpu.memory_space<vmem>> -> memref<1x1x8x128xf32, #tpu.memory_space<vmem>>
        %dma_start3A_123 = tpu.memref_squeeze %dma_start3A_122 : memref<1x1x8x128xf32, #tpu.memory_space<vmem>> -> memref<8x128xf32, #tpu.memory_space<vmem>>
        %dma_start3A_124 = arith.constant 0 : i32
        %dma_start3A_125 = tpu.memref_slice %arg2[%dma_start3A_110, %dma_start3A_124, %add3A_25] : memref<8x8x500001xf32, #tpu.memory_space<hbm>> -> memref<1x8x128xf32, #tpu.memory_space<hbm>>
        %dma_start3A_126 = tpu.memref_squeeze %dma_start3A_125 : memref<1x8x128xf32, #tpu.memory_space<hbm>> -> memref<8x128xf32, #tpu.memory_space<hbm>>
        tpu.enqueue_dma source(%dma_start3A_126 : memref<8x128xf32, #tpu.memory_space<hbm>>) target(%dma_start3A_123 : memref<8x128xf32, #tpu.memory_space<vmem>>) target_semaphore(%arg13 : memref<!tpu.dma_semaphore, #tpu.memory_space<semaphore_mem>>)
        %dma_start3A_127 = arith.constant 6 : i32
        %dma_start3A_128 = arith.constant 0 : i32
        %dma_start3A_129 = arith.constant 6 : i32
        %dma_start3A_130 = arith.constant 0 : i32
        %dma_start3A_131 = arith.constant 0 : i32
        %dma_start3A_132 = tpu.memref_slice %arg10[%dma_start3A_128, %dma_start3A_129, %dma_start3A_130, %dma_start3A_131] : memref<2x8x8x128xf32, #tpu.memory_space<vmem>> -> memref<1x1x8x128xf32, #tpu.memory_space<vmem>>
        %dma_start3A_133 = tpu.memref_squeeze %dma_start3A_132 : memref<1x1x8x128xf32, #tpu.memory_space<vmem>> -> memref<8x128xf32, #tpu.memory_space<vmem>>
        %dma_start3A_134 = arith.constant 0 : i32
        %dma_start3A_135 = tpu.memref_slice %arg2[%dma_start3A_127, %dma_start3A_134, %add3A_25] : memref<8x8x500001xf32, #tpu.memory_space<hbm>> -> memref<1x8x128xf32, #tpu.memory_space<hbm>>
        %dma_start3A_136 = tpu.memref_squeeze %dma_start3A_135 : memref<1x8x128xf32, #tpu.memory_space<hbm>> -> memref<8x128xf32, #tpu.memory_space<hbm>>
        %dma_start3A_137 = arith.constant 0 : i32
        %dma_start3A_138 = arith.constant 0 : i32
        %dma_start3A_139 = tpu.memref_slice %arg10[%dma_start3A_128, %dma_start3A_129, %dma_start3A_137, %dma_start3A_138] : memref<2x8x8x128xf32, #tpu.memory_space<vmem>> -> memref<1x1x8x128xf32, #tpu.memory_space<vmem>>
        %dma_start3A_140 = tpu.memref_squeeze %dma_start3A_139 : memref<1x1x8x128xf32, #tpu.memory_space<vmem>> -> memref<8x128xf32, #tpu.memory_space<vmem>>
        %dma_start3A_141 = arith.constant 0 : i32
        %dma_start3A_142 = tpu.memref_slice %arg2[%dma_start3A_127, %dma_start3A_141, %add3A_25] : memref<8x8x500001xf32, #tpu.memory_space<hbm>> -> memref<1x8x128xf32, #tpu.memory_space<hbm>>
        %dma_start3A_143 = tpu.memref_squeeze %dma_start3A_142 : memref<1x8x128xf32, #tpu.memory_space<hbm>> -> memref<8x128xf32, #tpu.memory_space<hbm>>
        tpu.enqueue_dma source(%dma_start3A_143 : memref<8x128xf32, #tpu.memory_space<hbm>>) target(%dma_start3A_140 : memref<8x128xf32, #tpu.memory_space<vmem>>) target_semaphore(%arg13 : memref<!tpu.dma_semaphore, #tpu.memory_space<semaphore_mem>>)
        %dma_start3A_144 = arith.constant 7 : i32
        %dma_start3A_145 = arith.constant 0 : i32
        %dma_start3A_146 = arith.constant 7 : i32
        %dma_start3A_147 = arith.constant 0 : i32
        %dma_start3A_148 = arith.constant 0 : i32
        %dma_start3A_149 = tpu.memref_slice %arg10[%dma_start3A_145, %dma_start3A_146, %dma_start3A_147, %dma_start3A_148] : memref<2x8x8x128xf32, #tpu.memory_space<vmem>> -> memref<1x1x8x128xf32, #tpu.memory_space<vmem>>
        %dma_start3A_150 = tpu.memref_squeeze %dma_start3A_149 : memref<1x1x8x128xf32, #tpu.memory_space<vmem>> -> memref<8x128xf32, #tpu.memory_space<vmem>>
        %dma_start3A_151 = arith.constant 0 : i32
        %dma_start3A_152 = tpu.memref_slice %arg2[%dma_start3A_144, %dma_start3A_151, %add3A_25] : memref<8x8x500001xf32, #tpu.memory_space<hbm>> -> memref<1x8x128xf32, #tpu.memory_space<hbm>>
        %dma_start3A_153 = tpu.memref_squeeze %dma_start3A_152 : memref<1x8x128xf32, #tpu.memory_space<hbm>> -> memref<8x128xf32, #tpu.memory_space<hbm>>
        %dma_start3A_154 = arith.constant 0 : i32
        %dma_start3A_155 = arith.constant 0 : i32
        %dma_start3A_156 = tpu.memref_slice %arg10[%dma_start3A_145, %dma_start3A_146, %dma_start3A_154, %dma_start3A_155] : memref<2x8x8x128xf32, #tpu.memory_space<vmem>> -> memref<1x1x8x128xf32, #tpu.memory_space<vmem>>
        %dma_start3A_157 = tpu.memref_squeeze %dma_start3A_156 : memref<1x1x8x128xf32, #tpu.memory_space<vmem>> -> memref<8x128xf32, #tpu.memory_space<vmem>>
        %dma_start3A_158 = arith.constant 0 : i32
        %dma_start3A_159 = tpu.memref_slice %arg2[%dma_start3A_144, %dma_start3A_158, %add3A_25] : memref<8x8x500001xf32, #tpu.memory_space<hbm>> -> memref<1x8x128xf32, #tpu.memory_space<hbm>>
        %dma_start3A_160 = tpu.memref_squeeze %dma_start3A_159 : memref<1x8x128xf32, #tpu.memory_space<hbm>> -> memref<8x128xf32, #tpu.memory_space<hbm>>
        tpu.enqueue_dma source(%dma_start3A_160 : memref<8x128xf32, #tpu.memory_space<hbm>>) target(%dma_start3A_157 : memref<8x128xf32, #tpu.memory_space<vmem>>) target_semaphore(%arg13 : memref<!tpu.dma_semaphore, #tpu.memory_space<semaphore_mem>>)
        %scan3A_161 = arith.constant 0 : i32
        %scan3A_162 = arith.constant 0 : i32
        %scan3A_163 = arith.constant 123 : i32
        %scan3A_164 = arith.addi %scan3A_162, %scan3A_163 : i32
        %scan3A_165 = arith.constant 1 : i32
        scf.for %scan3A_492 = %scan3A_162 to %scan3A_164 step %scan3A_165  : i32 {
          %jit3A_493 = arith.constant 2 : i32
          %eq3A = arith.constant 0 : i32
          %eq3A_494 = arith.cmpi eq, %jit3A_493, %eq3A : i32
          %jit3A_495 = arith.constant 1 : i32
          %select_n3A = arith.select %eq3A_494, %jit3A_495, %jit3A_493 : i32
          %rem3A = arith.remsi %scan3A_492, %select_n3A : i32
          %ne3A = arith.constant 0 : i32
          %ne3A_496 = arith.cmpi ne, %rem3A, %ne3A : i32
          %lt3A = arith.constant 0 : i32
          %lt3A_497 = arith.cmpi slt, %rem3A, %lt3A : i32
          %lt3A_498 = arith.constant 0 : i32
          %lt3A_499 = arith.cmpi slt, %select_n3A, %lt3A_498 : i32
          %ne3A_500 = arith.xori %lt3A_497, %lt3A_499 : i1
          %and3A = arith.andi %ne3A_500, %ne3A_496 : i1
          %add3A_501 = arith.addi %rem3A, %select_n3A : i32
          %select_n3A_502 = arith.select %and3A, %add3A_501, %rem3A : i32
          %dma_wait3A_503 = arith.constant 0 : i32
          %dma_wait3A_504 = arith.constant 0 : i32
          %dma_wait3A_505 = arith.constant 0 : i32
          %dma_wait3A_506 = arith.constant 0 : i32
          %dma_wait3A_507 = arith.constant 0 : i32
          %dma_wait3A_508 = tpu.memref_slice %arg10[%dma_wait3A_504, %dma_wait3A_505, %dma_wait3A_506, %dma_wait3A_507] : memref<2x8x8x128xf32, #tpu.memory_space<vmem>> -> memref<1x1x8x128xf32, #tpu.memory_space<vmem>>
          %dma_wait3A_509 = tpu.memref_squeeze %dma_wait3A_508 : memref<1x1x8x128xf32, #tpu.memory_space<vmem>> -> memref<8x128xf32, #tpu.memory_space<vmem>>
          %dma_wait3A_510 = arith.constant 0 : i32
          %dma_wait3A_511 = arith.constant 0 : i32
          %dma_wait3A_512 = tpu.memref_slice %arg2[%dma_wait3A_503, %dma_wait3A_510, %dma_wait3A_511] : memref<8x8x500001xf32, #tpu.memory_space<hbm>> -> memref<1x8x128xf32, #tpu.memory_space<hbm>>
          %dma_wait3A_513 = tpu.memref_squeeze %dma_wait3A_512 : memref<1x8x128xf32, #tpu.memory_space<hbm>> -> memref<8x128xf32, #tpu.memory_space<hbm>>
          %dma_wait3A_514 = arith.constant 0 : i32
          %dma_wait3A_515 = arith.constant 0 : i32
          %dma_wait3A_516 = tpu.memref_slice %arg10[%dma_wait3A_504, %dma_wait3A_505, %dma_wait3A_514, %dma_wait3A_515] : memref<2x8x8x128xf32, #tpu.memory_space<vmem>> -> memref<1x1x8x128xf32, #tpu.memory_space<vmem>>
          %dma_wait3A_517 = tpu.memref_squeeze %dma_wait3A_516 : memref<1x1x8x128xf32, #tpu.memory_space<vmem>> -> memref<8x128xf32, #tpu.memory_space<vmem>>
          %dma_wait3A_518 = arith.constant 0 : i32
          %dma_wait3A_519 = arith.constant 0 : i32
          %dma_wait3A_520 = tpu.memref_slice %arg2[%dma_wait3A_503, %dma_wait3A_518, %dma_wait3A_519] : memref<8x8x500001xf32, #tpu.memory_space<hbm>> -> memref<1x8x128xf32, #tpu.memory_space<hbm>>
          %dma_wait3A_521 = tpu.memref_squeeze %dma_wait3A_520 : memref<1x8x128xf32, #tpu.memory_space<hbm>> -> memref<8x128xf32, #tpu.memory_space<hbm>>
          tpu.wait_dma2 semaphore(%arg13 : memref<!tpu.dma_semaphore, #tpu.memory_space<semaphore_mem>>) src(%dma_wait3A_521 : memref<8x128xf32, #tpu.memory_space<hbm>>) dst(%dma_wait3A_517 : memref<8x128xf32, #tpu.memory_space<vmem>>)
          %dma_wait3A_522 = arith.constant 1 : i32
          %dma_wait3A_523 = arith.constant 0 : i32
          %dma_wait3A_524 = arith.constant 1 : i32
          %dma_wait3A_525 = arith.constant 0 : i32
          %dma_wait3A_526 = arith.constant 0 : i32
          %dma_wait3A_527 = tpu.memref_slice %arg10[%dma_wait3A_523, %dma_wait3A_524, %dma_wait3A_525, %dma_wait3A_526] : memref<2x8x8x128xf32, #tpu.memory_space<vmem>> -> memref<1x1x8x128xf32, #tpu.memory_space<vmem>>
          %dma_wait3A_528 = tpu.memref_squeeze %dma_wait3A_527 : memref<1x1x8x128xf32, #tpu.memory_space<vmem>> -> memref<8x128xf32, #tpu.memory_space<vmem>>
          %dma_wait3A_529 = arith.constant 0 : i32
          %dma_wait3A_530 = arith.constant 0 : i32
          %dma_wait3A_531 = tpu.memref_slice %arg2[%dma_wait3A_522, %dma_wait3A_529, %dma_wait3A_530] : memref<8x8x500001xf32, #tpu.memory_space<hbm>> -> memref<1x8x128xf32, #tpu.memory_space<hbm>>
          %dma_wait3A_532 = tpu.memref_squeeze %dma_wait3A_531 : memref<1x8x128xf32, #tpu.memory_space<hbm>> -> memref<8x128xf32, #tpu.memory_space<hbm>>
          %dma_wait3A_533 = arith.constant 0 : i32
          %dma_wait3A_534 = arith.constant 0 : i32
          %dma_wait3A_535 = tpu.memref_slice %arg10[%dma_wait3A_523, %dma_wait3A_524, %dma_wait3A_533, %dma_wait3A_534] : memref<2x8x8x128xf32, #tpu.memory_space<vmem>> -> memref<1x1x8x128xf32, #tpu.memory_space<vmem>>
          %dma_wait3A_536 = tpu.memref_squeeze %dma_wait3A_535 : memref<1x1x8x128xf32, #tpu.memory_space<vmem>> -> memref<8x128xf32, #tpu.memory_space<vmem>>
          %dma_wait3A_537 = arith.constant 0 : i32
          %dma_wait3A_538 = arith.constant 0 : i32
          %dma_wait3A_539 = tpu.memref_slice %arg2[%dma_wait3A_522, %dma_wait3A_537, %dma_wait3A_538] : memref<8x8x500001xf32, #tpu.memory_space<hbm>> -> memref<1x8x128xf32, #tpu.memory_space<hbm>>
          %dma_wait3A_540 = tpu.memref_squeeze %dma_wait3A_539 : memref<1x8x128xf32, #tpu.memory_space<hbm>> -> memref<8x128xf32, #tpu.memory_space<hbm>>
          tpu.wait_dma2 semaphore(%arg13 : memref<!tpu.dma_semaphore, #tpu.memory_space<semaphore_mem>>) src(%dma_wait3A_540 : memref<8x128xf32, #tpu.memory_space<hbm>>) dst(%dma_wait3A_536 : memref<8x128xf32, #tpu.memory_space<vmem>>)
          %dma_wait3A_541 = arith.constant 2 : i32
          %dma_wait3A_542 = arith.constant 0 : i32
          %dma_wait3A_543 = arith.constant 2 : i32
          %dma_wait3A_544 = arith.constant 0 : i32
          %dma_wait3A_545 = arith.constant 0 : i32
          %dma_wait3A_546 = tpu.memref_slice %arg10[%dma_wait3A_542, %dma_wait3A_543, %dma_wait3A_544, %dma_wait3A_545] : memref<2x8x8x128xf32, #tpu.memory_space<vmem>> -> memref<1x1x8x128xf32, #tpu.memory_space<vmem>>
          %dma_wait3A_547 = tpu.memref_squeeze %dma_wait3A_546 : memref<1x1x8x128xf32, #tpu.memory_space<vmem>> -> memref<8x128xf32, #tpu.memory_space<vmem>>
          %dma_wait3A_548 = arith.constant 0 : i32
          %dma_wait3A_549 = arith.constant 0 : i32
          %dma_wait3A_550 = tpu.memref_slice %arg2[%dma_wait3A_541, %dma_wait3A_548, %dma_wait3A_549] : memref<8x8x500001xf32, #tpu.memory_space<hbm>> -> memref<1x8x128xf32, #tpu.memory_space<hbm>>
          %dma_wait3A_551 = tpu.memref_squeeze %dma_wait3A_550 : memref<1x8x128xf32, #tpu.memory_space<hbm>> -> memref<8x128xf32, #tpu.memory_space<hbm>>
          %dma_wait3A_552 = arith.constant 0 : i32
          %dma_wait3A_553 = arith.constant 0 : i32
          %dma_wait3A_554 = tpu.memref_slice %arg10[%dma_wait3A_542, %dma_wait3A_543, %dma_wait3A_552, %dma_wait3A_553] : memref<2x8x8x128xf32, #tpu.memory_space<vmem>> -> memref<1x1x8x128xf32, #tpu.memory_space<vmem>>
          %dma_wait3A_555 = tpu.memref_squeeze %dma_wait3A_554 : memref<1x1x8x128xf32, #tpu.memory_space<vmem>> -> memref<8x128xf32, #tpu.memory_space<vmem>>
          %dma_wait3A_556 = arith.constant 0 : i32
          %dma_wait3A_557 = arith.constant 0 : i32
          %dma_wait3A_558 = tpu.memref_slice %arg2[%dma_wait3A_541, %dma_wait3A_556, %dma_wait3A_557] : memref<8x8x500001xf32, #tpu.memory_space<hbm>> -> memref<1x8x128xf32, #tpu.memory_space<hbm>>
          %dma_wait3A_559 = tpu.memref_squeeze %dma_wait3A_558 : memref<1x8x128xf32, #tpu.memory_space<hbm>> -> memref<8x128xf32, #tpu.memory_space<hbm>>
          tpu.wait_dma2 semaphore(%arg13 : memref<!tpu.dma_semaphore, #tpu.memory_space<semaphore_mem>>) src(%dma_wait3A_559 : memref<8x128xf32, #tpu.memory_space<hbm>>) dst(%dma_wait3A_555 : memref<8x128xf32, #tpu.memory_space<vmem>>)
          %dma_wait3A_560 = arith.constant 3 : i32
          %dma_wait3A_561 = arith.constant 0 : i32
          %dma_wait3A_562 = arith.constant 3 : i32
          %dma_wait3A_563 = arith.constant 0 : i32
          %dma_wait3A_564 = arith.constant 0 : i32
          %dma_wait3A_565 = tpu.memref_slice %arg10[%dma_wait3A_561, %dma_wait3A_562, %dma_wait3A_563, %dma_wait3A_564] : memref<2x8x8x128xf32, #tpu.memory_space<vmem>> -> memref<1x1x8x128xf32, #tpu.memory_space<vmem>>
          %dma_wait3A_566 = tpu.memref_squeeze %dma_wait3A_565 : memref<1x1x8x128xf32, #tpu.memory_space<vmem>> -> memref<8x128xf32, #tpu.memory_space<vmem>>
          %dma_wait3A_567 = arith.constant 0 : i32
          %dma_wait3A_568 = arith.constant 0 : i32
          %dma_wait3A_569 = tpu.memref_slice %arg2[%dma_wait3A_560, %dma_wait3A_567, %dma_wait3A_568] : memref<8x8x500001xf32, #tpu.memory_space<hbm>> -> memref<1x8x128xf32, #tpu.memory_space<hbm>>
          %dma_wait3A_570 = tpu.memref_squeeze %dma_wait3A_569 : memref<1x8x128xf32, #tpu.memory_space<hbm>> -> memref<8x128xf32, #tpu.memory_space<hbm>>
          %dma_wait3A_571 = arith.constant 0 : i32
          %dma_wait3A_572 = arith.constant 0 : i32
          %dma_wait3A_573 = tpu.memref_slice %arg10[%dma_wait3A_561, %dma_wait3A_562, %dma_wait3A_571, %dma_wait3A_572] : memref<2x8x8x128xf32, #tpu.memory_space<vmem>> -> memref<1x1x8x128xf32, #tpu.memory_space<vmem>>
          %dma_wait3A_574 = tpu.memref_squeeze %dma_wait3A_573 : memref<1x1x8x128xf32, #tpu.memory_space<vmem>> -> memref<8x128xf32, #tpu.memory_space<vmem>>
          %dma_wait3A_575 = arith.constant 0 : i32
          %dma_wait3A_576 = arith.constant 0 : i32
          %dma_wait3A_577 = tpu.memref_slice %arg2[%dma_wait3A_560, %dma_wait3A_575, %dma_wait3A_576] : memref<8x8x500001xf32, #tpu.memory_space<hbm>> -> memref<1x8x128xf32, #tpu.memory_space<hbm>>
          %dma_wait3A_578 = tpu.memref_squeeze %dma_wait3A_577 : memref<1x8x128xf32, #tpu.memory_space<hbm>> -> memref<8x128xf32, #tpu.memory_space<hbm>>
          tpu.wait_dma2 semaphore(%arg13 : memref<!tpu.dma_semaphore, #tpu.memory_space<semaphore_mem>>) src(%dma_wait3A_578 : memref<8x128xf32, #tpu.memory_space<hbm>>) dst(%dma_wait3A_574 : memref<8x128xf32, #tpu.memory_space<vmem>>)
          %dma_wait3A_579 = arith.constant 4 : i32
          %dma_wait3A_580 = arith.constant 0 : i32
          %dma_wait3A_581 = arith.constant 4 : i32
          %dma_wait3A_582 = arith.constant 0 : i32
          %dma_wait3A_583 = arith.constant 0 : i32
          %dma_wait3A_584 = tpu.memref_slice %arg10[%dma_wait3A_580, %dma_wait3A_581, %dma_wait3A_582, %dma_wait3A_583] : memref<2x8x8x128xf32, #tpu.memory_space<vmem>> -> memref<1x1x8x128xf32, #tpu.memory_space<vmem>>
          %dma_wait3A_585 = tpu.memref_squeeze %dma_wait3A_584 : memref<1x1x8x128xf32, #tpu.memory_space<vmem>> -> memref<8x128xf32, #tpu.memory_space<vmem>>
          %dma_wait3A_586 = arith.constant 0 : i32
          %dma_wait3A_587 = arith.constant 0 : i32
          %dma_wait3A_588 = tpu.memref_slice %arg2[%dma_wait3A_579, %dma_wait3A_586, %dma_wait3A_587] : memref<8x8x500001xf32, #tpu.memory_space<hbm>> -> memref<1x8x128xf32, #tpu.memory_space<hbm>>
          %dma_wait3A_589 = tpu.memref_squeeze %dma_wait3A_588 : memref<1x8x128xf32, #tpu.memory_space<hbm>> -> memref<8x128xf32, #tpu.memory_space<hbm>>
          %dma_wait3A_590 = arith.constant 0 : i32
          %dma_wait3A_591 = arith.constant 0 : i32
          %dma_wait3A_592 = tpu.memref_slice %arg10[%dma_wait3A_580, %dma_wait3A_581, %dma_wait3A_590, %dma_wait3A_591] : memref<2x8x8x128xf32, #tpu.memory_space<vmem>> -> memref<1x1x8x128xf32, #tpu.memory_space<vmem>>
          %dma_wait3A_593 = tpu.memref_squeeze %dma_wait3A_592 : memref<1x1x8x128xf32, #tpu.memory_space<vmem>> -> memref<8x128xf32, #tpu.memory_space<vmem>>
          %dma_wait3A_594 = arith.constant 0 : i32
          %dma_wait3A_595 = arith.constant 0 : i32
          %dma_wait3A_596 = tpu.memref_slice %arg2[%dma_wait3A_579, %dma_wait3A_594, %dma_wait3A_595] : memref<8x8x500001xf32, #tpu.memory_space<hbm>> -> memref<1x8x128xf32, #tpu.memory_space<hbm>>
          %dma_wait3A_597 = tpu.memref_squeeze %dma_wait3A_596 : memref<1x8x128xf32, #tpu.memory_space<hbm>> -> memref<8x128xf32, #tpu.memory_space<hbm>>
          tpu.wait_dma2 semaphore(%arg13 : memref<!tpu.dma_semaphore, #tpu.memory_space<semaphore_mem>>) src(%dma_wait3A_597 : memref<8x128xf32, #tpu.memory_space<hbm>>) dst(%dma_wait3A_593 : memref<8x128xf32, #tpu.memory_space<vmem>>)
          %dma_wait3A_598 = arith.constant 5 : i32
          %dma_wait3A_599 = arith.constant 0 : i32
          %dma_wait3A_600 = arith.constant 5 : i32
          %dma_wait3A_601 = arith.constant 0 : i32
          %dma_wait3A_602 = arith.constant 0 : i32
          %dma_wait3A_603 = tpu.memref_slice %arg10[%dma_wait3A_599, %dma_wait3A_600, %dma_wait3A_601, %dma_wait3A_602] : memref<2x8x8x128xf32, #tpu.memory_space<vmem>> -> memref<1x1x8x128xf32, #tpu.memory_space<vmem>>
          %dma_wait3A_604 = tpu.memref_squeeze %dma_wait3A_603 : memref<1x1x8x128xf32, #tpu.memory_space<vmem>> -> memref<8x128xf32, #tpu.memory_space<vmem>>
          %dma_wait3A_605 = arith.constant 0 : i32
          %dma_wait3A_606 = arith.constant 0 : i32
          %dma_wait3A_607 = tpu.memref_slice %arg2[%dma_wait3A_598, %dma_wait3A_605, %dma_wait3A_606] : memref<8x8x500001xf32, #tpu.memory_space<hbm>> -> memref<1x8x128xf32, #tpu.memory_space<hbm>>
          %dma_wait3A_608 = tpu.memref_squeeze %dma_wait3A_607 : memref<1x8x128xf32, #tpu.memory_space<hbm>> -> memref<8x128xf32, #tpu.memory_space<hbm>>
          %dma_wait3A_609 = arith.constant 0 : i32
          %dma_wait3A_610 = arith.constant 0 : i32
          %dma_wait3A_611 = tpu.memref_slice %arg10[%dma_wait3A_599, %dma_wait3A_600, %dma_wait3A_609, %dma_wait3A_610] : memref<2x8x8x128xf32, #tpu.memory_space<vmem>> -> memref<1x1x8x128xf32, #tpu.memory_space<vmem>>
          %dma_wait3A_612 = tpu.memref_squeeze %dma_wait3A_611 : memref<1x1x8x128xf32, #tpu.memory_space<vmem>> -> memref<8x128xf32, #tpu.memory_space<vmem>>
          %dma_wait3A_613 = arith.constant 0 : i32
          %dma_wait3A_614 = arith.constant 0 : i32
          %dma_wait3A_615 = tpu.memref_slice %arg2[%dma_wait3A_598, %dma_wait3A_613, %dma_wait3A_614] : memref<8x8x500001xf32, #tpu.memory_space<hbm>> -> memref<1x8x128xf32, #tpu.memory_space<hbm>>
          %dma_wait3A_616 = tpu.memref_squeeze %dma_wait3A_615 : memref<1x8x128xf32, #tpu.memory_space<hbm>> -> memref<8x128xf32, #tpu.memory_space<hbm>>
          tpu.wait_dma2 semaphore(%arg13 : memref<!tpu.dma_semaphore, #tpu.memory_space<semaphore_mem>>) src(%dma_wait3A_616 : memref<8x128xf32, #tpu.memory_space<hbm>>) dst(%dma_wait3A_612 : memref<8x128xf32, #tpu.memory_space<vmem>>)
          %dma_wait3A_617 = arith.constant 6 : i32
          %dma_wait3A_618 = arith.constant 0 : i32
          %dma_wait3A_619 = arith.constant 6 : i32
          %dma_wait3A_620 = arith.constant 0 : i32
          %dma_wait3A_621 = arith.constant 0 : i32
          %dma_wait3A_622 = tpu.memref_slice %arg10[%dma_wait3A_618, %dma_wait3A_619, %dma_wait3A_620, %dma_wait3A_621] : memref<2x8x8x128xf32, #tpu.memory_space<vmem>> -> memref<1x1x8x128xf32, #tpu.memory_space<vmem>>
          %dma_wait3A_623 = tpu.memref_squeeze %dma_wait3A_622 : memref<1x1x8x128xf32, #tpu.memory_space<vmem>> -> memref<8x128xf32, #tpu.memory_space<vmem>>
          %dma_wait3A_624 = arith.constant 0 : i32
          %dma_wait3A_625 = arith.constant 0 : i32
          %dma_wait3A_626 = tpu.memref_slice %arg2[%dma_wait3A_617, %dma_wait3A_624, %dma_wait3A_625] : memref<8x8x500001xf32, #tpu.memory_space<hbm>> -> memref<1x8x128xf32, #tpu.memory_space<hbm>>
          %dma_wait3A_627 = tpu.memref_squeeze %dma_wait3A_626 : memref<1x8x128xf32, #tpu.memory_space<hbm>> -> memref<8x128xf32, #tpu.memory_space<hbm>>
          %dma_wait3A_628 = arith.constant 0 : i32
          %dma_wait3A_629 = arith.constant 0 : i32
          %dma_wait3A_630 = tpu.memref_slice %arg10[%dma_wait3A_618, %dma_wait3A_619, %dma_wait3A_628, %dma_wait3A_629] : memref<2x8x8x128xf32, #tpu.memory_space<vmem>> -> memref<1x1x8x128xf32, #tpu.memory_space<vmem>>
          %dma_wait3A_631 = tpu.memref_squeeze %dma_wait3A_630 : memref<1x1x8x128xf32, #tpu.memory_space<vmem>> -> memref<8x128xf32, #tpu.memory_space<vmem>>
          %dma_wait3A_632 = arith.constant 0 : i32
          %dma_wait3A_633 = arith.constant 0 : i32
          %dma_wait3A_634 = tpu.memref_slice %arg2[%dma_wait3A_617, %dma_wait3A_632, %dma_wait3A_633] : memref<8x8x500001xf32, #tpu.memory_space<hbm>> -> memref<1x8x128xf32, #tpu.memory_space<hbm>>
          %dma_wait3A_635 = tpu.memref_squeeze %dma_wait3A_634 : memref<1x8x128xf32, #tpu.memory_space<hbm>> -> memref<8x128xf32, #tpu.memory_space<hbm>>
          tpu.wait_dma2 semaphore(%arg13 : memref<!tpu.dma_semaphore, #tpu.memory_space<semaphore_mem>>) src(%dma_wait3A_635 : memref<8x128xf32, #tpu.memory_space<hbm>>) dst(%dma_wait3A_631 : memref<8x128xf32, #tpu.memory_space<vmem>>)
          %dma_wait3A_636 = arith.constant 7 : i32
          %dma_wait3A_637 = arith.constant 0 : i32
          %dma_wait3A_638 = arith.constant 7 : i32
          %dma_wait3A_639 = arith.constant 0 : i32
          %dma_wait3A_640 = arith.constant 0 : i32
          %dma_wait3A_641 = tpu.memref_slice %arg10[%dma_wait3A_637, %dma_wait3A_638, %dma_wait3A_639, %dma_wait3A_640] : memref<2x8x8x128xf32, #tpu.memory_space<vmem>> -> memref<1x1x8x128xf32, #tpu.memory_space<vmem>>
          %dma_wait3A_642 = tpu.memref_squeeze %dma_wait3A_641 : memref<1x1x8x128xf32, #tpu.memory_space<vmem>> -> memref<8x128xf32, #tpu.memory_space<vmem>>
          %dma_wait3A_643 = arith.constant 0 : i32
          %dma_wait3A_644 = arith.constant 0 : i32
          %dma_wait3A_645 = tpu.memref_slice %arg2[%dma_wait3A_636, %dma_wait3A_643, %dma_wait3A_644] : memref<8x8x500001xf32, #tpu.memory_space<hbm>> -> memref<1x8x128xf32, #tpu.memory_space<hbm>>
          %dma_wait3A_646 = tpu.memref_squeeze %dma_wait3A_645 : memref<1x8x128xf32, #tpu.memory_space<hbm>> -> memref<8x128xf32, #tpu.memory_space<hbm>>
          %dma_wait3A_647 = arith.constant 0 : i32
          %dma_wait3A_648 = arith.constant 0 : i32
          %dma_wait3A_649 = tpu.memref_slice %arg10[%dma_wait3A_637, %dma_wait3A_638, %dma_wait3A_647, %dma_wait3A_648] : memref<2x8x8x128xf32, #tpu.memory_space<vmem>> -> memref<1x1x8x128xf32, #tpu.memory_space<vmem>>
          %dma_wait3A_650 = tpu.memref_squeeze %dma_wait3A_649 : memref<1x1x8x128xf32, #tpu.memory_space<vmem>> -> memref<8x128xf32, #tpu.memory_space<vmem>>
          %dma_wait3A_651 = arith.constant 0 : i32
          %dma_wait3A_652 = arith.constant 0 : i32
          %dma_wait3A_653 = tpu.memref_slice %arg2[%dma_wait3A_636, %dma_wait3A_651, %dma_wait3A_652] : memref<8x8x500001xf32, #tpu.memory_space<hbm>> -> memref<1x8x128xf32, #tpu.memory_space<hbm>>
          %dma_wait3A_654 = tpu.memref_squeeze %dma_wait3A_653 : memref<1x8x128xf32, #tpu.memory_space<hbm>> -> memref<8x128xf32, #tpu.memory_space<hbm>>
          tpu.wait_dma2 semaphore(%arg13 : memref<!tpu.dma_semaphore, #tpu.memory_space<semaphore_mem>>) src(%dma_wait3A_654 : memref<8x128xf32, #tpu.memory_space<hbm>>) dst(%dma_wait3A_650 : memref<8x128xf32, #tpu.memory_space<vmem>>)
          %add3A_655 = arith.constant 1 : i32
          %add3A_656 = arith.addi %scan3A_492, %add3A_655 : i32
          %lt3A_657 = arith.constant 123 : i32
          %lt3A_658 = arith.cmpi slt, %add3A_656, %lt3A_657 : i32
          %convert_element_type3A_659 = arith.extui %lt3A_658 : i1 to i32
          %cond3A_660 = arith.constant 0 : i32
          %cond3A_661 = arith.cmpi ne, %convert_element_type3A_659, %cond3A_660 : i32
          scf.if %cond3A_661 {
            %add3A_679 = arith.constant 1 : i32
            %add3A_680 = arith.addi %scan3A_492, %add3A_679 : i32
            %sub3A_681 = arith.constant 1 : i32
            %sub3A_682 = arith.subi %sub3A_681, %select_n3A_502 : i32
            %mul3A_683 = arith.constant 128 : i32
            %mul3A_684 = arith.muli %add3A_680, %mul3A_683 : i32
            %min3A_685 = arith.minsi %mul3A_684, %sub3A_3 : i32
            %add3A_686 = arith.addi %mul3A_2, %min3A_685 : i32
            %dma_start3A_687 = arith.constant 0 : i32
            %dma_start3A_688 = arith.constant 0 : i32
            %dma_start3A_689 = arith.constant 0 : i32
            %dma_start3A_690 = arith.constant 0 : i32
            %dma_start3A_691 = tpu.memref_slice %arg10[%sub3A_682, %dma_start3A_688, %dma_start3A_689, %dma_start3A_690] : memref<2x8x8x128xf32, #tpu.memory_space<vmem>> -> memref<1x1x8x128xf32, #tpu.memory_space<vmem>>
            %dma_start3A_692 = tpu.memref_squeeze %dma_start3A_691 : memref<1x1x8x128xf32, #tpu.memory_space<vmem>> -> memref<8x128xf32, #tpu.memory_space<vmem>>
            %dma_start3A_693 = arith.constant 0 : i32
            %dma_start3A_694 = tpu.memref_slice %arg2[%dma_start3A_687, %dma_start3A_693, %add3A_686] : memref<8x8x500001xf32, #tpu.memory_space<hbm>> -> memref<1x8x128xf32, #tpu.memory_space<hbm>>
            %dma_start3A_695 = tpu.memref_squeeze %dma_start3A_694 : memref<1x8x128xf32, #tpu.memory_space<hbm>> -> memref<8x128xf32, #tpu.memory_space<hbm>>
            %dma_start3A_696 = arith.constant 0 : i32
            %dma_start3A_697 = arith.constant 0 : i32
            %dma_start3A_698 = tpu.memref_slice %arg10[%sub3A_682, %dma_start3A_688, %dma_start3A_696, %dma_start3A_697] : memref<2x8x8x128xf32, #tpu.memory_space<vmem>> -> memref<1x1x8x128xf32, #tpu.memory_space<vmem>>
            %dma_start3A_699 = tpu.memref_squeeze %dma_start3A_698 : memref<1x1x8x128xf32, #tpu.memory_space<vmem>> -> memref<8x128xf32, #tpu.memory_space<vmem>>
            %dma_start3A_700 = arith.constant 0 : i32
            %dma_start3A_701 = tpu.memref_slice %arg2[%dma_start3A_687, %dma_start3A_700, %add3A_686] : memref<8x8x500001xf32, #tpu.memory_space<hbm>> -> memref<1x8x128xf32, #tpu.memory_space<hbm>>
            %dma_start3A_702 = tpu.memref_squeeze %dma_start3A_701 : memref<1x8x128xf32, #tpu.memory_space<hbm>> -> memref<8x128xf32, #tpu.memory_space<hbm>>
            tpu.enqueue_dma source(%dma_start3A_702 : memref<8x128xf32, #tpu.memory_space<hbm>>) target(%dma_start3A_699 : memref<8x128xf32, #tpu.memory_space<vmem>>) target_semaphore(%arg13 : memref<!tpu.dma_semaphore, #tpu.memory_space<semaphore_mem>>)
            %dma_start3A_703 = arith.constant 1 : i32
            %dma_start3A_704 = arith.constant 1 : i32
            %dma_start3A_705 = arith.constant 0 : i32
            %dma_start3A_706 = arith.constant 0 : i32
            %dma_start3A_707 = tpu.memref_slice %arg10[%sub3A_682, %dma_start3A_704, %dma_start3A_705, %dma_start3A_706] : memref<2x8x8x128xf32, #tpu.memory_space<vmem>> -> memref<1x1x8x128xf32, #tpu.memory_space<vmem>>
            %dma_start3A_708 = tpu.memref_squeeze %dma_start3A_707 : memref<1x1x8x128xf32, #tpu.memory_space<vmem>> -> memref<8x128xf32, #tpu.memory_space<vmem>>
            %dma_start3A_709 = arith.constant 0 : i32
            %dma_start3A_710 = tpu.memref_slice %arg2[%dma_start3A_703, %dma_start3A_709, %add3A_686] : memref<8x8x500001xf32, #tpu.memory_space<hbm>> -> memref<1x8x128xf32, #tpu.memory_space<hbm>>
            %dma_start3A_711 = tpu.memref_squeeze %dma_start3A_710 : memref<1x8x128xf32, #tpu.memory_space<hbm>> -> memref<8x128xf32, #tpu.memory_space<hbm>>
            %dma_start3A_712 = arith.constant 0 : i32
            %dma_start3A_713 = arith.constant 0 : i32
            %dma_start3A_714 = tpu.memref_slice %arg10[%sub3A_682, %dma_start3A_704, %dma_start3A_712, %dma_start3A_713] : memref<2x8x8x128xf32, #tpu.memory_space<vmem>> -> memref<1x1x8x128xf32, #tpu.memory_space<vmem>>
            %dma_start3A_715 = tpu.memref_squeeze %dma_start3A_714 : memref<1x1x8x128xf32, #tpu.memory_space<vmem>> -> memref<8x128xf32, #tpu.memory_space<vmem>>
            %dma_start3A_716 = arith.constant 0 : i32
            %dma_start3A_717 = tpu.memref_slice %arg2[%dma_start3A_703, %dma_start3A_716, %add3A_686] : memref<8x8x500001xf32, #tpu.memory_space<hbm>> -> memref<1x8x128xf32, #tpu.memory_space<hbm>>
            %dma_start3A_718 = tpu.memref_squeeze %dma_start3A_717 : memref<1x8x128xf32, #tpu.memory_space<hbm>> -> memref<8x128xf32, #tpu.memory_space<hbm>>
            tpu.enqueue_dma source(%dma_start3A_718 : memref<8x128xf32, #tpu.memory_space<hbm>>) target(%dma_start3A_715 : memref<8x128xf32, #tpu.memory_space<vmem>>) target_semaphore(%arg13 : memref<!tpu.dma_semaphore, #tpu.memory_space<semaphore_mem>>)
            %dma_start3A_719 = arith.constant 2 : i32
            %dma_start3A_720 = arith.constant 2 : i32
            %dma_start3A_721 = arith.constant 0 : i32
            %dma_start3A_722 = arith.constant 0 : i32
            %dma_start3A_723 = tpu.memref_slice %arg10[%sub3A_682, %dma_start3A_720, %dma_start3A_721, %dma_start3A_722] : memref<2x8x8x128xf32, #tpu.memory_space<vmem>> -> memref<1x1x8x128xf32, #tpu.memory_space<vmem>>
            %dma_start3A_724 = tpu.memref_squeeze %dma_start3A_723 : memref<1x1x8x128xf32, #tpu.memory_space<vmem>> -> memref<8x128xf32, #tpu.memory_space<vmem>>
            %dma_start3A_725 = arith.constant 0 : i32
            %dma_start3A_726 = tpu.memref_slice %arg2[%dma_start3A_719, %dma_start3A_725, %add3A_686] : memref<8x8x500001xf32, #tpu.memory_space<hbm>> -> memref<1x8x128xf32, #tpu.memory_space<hbm>>
            %dma_start3A_727 = tpu.memref_squeeze %dma_start3A_726 : memref<1x8x128xf32, #tpu.memory_space<hbm>> -> memref<8x128xf32, #tpu.memory_space<hbm>>
            %dma_start3A_728 = arith.constant 0 : i32
            %dma_start3A_729 = arith.constant 0 : i32
            %dma_start3A_730 = tpu.memref_slice %arg10[%sub3A_682, %dma_start3A_720, %dma_start3A_728, %dma_start3A_729] : memref<2x8x8x128xf32, #tpu.memory_space<vmem>> -> memref<1x1x8x128xf32, #tpu.memory_space<vmem>>
            %dma_start3A_731 = tpu.memref_squeeze %dma_start3A_730 : memref<1x1x8x128xf32, #tpu.memory_space<vmem>> -> memref<8x128xf32, #tpu.memory_space<vmem>>
            %dma_start3A_732 = arith.constant 0 : i32
            %dma_start3A_733 = tpu.memref_slice %arg2[%dma_start3A_719, %dma_start3A_732, %add3A_686] : memref<8x8x500001xf32, #tpu.memory_space<hbm>> -> memref<1x8x128xf32, #tpu.memory_space<hbm>>
            %dma_start3A_734 = tpu.memref_squeeze %dma_start3A_733 : memref<1x8x128xf32, #tpu.memory_space<hbm>> -> memref<8x128xf32, #tpu.memory_space<hbm>>
            tpu.enqueue_dma source(%dma_start3A_734 : memref<8x128xf32, #tpu.memory_space<hbm>>) target(%dma_start3A_731 : memref<8x128xf32, #tpu.memory_space<vmem>>) target_semaphore(%arg13 : memref<!tpu.dma_semaphore, #tpu.memory_space<semaphore_mem>>)
            %dma_start3A_735 = arith.constant 3 : i32
            %dma_start3A_736 = arith.constant 3 : i32
            %dma_start3A_737 = arith.constant 0 : i32
            %dma_start3A_738 = arith.constant 0 : i32
            %dma_start3A_739 = tpu.memref_slice %arg10[%sub3A_682, %dma_start3A_736, %dma_start3A_737, %dma_start3A_738] : memref<2x8x8x128xf32, #tpu.memory_space<vmem>> -> memref<1x1x8x128xf32, #tpu.memory_space<vmem>>
            %dma_start3A_740 = tpu.memref_squeeze %dma_start3A_739 : memref<1x1x8x128xf32, #tpu.memory_space<vmem>> -> memref<8x128xf32, #tpu.memory_space<vmem>>
            %dma_start3A_741 = arith.constant 0 : i32
            %dma_start3A_742 = tpu.memref_slice %arg2[%dma_start3A_735, %dma_start3A_741, %add3A_686] : memref<8x8x500001xf32, #tpu.memory_space<hbm>> -> memref<1x8x128xf32, #tpu.memory_space<hbm>>
            %dma_start3A_743 = tpu.memref_squeeze %dma_start3A_742 : memref<1x8x128xf32, #tpu.memory_space<hbm>> -> memref<8x128xf32, #tpu.memory_space<hbm>>
            %dma_start3A_744 = arith.constant 0 : i32
            %dma_start3A_745 = arith.constant 0 : i32
            %dma_start3A_746 = tpu.memref_slice %arg10[%sub3A_682, %dma_start3A_736, %dma_start3A_744, %dma_start3A_745] : memref<2x8x8x128xf32, #tpu.memory_space<vmem>> -> memref<1x1x8x128xf32, #tpu.memory_space<vmem>>
            %dma_start3A_747 = tpu.memref_squeeze %dma_start3A_746 : memref<1x1x8x128xf32, #tpu.memory_space<vmem>> -> memref<8x128xf32, #tpu.memory_space<vmem>>
            %dma_start3A_748 = arith.constant 0 : i32
            %dma_start3A_749 = tpu.memref_slice %arg2[%dma_start3A_735, %dma_start3A_748, %add3A_686] : memref<8x8x500001xf32, #tpu.memory_space<hbm>> -> memref<1x8x128xf32, #tpu.memory_space<hbm>>
            %dma_start3A_750 = tpu.memref_squeeze %dma_start3A_749 : memref<1x8x128xf32, #tpu.memory_space<hbm>> -> memref<8x128xf32, #tpu.memory_space<hbm>>
            tpu.enqueue_dma source(%dma_start3A_750 : memref<8x128xf32, #tpu.memory_space<hbm>>) target(%dma_start3A_747 : memref<8x128xf32, #tpu.memory_space<vmem>>) target_semaphore(%arg13 : memref<!tpu.dma_semaphore, #tpu.memory_space<semaphore_mem>>)
            %dma_start3A_751 = arith.constant 4 : i32
            %dma_start3A_752 = arith.constant 4 : i32
            %dma_start3A_753 = arith.constant 0 : i32
            %dma_start3A_754 = arith.constant 0 : i32
            %dma_start3A_755 = tpu.memref_slice %arg10[%sub3A_682, %dma_start3A_752, %dma_start3A_753, %dma_start3A_754] : memref<2x8x8x128xf32, #tpu.memory_space<vmem>> -> memref<1x1x8x128xf32, #tpu.memory_space<vmem>>
            %dma_start3A_756 = tpu.memref_squeeze %dma_start3A_755 : memref<1x1x8x128xf32, #tpu.memory_space<vmem>> -> memref<8x128xf32, #tpu.memory_space<vmem>>
            %dma_start3A_757 = arith.constant 0 : i32
            %dma_start3A_758 = tpu.memref_slice %arg2[%dma_start3A_751, %dma_start3A_757, %add3A_686] : memref<8x8x500001xf32, #tpu.memory_space<hbm>> -> memref<1x8x128xf32, #tpu.memory_space<hbm>>
            %dma_start3A_759 = tpu.memref_squeeze %dma_start3A_758 : memref<1x8x128xf32, #tpu.memory_space<hbm>> -> memref<8x128xf32, #tpu.memory_space<hbm>>
            %dma_start3A_760 = arith.constant 0 : i32
            %dma_start3A_761 = arith.constant 0 : i32
            %dma_start3A_762 = tpu.memref_slice %arg10[%sub3A_682, %dma_start3A_752, %dma_start3A_760, %dma_start3A_761] : memref<2x8x8x128xf32, #tpu.memory_space<vmem>> -> memref<1x1x8x128xf32, #tpu.memory_space<vmem>>
            %dma_start3A_763 = tpu.memref_squeeze %dma_start3A_762 : memref<1x1x8x128xf32, #tpu.memory_space<vmem>> -> memref<8x128xf32, #tpu.memory_space<vmem>>
            %dma_start3A_764 = arith.constant 0 : i32
            %dma_start3A_765 = tpu.memref_slice %arg2[%dma_start3A_751, %dma_start3A_764, %add3A_686] : memref<8x8x500001xf32, #tpu.memory_space<hbm>> -> memref<1x8x128xf32, #tpu.memory_space<hbm>>
            %dma_start3A_766 = tpu.memref_squeeze %dma_start3A_765 : memref<1x8x128xf32, #tpu.memory_space<hbm>> -> memref<8x128xf32, #tpu.memory_space<hbm>>
            tpu.enqueue_dma source(%dma_start3A_766 : memref<8x128xf32, #tpu.memory_space<hbm>>) target(%dma_start3A_763 : memref<8x128xf32, #tpu.memory_space<vmem>>) target_semaphore(%arg13 : memref<!tpu.dma_semaphore, #tpu.memory_space<semaphore_mem>>)
            %dma_start3A_767 = arith.constant 5 : i32
            %dma_start3A_768 = arith.constant 5 : i32
            %dma_start3A_769 = arith.constant 0 : i32
            %dma_start3A_770 = arith.constant 0 : i32
            %dma_start3A_771 = tpu.memref_slice %arg10[%sub3A_682, %dma_start3A_768, %dma_start3A_769, %dma_start3A_770] : memref<2x8x8x128xf32, #tpu.memory_space<vmem>> -> memref<1x1x8x128xf32, #tpu.memory_space<vmem>>
            %dma_start3A_772 = tpu.memref_squeeze %dma_start3A_771 : memref<1x1x8x128xf32, #tpu.memory_space<vmem>> -> memref<8x128xf32, #tpu.memory_space<vmem>>
            %dma_start3A_773 = arith.constant 0 : i32
            %dma_start3A_774 = tpu.memref_slice %arg2[%dma_start3A_767, %dma_start3A_773, %add3A_686] : memref<8x8x500001xf32, #tpu.memory_space<hbm>> -> memref<1x8x128xf32, #tpu.memory_space<hbm>>
            %dma_start3A_775 = tpu.memref_squeeze %dma_start3A_774 : memref<1x8x128xf32, #tpu.memory_space<hbm>> -> memref<8x128xf32, #tpu.memory_space<hbm>>
            %dma_start3A_776 = arith.constant 0 : i32
            %dma_start3A_777 = arith.constant 0 : i32
            %dma_start3A_778 = tpu.memref_slice %arg10[%sub3A_682, %dma_start3A_768, %dma_start3A_776, %dma_start3A_777] : memref<2x8x8x128xf32, #tpu.memory_space<vmem>> -> memref<1x1x8x128xf32, #tpu.memory_space<vmem>>
            %dma_start3A_779 = tpu.memref_squeeze %dma_start3A_778 : memref<1x1x8x128xf32, #tpu.memory_space<vmem>> -> memref<8x128xf32, #tpu.memory_space<vmem>>
            %dma_start3A_780 = arith.constant 0 : i32
            %dma_start3A_781 = tpu.memref_slice %arg2[%dma_start3A_767, %dma_start3A_780, %add3A_686] : memref<8x8x500001xf32, #tpu.memory_space<hbm>> -> memref<1x8x128xf32, #tpu.memory_space<hbm>>
            %dma_start3A_782 = tpu.memref_squeeze %dma_start3A_781 : memref<1x8x128xf32, #tpu.memory_space<hbm>> -> memref<8x128xf32, #tpu.memory_space<hbm>>
            tpu.enqueue_dma source(%dma_start3A_782 : memref<8x128xf32, #tpu.memory_space<hbm>>) target(%dma_start3A_779 : memref<8x128xf32, #tpu.memory_space<vmem>>) target_semaphore(%arg13 : memref<!tpu.dma_semaphore, #tpu.memory_space<semaphore_mem>>)
            %dma_start3A_783 = arith.constant 6 : i32
            %dma_start3A_784 = arith.constant 6 : i32
            %dma_start3A_785 = arith.constant 0 : i32
            %dma_start3A_786 = arith.constant 0 : i32
            %dma_start3A_787 = tpu.memref_slice %arg10[%sub3A_682, %dma_start3A_784, %dma_start3A_785, %dma_start3A_786] : memref<2x8x8x128xf32, #tpu.memory_space<vmem>> -> memref<1x1x8x128xf32, #tpu.memory_space<vmem>>
            %dma_start3A_788 = tpu.memref_squeeze %dma_start3A_787 : memref<1x1x8x128xf32, #tpu.memory_space<vmem>> -> memref<8x128xf32, #tpu.memory_space<vmem>>
            %dma_start3A_789 = arith.constant 0 : i32
            %dma_start3A_790 = tpu.memref_slice %arg2[%dma_start3A_783, %dma_start3A_789, %add3A_686] : memref<8x8x500001xf32, #tpu.memory_space<hbm>> -> memref<1x8x128xf32, #tpu.memory_space<hbm>>
            %dma_start3A_791 = tpu.memref_squeeze %dma_start3A_790 : memref<1x8x128xf32, #tpu.memory_space<hbm>> -> memref<8x128xf32, #tpu.memory_space<hbm>>
            %dma_start3A_792 = arith.constant 0 : i32
            %dma_start3A_793 = arith.constant 0 : i32
            %dma_start3A_794 = tpu.memref_slice %arg10[%sub3A_682, %dma_start3A_784, %dma_start3A_792, %dma_start3A_793] : memref<2x8x8x128xf32, #tpu.memory_space<vmem>> -> memref<1x1x8x128xf32, #tpu.memory_space<vmem>>
            %dma_start3A_795 = tpu.memref_squeeze %dma_start3A_794 : memref<1x1x8x128xf32, #tpu.memory_space<vmem>> -> memref<8x128xf32, #tpu.memory_space<vmem>>
            %dma_start3A_796 = arith.constant 0 : i32
            %dma_start3A_797 = tpu.memref_slice %arg2[%dma_start3A_783, %dma_start3A_796, %add3A_686] : memref<8x8x500001xf32, #tpu.memory_space<hbm>> -> memref<1x8x128xf32, #tpu.memory_space<hbm>>
            %dma_start3A_798 = tpu.memref_squeeze %dma_start3A_797 : memref<1x8x128xf32, #tpu.memory_space<hbm>> -> memref<8x128xf32, #tpu.memory_space<hbm>>
            tpu.enqueue_dma source(%dma_start3A_798 : memref<8x128xf32, #tpu.memory_space<hbm>>) target(%dma_start3A_795 : memref<8x128xf32, #tpu.memory_space<vmem>>) target_semaphore(%arg13 : memref<!tpu.dma_semaphore, #tpu.memory_space<semaphore_mem>>)
            %dma_start3A_799 = arith.constant 7 : i32
            %dma_start3A_800 = arith.constant 7 : i32
            %dma_start3A_801 = arith.constant 0 : i32
            %dma_start3A_802 = arith.constant 0 : i32
            %dma_start3A_803 = tpu.memref_slice %arg10[%sub3A_682, %dma_start3A_800, %dma_start3A_801, %dma_start3A_802] : memref<2x8x8x128xf32, #tpu.memory_space<vmem>> -> memref<1x1x8x128xf32, #tpu.memory_space<vmem>>
            %dma_start3A_804 = tpu.memref_squeeze %dma_start3A_803 : memref<1x1x8x128xf32, #tpu.memory_space<vmem>> -> memref<8x128xf32, #tpu.memory_space<vmem>>
            %dma_start3A_805 = arith.constant 0 : i32
            %dma_start3A_806 = tpu.memref_slice %arg2[%dma_start3A_799, %dma_start3A_805, %add3A_686] : memref<8x8x500001xf32, #tpu.memory_space<hbm>> -> memref<1x8x128xf32, #tpu.memory_space<hbm>>
            %dma_start3A_807 = tpu.memref_squeeze %dma_start3A_806 : memref<1x8x128xf32, #tpu.memory_space<hbm>> -> memref<8x128xf32, #tpu.memory_space<hbm>>
            %dma_start3A_808 = arith.constant 0 : i32
            %dma_start3A_809 = arith.constant 0 : i32
            %dma_start3A_810 = tpu.memref_slice %arg10[%sub3A_682, %dma_start3A_800, %dma_start3A_808, %dma_start3A_809] : memref<2x8x8x128xf32, #tpu.memory_space<vmem>> -> memref<1x1x8x128xf32, #tpu.memory_space<vmem>>
            %dma_start3A_811 = tpu.memref_squeeze %dma_start3A_810 : memref<1x1x8x128xf32, #tpu.memory_space<vmem>> -> memref<8x128xf32, #tpu.memory_space<vmem>>
            %dma_start3A_812 = arith.constant 0 : i32
            %dma_start3A_813 = tpu.memref_slice %arg2[%dma_start3A_799, %dma_start3A_812, %add3A_686] : memref<8x8x500001xf32, #tpu.memory_space<hbm>> -> memref<1x8x128xf32, #tpu.memory_space<hbm>>
            %dma_start3A_814 = tpu.memref_squeeze %dma_start3A_813 : memref<1x8x128xf32, #tpu.memory_space<hbm>> -> memref<8x128xf32, #tpu.memory_space<hbm>>
            tpu.enqueue_dma source(%dma_start3A_814 : memref<8x128xf32, #tpu.memory_space<hbm>>) target(%dma_start3A_811 : memref<8x128xf32, #tpu.memory_space<vmem>>) target_semaphore(%arg13 : memref<!tpu.dma_semaphore, #tpu.memory_space<semaphore_mem>>)
          } else {
          }
          %mul3A_662 = arith.constant 128 : i32
          %mul3A_663 = arith.muli %scan3A_492, %mul3A_662 : i32
          %min3A_664 = arith.minsi %mul3A_663, %sub3A_3 : i32
          %scan3A_665 = arith.constant 0 : i32
          %scan3A_666 = arith.constant 0 : i32
          %scan3A_667 = arith.constant 36 : i32
          %scan3A_668 = arith.addi %scan3A_666, %scan3A_667 : i32
          %scan3A_669 = arith.constant 1 : i32
          %scan3A_670 = scf.for %scan3A_679 = %scan3A_666 to %scan3A_668 step %scan3A_669 iter_args(%scan3A_680 = %scan3A_665) -> (i32)  : i32 {
            %mul3A_681 = arith.constant 576 : i32
            %mul3A_682 = arith.muli %scan3A_16, %mul3A_681 : i32
            %mul3A_683 = arith.constant 16 : i32
            %mul3A_684 = arith.muli %scan3A_679, %mul3A_683 : i32
            %add3A_685 = arith.addi %mul3A_682, %mul3A_684 : i32
            %get3A = arith.index_cast %add3A_685 : i32 to index
            %get3A_686 = tpu.vector_load %arg7[%get3A] {strides = array<i32>} : memref<16400xi32, #tpu.memory_space<vmem>>, vector<16xi32>,
            %shift_right_arithmetic3A = arith.constant 14 : i32
            %shift_right_arithmetic3A_687 = vector.broadcast %shift_right_arithmetic3A : i32 to vector<16xi32>
            %shift_right_arithmetic3A_688 = arith.shrsi %get3A_686, %shift_right_arithmetic3A_687 : vector<16xi32>
            %mul3A_689 = arith.constant 16 : i32
            %mul3A_690 = arith.muli %scan3A_679, %mul3A_689 : i32
            %iota3A = tpu.iota {dimensions = array<i32: 0>} : vector<16xi32>
            %add3A_691 = vector.broadcast %mul3A_690 : i32 to vector<16xi32>
            %add3A_692 = arith.addi %add3A_691, %iota3A : vector<16xi32>
            %lt3A_693 = vector.broadcast %min3A : i32 to vector<16xi32>
            %lt3A_694 = arith.cmpi slt, %add3A_692, %lt3A_693 : vector<16xi32>
            %ge3A = vector.broadcast %min3A_664 : i32 to vector<16xi32>
            %ge3A_695 = arith.cmpi sge, %shift_right_arithmetic3A_688, %ge3A : vector<16xi32>
            %and3A_696 = arith.andi %lt3A_694, %ge3A_695 : vector<16xi1>
            %add3A_697 = arith.constant 128 : i32
            %add3A_698 = arith.addi %min3A_664, %add3A_697 : i32
            %lt3A_699 = vector.broadcast %add3A_698 : i32 to vector<16xi32>
            %lt3A_700 = arith.cmpi slt, %shift_right_arithmetic3A_688, %lt3A_699 : vector<16xi32>
            %and3A_701 = arith.andi %and3A_696, %lt3A_700 : vector<16xi1>
            %convert_element_type3A_702 = arith.extui %and3A_701 : vector<16xi1> to vector<16xi32>
            %broadcast_in_dim3A_703 = arith.constant true
            %broadcast_in_dim3A_704 = vector.broadcast %broadcast_in_dim3A_703 : i1 to vector<16xi1>
            %masked_cumsum3A = tpu.scan <sum>, %convert_element_type3A_702 masked %broadcast_in_dim3A_704 : vector<16xi32>, vector<16xi1> -> vector<16xi32>
            %add3A_705 = vector.broadcast %scan3A_680 : i32 to vector<16xi32>
            %add3A_706 = arith.addi %add3A_705, %masked_cumsum3A : vector<16xi32>
            %sub3A_707 = arith.constant 1 : i32
            %sub3A_708 = vector.broadcast %sub3A_707 : i32 to vector<16xi32>
            %sub3A_709 = arith.subi %add3A_706, %sub3A_708 : vector<16xi32>
            %jit3A_710 = arith.constant 591 : i32
            %broadcast_in_dim3A_711 = vector.broadcast %jit3A_710 : i32 to vector<16xi32>
            %select_n3A_712 = arith.select %and3A_701, %sub3A_709, %broadcast_in_dim3A_711 : vector<16xi1>, vector<16xi32>
            %sub3A_713 = vector.broadcast %min3A_664 : i32 to vector<16xi32>
            %sub3A_714 = arith.subi %shift_right_arithmetic3A_688, %sub3A_713 : vector<16xi32>
            tpu.vector_store_idx %arg8[%select_n3A_712], %sub3A_714 : memref<592xi32, #tpu.memory_space<vmem>>[vector<16xi32>], vector<16xi32>,
            tpu.vector_store_idx %arg9[%select_n3A_712], %add3A_692 : memref<592xi32, #tpu.memory_space<vmem>>[vector<16xi32>], vector<16xi32>,
            %reduce_sum3A = arith.constant true
            %reduce_sum3A_715 = vector.broadcast %reduce_sum3A : i1 to vector<16xi1>
            %reduce_sum3A_716 = tpu.scan <sum>, %convert_element_type3A_702 masked %reduce_sum3A_715 : vector<16xi32>, vector<16xi1> -> vector<16xi32>
            %reduce_sum3A_717 = vector.extract %reduce_sum3A_716[15] : i32 from vector<16xi32>
            %add3A_718 = arith.addi %scan3A_680, %reduce_sum3A_717 : i32
            scf.yield %add3A_718 : i32
          }
          %scan3A_671 = arith.constant 36 : i32
          %broadcast_in_dim3A_672 = vector.broadcast %select_n3A_502 : i32 to vector<16xi32>
          %scan3A_673 = arith.constant 0 : i32
          %scan3A_674 = arith.constant 0 : i32
          %scan3A_675 = arith.constant 36 : i32
          %scan3A_676 = arith.addi %scan3A_674, %scan3A_675 : i32
          %scan3A_677 = arith.constant 1 : i32
          scf.for %scan3A_679 = %scan3A_674 to %scan3A_676 step %scan3A_677  : i32 {
            %mul3A_680 = arith.constant 16 : i32
            %mul3A_681 = arith.muli %scan3A_679, %mul3A_680 : i32
            %lt3A_682 = arith.cmpi slt, %mul3A_681, %scan3A_670 : i32
            %convert_element_type3A_683 = arith.extui %lt3A_682 : i1 to i32
            %cond3A_684 = arith.constant 0 : i32
            %cond3A_685 = arith.cmpi ne, %convert_element_type3A_683, %cond3A_684 : i32
            scf.if %cond3A_685 {
              %mul3A_686 = arith.constant 16 : i32
              %mul3A_687 = arith.muli %scan3A_679, %mul3A_686 : i32
              %get3A = arith.index_cast %mul3A_687 : i32 to index
              %get3A_688 = tpu.vector_load %arg8[%get3A] {strides = array<i32>} : memref<592xi32, #tpu.memory_space<vmem>>, vector<16xi32>,
              %mul3A_689 = arith.constant 16 : i32
              %mul3A_690 = arith.muli %scan3A_679, %mul3A_689 : i32
              %get3A_691 = arith.index_cast %mul3A_690 : i32 to index
              %get3A_692 = tpu.vector_load %arg9[%get3A_691] {strides = array<i32>} : memref<592xi32, #tpu.memory_space<vmem>>, vector<16xi32>,
              %mul3A_693 = arith.constant 16 : i32
              %mul3A_694 = arith.muli %scan3A_679, %mul3A_693 : i32
              %iota3A = tpu.iota {dimensions = array<i32: 0>} : vector<16xi32>
              %add3A_695 = vector.broadcast %mul3A_694 : i32 to vector<16xi32>
              %add3A_696 = arith.addi %add3A_695, %iota3A : vector<16xi32>
              %lt3A_697 = vector.broadcast %scan3A_670 : i32 to vector<16xi32>
              %lt3A_698 = arith.cmpi slt, %add3A_696, %lt3A_697 : vector<16xi32>
              %jit3A_699 = arith.constant 0 : i32
              %broadcast_in_dim3A_700 = vector.broadcast %jit3A_699 : i32 to vector<16xi32>
              %select_n3A_701 = arith.select %lt3A_698, %get3A_688, %broadcast_in_dim3A_700 : vector<16xi1>, vector<16xi32>
              %jit3A_702 = arith.constant 640 : i32
              %broadcast_in_dim3A_703 = vector.broadcast %jit3A_702 : i32 to vector<16xi32>
              %select_n3A_704 = arith.select %lt3A_698, %get3A_692, %broadcast_in_dim3A_703 : vector<16xi1>, vector<16xi32>
              %broadcast_in_dim3A_705 = arith.constant 0 : i32
              %broadcast_in_dim3A_706 = vector.broadcast %broadcast_in_dim3A_705 : i32 to vector<16xi32>
              %broadcast_in_dim3A_707 = arith.constant 0 : i32
              %broadcast_in_dim3A_708 = vector.broadcast %broadcast_in_dim3A_707 : i32 to vector<16xi32>
              %gather3A = tpu.vector_load_idx %arg10[%broadcast_in_dim3A_672, %broadcast_in_dim3A_706, %broadcast_in_dim3A_708, %select_n3A_701] : memref<2x8x8x128xf32, #tpu.memory_space<vmem>>[vector<16xi32>, vector<16xi32>, vector<16xi32>, vector<16xi32>], vector<16xf32>,
              %broadcast_in_dim3A_709 = arith.constant 0 : i32
              %broadcast_in_dim3A_710 = vector.broadcast %broadcast_in_dim3A_709 : i32 to vector<16xi32>
              tpu.vector_store_idx %arg11[%select_n3A_704, %broadcast_in_dim3A_710], %gather3A : memref<704x128xf32, #tpu.memory_space<vmem>>[vector<16xi32>, vector<16xi32>], vector<16xf32>,
              %broadcast_in_dim3A_711 = arith.constant 1 : i32
              %broadcast_in_dim3A_712 = vector.broadcast %broadcast_in_dim3A_711 : i32 to vector<16xi32>
              %gather3A_713 = tpu.vector_load_idx %arg10[%broadcast_in_dim3A_672, %broadcast_in_dim3A_706, %broadcast_in_dim3A_712, %select_n3A_701] : memref<2x8x8x128xf32, #tpu.memory_space<vmem>>[vector<16xi32>, vector<16xi32>, vector<16xi32>, vector<16xi32>], vector<16xf32>,
              %broadcast_in_dim3A_714 = arith.constant 1 : i32
              %broadcast_in_dim3A_715 = vector.broadcast %broadcast_in_dim3A_714 : i32 to vector<16xi32>
              tpu.vector_store_idx %arg11[%select_n3A_704, %broadcast_in_dim3A_715], %gather3A_713 : memref<704x128xf32, #tpu.memory_space<vmem>>[vector<16xi32>, vector<16xi32>], vector<16xf32>,
              %broadcast_in_dim3A_716 = arith.constant 2 : i32
              %broadcast_in_dim3A_717 = vector.broadcast %broadcast_in_dim3A_716 : i32 to vector<16xi32>
              %gather3A_718 = tpu.vector_load_idx %arg10[%broadcast_in_dim3A_672, %broadcast_in_dim3A_706, %broadcast_in_dim3A_717, %select_n3A_701] : memref<2x8x8x128xf32, #tpu.memory_space<vmem>>[vector<16xi32>, vector<16xi32>, vector<16xi32>, vector<16xi32>], vector<16xf32>,
              %broadcast_in_dim3A_719 = arith.constant 2 : i32
              %broadcast_in_dim3A_720 = vector.broadcast %broadcast_in_dim3A_719 : i32 to vector<16xi32>
              tpu.vector_store_idx %arg11[%select_n3A_704, %broadcast_in_dim3A_720], %gather3A_718 : memref<704x128xf32, #tpu.memory_space<vmem>>[vector<16xi32>, vector<16xi32>], vector<16xf32>,
              %broadcast_in_dim3A_721 = arith.constant 3 : i32
              %broadcast_in_dim3A_722 = vector.broadcast %broadcast_in_dim3A_721 : i32 to vector<16xi32>
              %gather3A_723 = tpu.vector_load_idx %arg10[%broadcast_in_dim3A_672, %broadcast_in_dim3A_706, %broadcast_in_dim3A_722, %select_n3A_701] : memref<2x8x8x128xf32, #tpu.memory_space<vmem>>[vector<16xi32>, vector<16xi32>, vector<16xi32>, vector<16xi32>], vector<16xf32>,
              %broadcast_in_dim3A_724 = arith.constant 3 : i32
              %broadcast_in_dim3A_725 = vector.broadcast %broadcast_in_dim3A_724 : i32 to vector<16xi32>
              tpu.vector_store_idx %arg11[%select_n3A_704, %broadcast_in_dim3A_725], %gather3A_723 : memref<704x128xf32, #tpu.memory_space<vmem>>[vector<16xi32>, vector<16xi32>], vector<16xf32>,
              %broadcast_in_dim3A_726 = arith.constant 4 : i32
              %broadcast_in_dim3A_727 = vector.broadcast %broadcast_in_dim3A_726 : i32 to vector<16xi32>
              %gather3A_728 = tpu.vector_load_idx %arg10[%broadcast_in_dim3A_672, %broadcast_in_dim3A_706, %broadcast_in_dim3A_727, %select_n3A_701] : memref<2x8x8x128xf32, #tpu.memory_space<vmem>>[vector<16xi32>, vector<16xi32>, vector<16xi32>, vector<16xi32>], vector<16xf32>,
              %broadcast_in_dim3A_729 = arith.constant 4 : i32
              %broadcast_in_dim3A_730 = vector.broadcast %broadcast_in_dim3A_729 : i32 to vector<16xi32>
              tpu.vector_store_idx %arg11[%select_n3A_704, %broadcast_in_dim3A_730], %gather3A_728 : memref<704x128xf32, #tpu.memory_space<vmem>>[vector<16xi32>, vector<16xi32>], vector<16xf32>,
              %broadcast_in_dim3A_731 = arith.constant 5 : i32
              %broadcast_in_dim3A_732 = vector.broadcast %broadcast_in_dim3A_731 : i32 to vector<16xi32>
              %gather3A_733 = tpu.vector_load_idx %arg10[%broadcast_in_dim3A_672, %broadcast_in_dim3A_706, %broadcast_in_dim3A_732, %select_n3A_701] : memref<2x8x8x128xf32, #tpu.memory_space<vmem>>[vector<16xi32>, vector<16xi32>, vector<16xi32>, vector<16xi32>], vector<16xf32>,
              %broadcast_in_dim3A_734 = arith.constant 5 : i32
              %broadcast_in_dim3A_735 = vector.broadcast %broadcast_in_dim3A_734 : i32 to vector<16xi32>
              tpu.vector_store_idx %arg11[%select_n3A_704, %broadcast_in_dim3A_735], %gather3A_733 : memref<704x128xf32, #tpu.memory_space<vmem>>[vector<16xi32>, vector<16xi32>], vector<16xf32>,
              %broadcast_in_dim3A_736 = arith.constant 6 : i32
              %broadcast_in_dim3A_737 = vector.broadcast %broadcast_in_dim3A_736 : i32 to vector<16xi32>
              %gather3A_738 = tpu.vector_load_idx %arg10[%broadcast_in_dim3A_672, %broadcast_in_dim3A_706, %broadcast_in_dim3A_737, %select_n3A_701] : memref<2x8x8x128xf32, #tpu.memory_space<vmem>>[vector<16xi32>, vector<16xi32>, vector<16xi32>, vector<16xi32>], vector<16xf32>,
              %broadcast_in_dim3A_739 = arith.constant 6 : i32
              %broadcast_in_dim3A_740 = vector.broadcast %broadcast_in_dim3A_739 : i32 to vector<16xi32>
              tpu.vector_store_idx %arg11[%select_n3A_704, %broadcast_in_dim3A_740], %gather3A_738 : memref<704x128xf32, #tpu.memory_space<vmem>>[vector<16xi32>, vector<16xi32>], vector<16xf32>,
              %broadcast_in_dim3A_741 = arith.constant 7 : i32
              %broadcast_in_dim3A_742 = vector.broadcast %broadcast_in_dim3A_741 : i32 to vector<16xi32>
              %gather3A_743 = tpu.vector_load_idx %arg10[%broadcast_in_dim3A_672, %broadcast_in_dim3A_706, %broadcast_in_dim3A_742, %select_n3A_701] : memref<2x8x8x128xf32, #tpu.memory_space<vmem>>[vector<16xi32>, vector<16xi32>, vector<16xi32>, vector<16xi32>], vector<16xf32>,
              %broadcast_in_dim3A_744 = arith.constant 7 : i32
              %broadcast_in_dim3A_745 = vector.broadcast %broadcast_in_dim3A_744 : i32 to vector<16xi32>
              tpu.vector_store_idx %arg11[%select_n3A_704, %broadcast_in_dim3A_745], %gather3A_743 : memref<704x128xf32, #tpu.memory_space<vmem>>[vector<16xi32>, vector<16xi32>], vector<16xf32>,
              %broadcast_in_dim3A_746 = arith.constant 1 : i32
              %broadcast_in_dim3A_747 = vector.broadcast %broadcast_in_dim3A_746 : i32 to vector<16xi32>
              %broadcast_in_dim3A_748 = arith.constant 0 : i32
              %broadcast_in_dim3A_749 = vector.broadcast %broadcast_in_dim3A_748 : i32 to vector<16xi32>
              %gather3A_750 = tpu.vector_load_idx %arg10[%broadcast_in_dim3A_672, %broadcast_in_dim3A_747, %broadcast_in_dim3A_749, %select_n3A_701] : memref<2x8x8x128xf32, #tpu.memory_space<vmem>>[vector<16xi32>, vector<16xi32>, vector<16xi32>, vector<16xi32>], vector<16xf32>,
              %broadcast_in_dim3A_751 = arith.constant 8 : i32
              %broadcast_in_dim3A_752 = vector.broadcast %broadcast_in_dim3A_751 : i32 to vector<16xi32>
              tpu.vector_store_idx %arg11[%select_n3A_704, %broadcast_in_dim3A_752], %gather3A_750 : memref<704x128xf32, #tpu.memory_space<vmem>>[vector<16xi32>, vector<16xi32>], vector<16xf32>,
              %broadcast_in_dim3A_753 = arith.constant 1 : i32
              %broadcast_in_dim3A_754 = vector.broadcast %broadcast_in_dim3A_753 : i32 to vector<16xi32>
              %gather3A_755 = tpu.vector_load_idx %arg10[%broadcast_in_dim3A_672, %broadcast_in_dim3A_747, %broadcast_in_dim3A_754, %select_n3A_701] : memref<2x8x8x128xf32, #tpu.memory_space<vmem>>[vector<16xi32>, vector<16xi32>, vector<16xi32>, vector<16xi32>], vector<16xf32>,
              %broadcast_in_dim3A_756 = arith.constant 9 : i32
              %broadcast_in_dim3A_757 = vector.broadcast %broadcast_in_dim3A_756 : i32 to vector<16xi32>
              tpu.vector_store_idx %arg11[%select_n3A_704, %broadcast_in_dim3A_757], %gather3A_755 : memref<704x128xf32, #tpu.memory_space<vmem>>[vector<16xi32>, vector<16xi32>], vector<16xf32>,
              %broadcast_in_dim3A_758 = arith.constant 2 : i32
              %broadcast_in_dim3A_759 = vector.broadcast %broadcast_in_dim3A_758 : i32 to vector<16xi32>
              %gather3A_760 = tpu.vector_load_idx %arg10[%broadcast_in_dim3A_672, %broadcast_in_dim3A_747, %broadcast_in_dim3A_759, %select_n3A_701] : memref<2x8x8x128xf32, #tpu.memory_space<vmem>>[vector<16xi32>, vector<16xi32>, vector<16xi32>, vector<16xi32>], vector<16xf32>,
              %broadcast_in_dim3A_761 = arith.constant 10 : i32
              %broadcast_in_dim3A_762 = vector.broadcast %broadcast_in_dim3A_761 : i32 to vector<16xi32>
              tpu.vector_store_idx %arg11[%select_n3A_704, %broadcast_in_dim3A_762], %gather3A_760 : memref<704x128xf32, #tpu.memory_space<vmem>>[vector<16xi32>, vector<16xi32>], vector<16xf32>,
              %broadcast_in_dim3A_763 = arith.constant 3 : i32
              %broadcast_in_dim3A_764 = vector.broadcast %broadcast_in_dim3A_763 : i32 to vector<16xi32>
              %gather3A_765 = tpu.vector_load_idx %arg10[%broadcast_in_dim3A_672, %broadcast_in_dim3A_747, %broadcast_in_dim3A_764, %select_n3A_701] : memref<2x8x8x128xf32, #tpu.memory_space<vmem>>[vector<16xi32>, vector<16xi32>, vector<16xi32>, vector<16xi32>], vector<16xf32>,
              %broadcast_in_dim3A_766 = arith.constant 11 : i32
              %broadcast_in_dim3A_767 = vector.broadcast %broadcast_in_dim3A_766 : i32 to vector<16xi32>
              tpu.vector_store_idx %arg11[%select_n3A_704, %broadcast_in_dim3A_767], %gather3A_765 : memref<704x128xf32, #tpu.memory_space<vmem>>[vector<16xi32>, vector<16xi32>], vector<16xf32>,
              %broadcast_in_dim3A_768 = arith.constant 4 : i32
              %broadcast_in_dim3A_769 = vector.broadcast %broadcast_in_dim3A_768 : i32 to vector<16xi32>
              %gather3A_770 = tpu.vector_load_idx %arg10[%broadcast_in_dim3A_672, %broadcast_in_dim3A_747, %broadcast_in_dim3A_769, %select_n3A_701] : memref<2x8x8x128xf32, #tpu.memory_space<vmem>>[vector<16xi32>, vector<16xi32>, vector<16xi32>, vector<16xi32>], vector<16xf32>,
              %broadcast_in_dim3A_771 = arith.constant 12 : i32
              %broadcast_in_dim3A_772 = vector.broadcast %broadcast_in_dim3A_771 : i32 to vector<16xi32>
              tpu.vector_store_idx %arg11[%select_n3A_704, %broadcast_in_dim3A_772], %gather3A_770 : memref<704x128xf32, #tpu.memory_space<vmem>>[vector<16xi32>, vector<16xi32>], vector<16xf32>,
              %broadcast_in_dim3A_773 = arith.constant 5 : i32
              %broadcast_in_dim3A_774 = vector.broadcast %broadcast_in_dim3A_773 : i32 to vector<16xi32>
              %gather3A_775 = tpu.vector_load_idx %arg10[%broadcast_in_dim3A_672, %broadcast_in_dim3A_747, %broadcast_in_dim3A_774, %select_n3A_701] : memref<2x8x8x128xf32, #tpu.memory_space<vmem>>[vector<16xi32>, vector<16xi32>, vector<16xi32>, vector<16xi32>], vector<16xf32>,
              %broadcast_in_dim3A_776 = arith.constant 13 : i32
              %broadcast_in_dim3A_777 = vector.broadcast %broadcast_in_dim3A_776 : i32 to vector<16xi32>
              tpu.vector_store_idx %arg11[%select_n3A_704, %broadcast_in_dim3A_777], %gather3A_775 : memref<704x128xf32, #tpu.memory_space<vmem>>[vector<16xi32>, vector<16xi32>], vector<16xf32>,
              %broadcast_in_dim3A_778 = arith.constant 6 : i32
              %broadcast_in_dim3A_779 = vector.broadcast %broadcast_in_dim3A_778 : i32 to vector<16xi32>
              %gather3A_780 = tpu.vector_load_idx %arg10[%broadcast_in_dim3A_672, %broadcast_in_dim3A_747, %broadcast_in_dim3A_779, %select_n3A_701] : memref<2x8x8x128xf32, #tpu.memory_space<vmem>>[vector<16xi32>, vector<16xi32>, vector<16xi32>, vector<16xi32>], vector<16xf32>,
              %broadcast_in_dim3A_781 = arith.constant 14 : i32
              %broadcast_in_dim3A_782 = vector.broadcast %broadcast_in_dim3A_781 : i32 to vector<16xi32>
              tpu.vector_store_idx %arg11[%select_n3A_704, %broadcast_in_dim3A_782], %gather3A_780 : memref<704x128xf32, #tpu.memory_space<vmem>>[vector<16xi32>, vector<16xi32>], vector<16xf32>,
              %broadcast_in_dim3A_783 = arith.constant 7 : i32
              %broadcast_in_dim3A_784 = vector.broadcast %broadcast_in_dim3A_783 : i32 to vector<16xi32>
              %gather3A_785 = tpu.vector_load_idx %arg10[%broadcast_in_dim3A_672, %broadcast_in_dim3A_747, %broadcast_in_dim3A_784, %select_n3A_701] : memref<2x8x8x128xf32, #tpu.memory_space<vmem>>[vector<16xi32>, vector<16xi32>, vector<16xi32>, vector<16xi32>], vector<16xf32>,
              %broadcast_in_dim3A_786 = arith.constant 15 : i32
              %broadcast_in_dim3A_787 = vector.broadcast %broadcast_in_dim3A_786 : i32 to vector<16xi32>
              tpu.vector_store_idx %arg11[%select_n3A_704, %broadcast_in_dim3A_787], %gather3A_785 : memref<704x128xf32, #tpu.memory_space<vmem>>[vector<16xi32>, vector<16xi32>], vector<16xf32>,
              %broadcast_in_dim3A_788 = arith.constant 2 : i32
              %broadcast_in_dim3A_789 = vector.broadcast %broadcast_in_dim3A_788 : i32 to vector<16xi32>
              %broadcast_in_dim3A_790 = arith.constant 0 : i32
              %broadcast_in_dim3A_791 = vector.broadcast %broadcast_in_dim3A_790 : i32 to vector<16xi32>
              %gather3A_792 = tpu.vector_load_idx %arg10[%broadcast_in_dim3A_672, %broadcast_in_dim3A_789, %broadcast_in_dim3A_791, %select_n3A_701] : memref<2x8x8x128xf32, #tpu.memory_space<vmem>>[vector<16xi32>, vector<16xi32>, vector<16xi32>, vector<16xi32>], vector<16xf32>,
              %broadcast_in_dim3A_793 = arith.constant 16 : i32
              %broadcast_in_dim3A_794 = vector.broadcast %broadcast_in_dim3A_793 : i32 to vector<16xi32>
              tpu.vector_store_idx %arg11[%select_n3A_704, %broadcast_in_dim3A_794], %gather3A_792 : memref<704x128xf32, #tpu.memory_space<vmem>>[vector<16xi32>, vector<16xi32>], vector<16xf32>,
              %broadcast_in_dim3A_795 = arith.constant 1 : i32
              %broadcast_in_dim3A_796 = vector.broadcast %broadcast_in_dim3A_795 : i32 to vector<16xi32>
              %gather3A_797 = tpu.vector_load_idx %arg10[%broadcast_in_dim3A_672, %broadcast_in_dim3A_789, %broadcast_in_dim3A_796, %select_n3A_701] : memref<2x8x8x128xf32, #tpu.memory_space<vmem>>[vector<16xi32>, vector<16xi32>, vector<16xi32>, vector<16xi32>], vector<16xf32>,
              %broadcast_in_dim3A_798 = arith.constant 17 : i32
              %broadcast_in_dim3A_799 = vector.broadcast %broadcast_in_dim3A_798 : i32 to vector<16xi32>
              tpu.vector_store_idx %arg11[%select_n3A_704, %broadcast_in_dim3A_799], %gather3A_797 : memref<704x128xf32, #tpu.memory_space<vmem>>[vector<16xi32>, vector<16xi32>], vector<16xf32>,
              %broadcast_in_dim3A_800 = arith.constant 2 : i32
              %broadcast_in_dim3A_801 = vector.broadcast %broadcast_in_dim3A_800 : i32 to vector<16xi32>
              %gather3A_802 = tpu.vector_load_idx %arg10[%broadcast_in_dim3A_672, %broadcast_in_dim3A_789, %broadcast_in_dim3A_801, %select_n3A_701] : memref<2x8x8x128xf32, #tpu.memory_space<vmem>>[vector<16xi32>, vector<16xi32>, vector<16xi32>, vector<16xi32>], vector<16xf32>,
              %broadcast_in_dim3A_803 = arith.constant 18 : i32
              %broadcast_in_dim3A_804 = vector.broadcast %broadcast_in_dim3A_803 : i32 to vector<16xi32>
              tpu.vector_store_idx %arg11[%select_n3A_704, %broadcast_in_dim3A_804], %gather3A_802 : memref<704x128xf32, #tpu.memory_space<vmem>>[vector<16xi32>, vector<16xi32>], vector<16xf32>,
              %broadcast_in_dim3A_805 = arith.constant 3 : i32
              %broadcast_in_dim3A_806 = vector.broadcast %broadcast_in_dim3A_805 : i32 to vector<16xi32>
              %gather3A_807 = tpu.vector_load_idx %arg10[%broadcast_in_dim3A_672, %broadcast_in_dim3A_789, %broadcast_in_dim3A_806, %select_n3A_701] : memref<2x8x8x128xf32, #tpu.memory_space<vmem>>[vector<16xi32>, vector<16xi32>, vector<16xi32>, vector<16xi32>], vector<16xf32>,
              %broadcast_in_dim3A_808 = arith.constant 19 : i32
              %broadcast_in_dim3A_809 = vector.broadcast %broadcast_in_dim3A_808 : i32 to vector<16xi32>
              tpu.vector_store_idx %arg11[%select_n3A_704, %broadcast_in_dim3A_809], %gather3A_807 : memref<704x128xf32, #tpu.memory_space<vmem>>[vector<16xi32>, vector<16xi32>], vector<16xf32>,
              %broadcast_in_dim3A_810 = arith.constant 4 : i32
              %broadcast_in_dim3A_811 = vector.broadcast %broadcast_in_dim3A_810 : i32 to vector<16xi32>
              %gather3A_812 = tpu.vector_load_idx %arg10[%broadcast_in_dim3A_672, %broadcast_in_dim3A_789, %broadcast_in_dim3A_811, %select_n3A_701] : memref<2x8x8x128xf32, #tpu.memory_space<vmem>>[vector<16xi32>, vector<16xi32>, vector<16xi32>, vector<16xi32>], vector<16xf32>,
              %broadcast_in_dim3A_813 = arith.constant 20 : i32
              %broadcast_in_dim3A_814 = vector.broadcast %broadcast_in_dim3A_813 : i32 to vector<16xi32>
              tpu.vector_store_idx %arg11[%select_n3A_704, %broadcast_in_dim3A_814], %gather3A_812 : memref<704x128xf32, #tpu.memory_space<vmem>>[vector<16xi32>, vector<16xi32>], vector<16xf32>,
              %broadcast_in_dim3A_815 = arith.constant 5 : i32
              %broadcast_in_dim3A_816 = vector.broadcast %broadcast_in_dim3A_815 : i32 to vector<16xi32>
              %gather3A_817 = tpu.vector_load_idx %arg10[%broadcast_in_dim3A_672, %broadcast_in_dim3A_789, %broadcast_in_dim3A_816, %select_n3A_701] : memref<2x8x8x128xf32, #tpu.memory_space<vmem>>[vector<16xi32>, vector<16xi32>, vector<16xi32>, vector<16xi32>], vector<16xf32>,
              %broadcast_in_dim3A_818 = arith.constant 21 : i32
              %broadcast_in_dim3A_819 = vector.broadcast %broadcast_in_dim3A_818 : i32 to vector<16xi32>
              tpu.vector_store_idx %arg11[%select_n3A_704, %broadcast_in_dim3A_819], %gather3A_817 : memref<704x128xf32, #tpu.memory_space<vmem>>[vector<16xi32>, vector<16xi32>], vector<16xf32>,
              %broadcast_in_dim3A_820 = arith.constant 6 : i32
              %broadcast_in_dim3A_821 = vector.broadcast %broadcast_in_dim3A_820 : i32 to vector<16xi32>
              %gather3A_822 = tpu.vector_load_idx %arg10[%broadcast_in_dim3A_672, %broadcast_in_dim3A_789, %broadcast_in_dim3A_821, %select_n3A_701] : memref<2x8x8x128xf32, #tpu.memory_space<vmem>>[vector<16xi32>, vector<16xi32>, vector<16xi32>, vector<16xi32>], vector<16xf32>,
              %broadcast_in_dim3A_823 = arith.constant 22 : i32
              %broadcast_in_dim3A_824 = vector.broadcast %broadcast_in_dim3A_823 : i32 to vector<16xi32>
              tpu.vector_store_idx %arg11[%select_n3A_704, %broadcast_in_dim3A_824], %gather3A_822 : memref<704x128xf32, #tpu.memory_space<vmem>>[vector<16xi32>, vector<16xi32>], vector<16xf32>,
              %broadcast_in_dim3A_825 = arith.constant 7 : i32
              %broadcast_in_dim3A_826 = vector.broadcast %broadcast_in_dim3A_825 : i32 to vector<16xi32>
              %gather3A_827 = tpu.vector_load_idx %arg10[%broadcast_in_dim3A_672, %broadcast_in_dim3A_789, %broadcast_in_dim3A_826, %select_n3A_701] : memref<2x8x8x128xf32, #tpu.memory_space<vmem>>[vector<16xi32>, vector<16xi32>, vector<16xi32>, vector<16xi32>], vector<16xf32>,
              %broadcast_in_dim3A_828 = arith.constant 23 : i32
              %broadcast_in_dim3A_829 = vector.broadcast %broadcast_in_dim3A_828 : i32 to vector<16xi32>
              tpu.vector_store_idx %arg11[%select_n3A_704, %broadcast_in_dim3A_829], %gather3A_827 : memref<704x128xf32, #tpu.memory_space<vmem>>[vector<16xi32>, vector<16xi32>], vector<16xf32>,
              %broadcast_in_dim3A_830 = arith.constant 3 : i32
              %broadcast_in_dim3A_831 = vector.broadcast %broadcast_in_dim3A_830 : i32 to vector<16xi32>
              %broadcast_in_dim3A_832 = arith.constant 0 : i32
              %broadcast_in_dim3A_833 = vector.broadcast %broadcast_in_dim3A_832 : i32 to vector<16xi32>
              %gather3A_834 = tpu.vector_load_idx %arg10[%broadcast_in_dim3A_672, %broadcast_in_dim3A_831, %broadcast_in_dim3A_833, %select_n3A_701] : memref<2x8x8x128xf32, #tpu.memory_space<vmem>>[vector<16xi32>, vector<16xi32>, vector<16xi32>, vector<16xi32>], vector<16xf32>,
              %broadcast_in_dim3A_835 = arith.constant 24 : i32
              %broadcast_in_dim3A_836 = vector.broadcast %broadcast_in_dim3A_835 : i32 to vector<16xi32>
              tpu.vector_store_idx %arg11[%select_n3A_704, %broadcast_in_dim3A_836], %gather3A_834 : memref<704x128xf32, #tpu.memory_space<vmem>>[vector<16xi32>, vector<16xi32>], vector<16xf32>,
              %broadcast_in_dim3A_837 = arith.constant 1 : i32
              %broadcast_in_dim3A_838 = vector.broadcast %broadcast_in_dim3A_837 : i32 to vector<16xi32>
              %gather3A_839 = tpu.vector_load_idx %arg10[%broadcast_in_dim3A_672, %broadcast_in_dim3A_831, %broadcast_in_dim3A_838, %select_n3A_701] : memref<2x8x8x128xf32, #tpu.memory_space<vmem>>[vector<16xi32>, vector<16xi32>, vector<16xi32>, vector<16xi32>], vector<16xf32>,
              %broadcast_in_dim3A_840 = arith.constant 25 : i32
              %broadcast_in_dim3A_841 = vector.broadcast %broadcast_in_dim3A_840 : i32 to vector<16xi32>
              tpu.vector_store_idx %arg11[%select_n3A_704, %broadcast_in_dim3A_841], %gather3A_839 : memref<704x128xf32, #tpu.memory_space<vmem>>[vector<16xi32>, vector<16xi32>], vector<16xf32>,
              %broadcast_in_dim3A_842 = arith.constant 2 : i32
              %broadcast_in_dim3A_843 = vector.broadcast %broadcast_in_dim3A_842 : i32 to vector<16xi32>
              %gather3A_844 = tpu.vector_load_idx %arg10[%broadcast_in_dim3A_672, %broadcast_in_dim3A_831, %broadcast_in_dim3A_843, %select_n3A_701] : memref<2x8x8x128xf32, #tpu.memory_space<vmem>>[vector<16xi32>, vector<16xi32>, vector<16xi32>, vector<16xi32>], vector<16xf32>,
              %broadcast_in_dim3A_845 = arith.constant 26 : i32
              %broadcast_in_dim3A_846 = vector.broadcast %broadcast_in_dim3A_845 : i32 to vector<16xi32>
              tpu.vector_store_idx %arg11[%select_n3A_704, %broadcast_in_dim3A_846], %gather3A_844 : memref<704x128xf32, #tpu.memory_space<vmem>>[vector<16xi32>, vector<16xi32>], vector<16xf32>,
              %broadcast_in_dim3A_847 = arith.constant 3 : i32
              %broadcast_in_dim3A_848 = vector.broadcast %broadcast_in_dim3A_847 : i32 to vector<16xi32>
              %gather3A_849 = tpu.vector_load_idx %arg10[%broadcast_in_dim3A_672, %broadcast_in_dim3A_831, %broadcast_in_dim3A_848, %select_n3A_701] : memref<2x8x8x128xf32, #tpu.memory_space<vmem>>[vector<16xi32>, vector<16xi32>, vector<16xi32>, vector<16xi32>], vector<16xf32>,
              %broadcast_in_dim3A_850 = arith.constant 27 : i32
              %broadcast_in_dim3A_851 = vector.broadcast %broadcast_in_dim3A_850 : i32 to vector<16xi32>
              tpu.vector_store_idx %arg11[%select_n3A_704, %broadcast_in_dim3A_851], %gather3A_849 : memref<704x128xf32, #tpu.memory_space<vmem>>[vector<16xi32>, vector<16xi32>], vector<16xf32>,
              %broadcast_in_dim3A_852 = arith.constant 4 : i32
              %broadcast_in_dim3A_853 = vector.broadcast %broadcast_in_dim3A_852 : i32 to vector<16xi32>
              %gather3A_854 = tpu.vector_load_idx %arg10[%broadcast_in_dim3A_672, %broadcast_in_dim3A_831, %broadcast_in_dim3A_853, %select_n3A_701] : memref<2x8x8x128xf32, #tpu.memory_space<vmem>>[vector<16xi32>, vector<16xi32>, vector<16xi32>, vector<16xi32>], vector<16xf32>,
              %broadcast_in_dim3A_855 = arith.constant 28 : i32
              %broadcast_in_dim3A_856 = vector.broadcast %broadcast_in_dim3A_855 : i32 to vector<16xi32>
              tpu.vector_store_idx %arg11[%select_n3A_704, %broadcast_in_dim3A_856], %gather3A_854 : memref<704x128xf32, #tpu.memory_space<vmem>>[vector<16xi32>, vector<16xi32>], vector<16xf32>,
              %broadcast_in_dim3A_857 = arith.constant 5 : i32
              %broadcast_in_dim3A_858 = vector.broadcast %broadcast_in_dim3A_857 : i32 to vector<16xi32>
              %gather3A_859 = tpu.vector_load_idx %arg10[%broadcast_in_dim3A_672, %broadcast_in_dim3A_831, %broadcast_in_dim3A_858, %select_n3A_701] : memref<2x8x8x128xf32, #tpu.memory_space<vmem>>[vector<16xi32>, vector<16xi32>, vector<16xi32>, vector<16xi32>], vector<16xf32>,
              %broadcast_in_dim3A_860 = arith.constant 29 : i32
              %broadcast_in_dim3A_861 = vector.broadcast %broadcast_in_dim3A_860 : i32 to vector<16xi32>
              tpu.vector_store_idx %arg11[%select_n3A_704, %broadcast_in_dim3A_861], %gather3A_859 : memref<704x128xf32, #tpu.memory_space<vmem>>[vector<16xi32>, vector<16xi32>], vector<16xf32>,
              %broadcast_in_dim3A_862 = arith.constant 6 : i32
              %broadcast_in_dim3A_863 = vector.broadcast %broadcast_in_dim3A_862 : i32 to vector<16xi32>
              %gather3A_864 = tpu.vector_load_idx %arg10[%broadcast_in_dim3A_672, %broadcast_in_dim3A_831, %broadcast_in_dim3A_863, %select_n3A_701] : memref<2x8x8x128xf32, #tpu.memory_space<vmem>>[vector<16xi32>, vector<16xi32>, vector<16xi32>, vector<16xi32>], vector<16xf32>,
              %broadcast_in_dim3A_865 = arith.constant 30 : i32
              %broadcast_in_dim3A_866 = vector.broadcast %broadcast_in_dim3A_865 : i32 to vector<16xi32>
              tpu.vector_store_idx %arg11[%select_n3A_704, %broadcast_in_dim3A_866], %gather3A_864 : memref<704x128xf32, #tpu.memory_space<vmem>>[vector<16xi32>, vector<16xi32>], vector<16xf32>,
              %broadcast_in_dim3A_867 = arith.constant 7 : i32
              %broadcast_in_dim3A_868 = vector.broadcast %broadcast_in_dim3A_867 : i32 to vector<16xi32>
              %gather3A_869 = tpu.vector_load_idx %arg10[%broadcast_in_dim3A_672, %broadcast_in_dim3A_831, %broadcast_in_dim3A_868, %select_n3A_701] : memref<2x8x8x128xf32, #tpu.memory_space<vmem>>[vector<16xi32>, vector<16xi32>, vector<16xi32>, vector<16xi32>], vector<16xf32>,
              %broadcast_in_dim3A_870 = arith.constant 31 : i32
              %broadcast_in_dim3A_871 = vector.broadcast %broadcast_in_dim3A_870 : i32 to vector<16xi32>
              tpu.vector_store_idx %arg11[%select_n3A_704, %broadcast_in_dim3A_871], %gather3A_869 : memref<704x128xf32, #tpu.memory_space<vmem>>[vector<16xi32>, vector<16xi32>], vector<16xf32>,
              %broadcast_in_dim3A_872 = arith.constant 4 : i32
              %broadcast_in_dim3A_873 = vector.broadcast %broadcast_in_dim3A_872 : i32 to vector<16xi32>
              %broadcast_in_dim3A_874 = arith.constant 0 : i32
              %broadcast_in_dim3A_875 = vector.broadcast %broadcast_in_dim3A_874 : i32 to vector<16xi32>
              %gather3A_876 = tpu.vector_load_idx %arg10[%broadcast_in_dim3A_672, %broadcast_in_dim3A_873, %broadcast_in_dim3A_875, %select_n3A_701] : memref<2x8x8x128xf32, #tpu.memory_space<vmem>>[vector<16xi32>, vector<16xi32>, vector<16xi32>, vector<16xi32>], vector<16xf32>,
              %broadcast_in_dim3A_877 = arith.constant 32 : i32
              %broadcast_in_dim3A_878 = vector.broadcast %broadcast_in_dim3A_877 : i32 to vector<16xi32>
              tpu.vector_store_idx %arg11[%select_n3A_704, %broadcast_in_dim3A_878], %gather3A_876 : memref<704x128xf32, #tpu.memory_space<vmem>>[vector<16xi32>, vector<16xi32>], vector<16xf32>,
              %broadcast_in_dim3A_879 = arith.constant 1 : i32
              %broadcast_in_dim3A_880 = vector.broadcast %broadcast_in_dim3A_879 : i32 to vector<16xi32>
              %gather3A_881 = tpu.vector_load_idx %arg10[%broadcast_in_dim3A_672, %broadcast_in_dim3A_873, %broadcast_in_dim3A_880, %select_n3A_701] : memref<2x8x8x128xf32, #tpu.memory_space<vmem>>[vector<16xi32>, vector<16xi32>, vector<16xi32>, vector<16xi32>], vector<16xf32>,
              %broadcast_in_dim3A_882 = arith.constant 33 : i32
              %broadcast_in_dim3A_883 = vector.broadcast %broadcast_in_dim3A_882 : i32 to vector<16xi32>
              tpu.vector_store_idx %arg11[%select_n3A_704, %broadcast_in_dim3A_883], %gather3A_881 : memref<704x128xf32, #tpu.memory_space<vmem>>[vector<16xi32>, vector<16xi32>], vector<16xf32>,
              %broadcast_in_dim3A_884 = arith.constant 2 : i32
              %broadcast_in_dim3A_885 = vector.broadcast %broadcast_in_dim3A_884 : i32 to vector<16xi32>
              %gather3A_886 = tpu.vector_load_idx %arg10[%broadcast_in_dim3A_672, %broadcast_in_dim3A_873, %broadcast_in_dim3A_885, %select_n3A_701] : memref<2x8x8x128xf32, #tpu.memory_space<vmem>>[vector<16xi32>, vector<16xi32>, vector<16xi32>, vector<16xi32>], vector<16xf32>,
              %broadcast_in_dim3A_887 = arith.constant 34 : i32
              %broadcast_in_dim3A_888 = vector.broadcast %broadcast_in_dim3A_887 : i32 to vector<16xi32>
              tpu.vector_store_idx %arg11[%select_n3A_704, %broadcast_in_dim3A_888], %gather3A_886 : memref<704x128xf32, #tpu.memory_space<vmem>>[vector<16xi32>, vector<16xi32>], vector<16xf32>,
              %broadcast_in_dim3A_889 = arith.constant 3 : i32
              %broadcast_in_dim3A_890 = vector.broadcast %broadcast_in_dim3A_889 : i32 to vector<16xi32>
              %gather3A_891 = tpu.vector_load_idx %arg10[%broadcast_in_dim3A_672, %broadcast_in_dim3A_873, %broadcast_in_dim3A_890, %select_n3A_701] : memref<2x8x8x128xf32, #tpu.memory_space<vmem>>[vector<16xi32>, vector<16xi32>, vector<16xi32>, vector<16xi32>], vector<16xf32>,
              %broadcast_in_dim3A_892 = arith.constant 35 : i32
              %broadcast_in_dim3A_893 = vector.broadcast %broadcast_in_dim3A_892 : i32 to vector<16xi32>
              tpu.vector_store_idx %arg11[%select_n3A_704, %broadcast_in_dim3A_893], %gather3A_891 : memref<704x128xf32, #tpu.memory_space<vmem>>[vector<16xi32>, vector<16xi32>], vector<16xf32>,
              %broadcast_in_dim3A_894 = arith.constant 4 : i32
              %broadcast_in_dim3A_895 = vector.broadcast %broadcast_in_dim3A_894 : i32 to vector<16xi32>
              %gather3A_896 = tpu.vector_load_idx %arg10[%broadcast_in_dim3A_672, %broadcast_in_dim3A_873, %broadcast_in_dim3A_895, %select_n3A_701] : memref<2x8x8x128xf32, #tpu.memory_space<vmem>>[vector<16xi32>, vector<16xi32>, vector<16xi32>, vector<16xi32>], vector<16xf32>,
              %broadcast_in_dim3A_897 = arith.constant 36 : i32
              %broadcast_in_dim3A_898 = vector.broadcast %broadcast_in_dim3A_897 : i32 to vector<16xi32>
              tpu.vector_store_idx %arg11[%select_n3A_704, %broadcast_in_dim3A_898], %gather3A_896 : memref<704x128xf32, #tpu.memory_space<vmem>>[vector<16xi32>, vector<16xi32>], vector<16xf32>,
              %broadcast_in_dim3A_899 = arith.constant 5 : i32
              %broadcast_in_dim3A_900 = vector.broadcast %broadcast_in_dim3A_899 : i32 to vector<16xi32>
              %gather3A_901 = tpu.vector_load_idx %arg10[%broadcast_in_dim3A_672, %broadcast_in_dim3A_873, %broadcast_in_dim3A_900, %select_n3A_701] : memref<2x8x8x128xf32, #tpu.memory_space<vmem>>[vector<16xi32>, vector<16xi32>, vector<16xi32>, vector<16xi32>], vector<16xf32>,
              %broadcast_in_dim3A_902 = arith.constant 37 : i32
              %broadcast_in_dim3A_903 = vector.broadcast %broadcast_in_dim3A_902 : i32 to vector<16xi32>
              tpu.vector_store_idx %arg11[%select_n3A_704, %broadcast_in_dim3A_903], %gather3A_901 : memref<704x128xf32, #tpu.memory_space<vmem>>[vector<16xi32>, vector<16xi32>], vector<16xf32>,
              %broadcast_in_dim3A_904 = arith.constant 6 : i32
              %broadcast_in_dim3A_905 = vector.broadcast %broadcast_in_dim3A_904 : i32 to vector<16xi32>
              %gather3A_906 = tpu.vector_load_idx %arg10[%broadcast_in_dim3A_672, %broadcast_in_dim3A_873, %broadcast_in_dim3A_905, %select_n3A_701] : memref<2x8x8x128xf32, #tpu.memory_space<vmem>>[vector<16xi32>, vector<16xi32>, vector<16xi32>, vector<16xi32>], vector<16xf32>,
              %broadcast_in_dim3A_907 = arith.constant 38 : i32
              %broadcast_in_dim3A_908 = vector.broadcast %broadcast_in_dim3A_907 : i32 to vector<16xi32>
              tpu.vector_store_idx %arg11[%select_n3A_704, %broadcast_in_dim3A_908], %gather3A_906 : memref<704x128xf32, #tpu.memory_space<vmem>>[vector<16xi32>, vector<16xi32>], vector<16xf32>,
              %broadcast_in_dim3A_909 = arith.constant 7 : i32
              %broadcast_in_dim3A_910 = vector.broadcast %broadcast_in_dim3A_909 : i32 to vector<16xi32>
              %gather3A_911 = tpu.vector_load_idx %arg10[%broadcast_in_dim3A_672, %broadcast_in_dim3A_873, %broadcast_in_dim3A_910, %select_n3A_701] : memref<2x8x8x128xf32, #tpu.memory_space<vmem>>[vector<16xi32>, vector<16xi32>, vector<16xi32>, vector<16xi32>], vector<16xf32>,
              %broadcast_in_dim3A_912 = arith.constant 39 : i32
              %broadcast_in_dim3A_913 = vector.broadcast %broadcast_in_dim3A_912 : i32 to vector<16xi32>
              tpu.vector_store_idx %arg11[%select_n3A_704, %broadcast_in_dim3A_913], %gather3A_911 : memref<704x128xf32, #tpu.memory_space<vmem>>[vector<16xi32>, vector<16xi32>], vector<16xf32>,
              %broadcast_in_dim3A_914 = arith.constant 5 : i32
              %broadcast_in_dim3A_915 = vector.broadcast %broadcast_in_dim3A_914 : i32 to vector<16xi32>
              %broadcast_in_dim3A_916 = arith.constant 0 : i32
              %broadcast_in_dim3A_917 = vector.broadcast %broadcast_in_dim3A_916 : i32 to vector<16xi32>
              %gather3A_918 = tpu.vector_load_idx %arg10[%broadcast_in_dim3A_672, %broadcast_in_dim3A_915, %broadcast_in_dim3A_917, %select_n3A_701] : memref<2x8x8x128xf32, #tpu.memory_space<vmem>>[vector<16xi32>, vector<16xi32>, vector<16xi32>, vector<16xi32>], vector<16xf32>,
              %broadcast_in_dim3A_919 = arith.constant 40 : i32
              %broadcast_in_dim3A_920 = vector.broadcast %broadcast_in_dim3A_919 : i32 to vector<16xi32>
              tpu.vector_store_idx %arg11[%select_n3A_704, %broadcast_in_dim3A_920], %gather3A_918 : memref<704x128xf32, #tpu.memory_space<vmem>>[vector<16xi32>, vector<16xi32>], vector<16xf32>,
              %broadcast_in_dim3A_921 = arith.constant 1 : i32
              %broadcast_in_dim3A_922 = vector.broadcast %broadcast_in_dim3A_921 : i32 to vector<16xi32>
              %gather3A_923 = tpu.vector_load_idx %arg10[%broadcast_in_dim3A_672, %broadcast_in_dim3A_915, %broadcast_in_dim3A_922, %select_n3A_701] : memref<2x8x8x128xf32, #tpu.memory_space<vmem>>[vector<16xi32>, vector<16xi32>, vector<16xi32>, vector<16xi32>], vector<16xf32>,
              %broadcast_in_dim3A_924 = arith.constant 41 : i32
              %broadcast_in_dim3A_925 = vector.broadcast %broadcast_in_dim3A_924 : i32 to vector<16xi32>
              tpu.vector_store_idx %arg11[%select_n3A_704, %broadcast_in_dim3A_925], %gather3A_923 : memref<704x128xf32, #tpu.memory_space<vmem>>[vector<16xi32>, vector<16xi32>], vector<16xf32>,
              %broadcast_in_dim3A_926 = arith.constant 2 : i32
              %broadcast_in_dim3A_927 = vector.broadcast %broadcast_in_dim3A_926 : i32 to vector<16xi32>
              %gather3A_928 = tpu.vector_load_idx %arg10[%broadcast_in_dim3A_672, %broadcast_in_dim3A_915, %broadcast_in_dim3A_927, %select_n3A_701] : memref<2x8x8x128xf32, #tpu.memory_space<vmem>>[vector<16xi32>, vector<16xi32>, vector<16xi32>, vector<16xi32>], vector<16xf32>,
              %broadcast_in_dim3A_929 = arith.constant 42 : i32
              %broadcast_in_dim3A_930 = vector.broadcast %broadcast_in_dim3A_929 : i32 to vector<16xi32>
              tpu.vector_store_idx %arg11[%select_n3A_704, %broadcast_in_dim3A_930], %gather3A_928 : memref<704x128xf32, #tpu.memory_space<vmem>>[vector<16xi32>, vector<16xi32>], vector<16xf32>,
              %broadcast_in_dim3A_931 = arith.constant 3 : i32
              %broadcast_in_dim3A_932 = vector.broadcast %broadcast_in_dim3A_931 : i32 to vector<16xi32>
              %gather3A_933 = tpu.vector_load_idx %arg10[%broadcast_in_dim3A_672, %broadcast_in_dim3A_915, %broadcast_in_dim3A_932, %select_n3A_701] : memref<2x8x8x128xf32, #tpu.memory_space<vmem>>[vector<16xi32>, vector<16xi32>, vector<16xi32>, vector<16xi32>], vector<16xf32>,
              %broadcast_in_dim3A_934 = arith.constant 43 : i32
              %broadcast_in_dim3A_935 = vector.broadcast %broadcast_in_dim3A_934 : i32 to vector<16xi32>
              tpu.vector_store_idx %arg11[%select_n3A_704, %broadcast_in_dim3A_935], %gather3A_933 : memref<704x128xf32, #tpu.memory_space<vmem>>[vector<16xi32>, vector<16xi32>], vector<16xf32>,
              %broadcast_in_dim3A_936 = arith.constant 4 : i32
              %broadcast_in_dim3A_937 = vector.broadcast %broadcast_in_dim3A_936 : i32 to vector<16xi32>
              %gather3A_938 = tpu.vector_load_idx %arg10[%broadcast_in_dim3A_672, %broadcast_in_dim3A_915, %broadcast_in_dim3A_937, %select_n3A_701] : memref<2x8x8x128xf32, #tpu.memory_space<vmem>>[vector<16xi32>, vector<16xi32>, vector<16xi32>, vector<16xi32>], vector<16xf32>,
              %broadcast_in_dim3A_939 = arith.constant 44 : i32
              %broadcast_in_dim3A_940 = vector.broadcast %broadcast_in_dim3A_939 : i32 to vector<16xi32>
              tpu.vector_store_idx %arg11[%select_n3A_704, %broadcast_in_dim3A_940], %gather3A_938 : memref<704x128xf32, #tpu.memory_space<vmem>>[vector<16xi32>, vector<16xi32>], vector<16xf32>,
              %broadcast_in_dim3A_941 = arith.constant 5 : i32
              %broadcast_in_dim3A_942 = vector.broadcast %broadcast_in_dim3A_941 : i32 to vector<16xi32>
              %gather3A_943 = tpu.vector_load_idx %arg10[%broadcast_in_dim3A_672, %broadcast_in_dim3A_915, %broadcast_in_dim3A_942, %select_n3A_701] : memref<2x8x8x128xf32, #tpu.memory_space<vmem>>[vector<16xi32>, vector<16xi32>, vector<16xi32>, vector<16xi32>], vector<16xf32>,
              %broadcast_in_dim3A_944 = arith.constant 45 : i32
              %broadcast_in_dim3A_945 = vector.broadcast %broadcast_in_dim3A_944 : i32 to vector<16xi32>
              tpu.vector_store_idx %arg11[%select_n3A_704, %broadcast_in_dim3A_945], %gather3A_943 : memref<704x128xf32, #tpu.memory_space<vmem>>[vector<16xi32>, vector<16xi32>], vector<16xf32>,
              %broadcast_in_dim3A_946 = arith.constant 6 : i32
              %broadcast_in_dim3A_947 = vector.broadcast %broadcast_in_dim3A_946 : i32 to vector<16xi32>
              %gather3A_948 = tpu.vector_load_idx %arg10[%broadcast_in_dim3A_672, %broadcast_in_dim3A_915, %broadcast_in_dim3A_947, %select_n3A_701] : memref<2x8x8x128xf32, #tpu.memory_space<vmem>>[vector<16xi32>, vector<16xi32>, vector<16xi32>, vector<16xi32>], vector<16xf32>,
              %broadcast_in_dim3A_949 = arith.constant 46 : i32
              %broadcast_in_dim3A_950 = vector.broadcast %broadcast_in_dim3A_949 : i32 to vector<16xi32>
              tpu.vector_store_idx %arg11[%select_n3A_704, %broadcast_in_dim3A_950], %gather3A_948 : memref<704x128xf32, #tpu.memory_space<vmem>>[vector<16xi32>, vector<16xi32>], vector<16xf32>,
              %broadcast_in_dim3A_951 = arith.constant 7 : i32
              %broadcast_in_dim3A_952 = vector.broadcast %broadcast_in_dim3A_951 : i32 to vector<16xi32>
              %gather3A_953 = tpu.vector_load_idx %arg10[%broadcast_in_dim3A_672, %broadcast_in_dim3A_915, %broadcast_in_dim3A_952, %select_n3A_701] : memref<2x8x8x128xf32, #tpu.memory_space<vmem>>[vector<16xi32>, vector<16xi32>, vector<16xi32>, vector<16xi32>], vector<16xf32>,
              %broadcast_in_dim3A_954 = arith.constant 47 : i32
              %broadcast_in_dim3A_955 = vector.broadcast %broadcast_in_dim3A_954 : i32 to vector<16xi32>
              tpu.vector_store_idx %arg11[%select_n3A_704, %broadcast_in_dim3A_955], %gather3A_953 : memref<704x128xf32, #tpu.memory_space<vmem>>[vector<16xi32>, vector<16xi32>], vector<16xf32>,
              %broadcast_in_dim3A_956 = arith.constant 6 : i32
              %broadcast_in_dim3A_957 = vector.broadcast %broadcast_in_dim3A_956 : i32 to vector<16xi32>
              %broadcast_in_dim3A_958 = arith.constant 0 : i32
              %broadcast_in_dim3A_959 = vector.broadcast %broadcast_in_dim3A_958 : i32 to vector<16xi32>
              %gather3A_960 = tpu.vector_load_idx %arg10[%broadcast_in_dim3A_672, %broadcast_in_dim3A_957, %broadcast_in_dim3A_959, %select_n3A_701] : memref<2x8x8x128xf32, #tpu.memory_space<vmem>>[vector<16xi32>, vector<16xi32>, vector<16xi32>, vector<16xi32>], vector<16xf32>,
              %broadcast_in_dim3A_961 = arith.constant 48 : i32
              %broadcast_in_dim3A_962 = vector.broadcast %broadcast_in_dim3A_961 : i32 to vector<16xi32>
              tpu.vector_store_idx %arg11[%select_n3A_704, %broadcast_in_dim3A_962], %gather3A_960 : memref<704x128xf32, #tpu.memory_space<vmem>>[vector<16xi32>, vector<16xi32>], vector<16xf32>,
              %broadcast_in_dim3A_963 = arith.constant 1 : i32
              %broadcast_in_dim3A_964 = vector.broadcast %broadcast_in_dim3A_963 : i32 to vector<16xi32>
              %gather3A_965 = tpu.vector_load_idx %arg10[%broadcast_in_dim3A_672, %broadcast_in_dim3A_957, %broadcast_in_dim3A_964, %select_n3A_701] : memref<2x8x8x128xf32, #tpu.memory_space<vmem>>[vector<16xi32>, vector<16xi32>, vector<16xi32>, vector<16xi32>], vector<16xf32>,
              %broadcast_in_dim3A_966 = arith.constant 49 : i32
              %broadcast_in_dim3A_967 = vector.broadcast %broadcast_in_dim3A_966 : i32 to vector<16xi32>
              tpu.vector_store_idx %arg11[%select_n3A_704, %broadcast_in_dim3A_967], %gather3A_965 : memref<704x128xf32, #tpu.memory_space<vmem>>[vector<16xi32>, vector<16xi32>], vector<16xf32>,
              %broadcast_in_dim3A_968 = arith.constant 2 : i32
              %broadcast_in_dim3A_969 = vector.broadcast %broadcast_in_dim3A_968 : i32 to vector<16xi32>
              %gather3A_970 = tpu.vector_load_idx %arg10[%broadcast_in_dim3A_672, %broadcast_in_dim3A_957, %broadcast_in_dim3A_969, %select_n3A_701] : memref<2x8x8x128xf32, #tpu.memory_space<vmem>>[vector<16xi32>, vector<16xi32>, vector<16xi32>, vector<16xi32>], vector<16xf32>,
              %broadcast_in_dim3A_971 = arith.constant 50 : i32
              %broadcast_in_dim3A_972 = vector.broadcast %broadcast_in_dim3A_971 : i32 to vector<16xi32>
              tpu.vector_store_idx %arg11[%select_n3A_704, %broadcast_in_dim3A_972], %gather3A_970 : memref<704x128xf32, #tpu.memory_space<vmem>>[vector<16xi32>, vector<16xi32>], vector<16xf32>,
              %broadcast_in_dim3A_973 = arith.constant 3 : i32
              %broadcast_in_dim3A_974 = vector.broadcast %broadcast_in_dim3A_973 : i32 to vector<16xi32>
              %gather3A_975 = tpu.vector_load_idx %arg10[%broadcast_in_dim3A_672, %broadcast_in_dim3A_957, %broadcast_in_dim3A_974, %select_n3A_701] : memref<2x8x8x128xf32, #tpu.memory_space<vmem>>[vector<16xi32>, vector<16xi32>, vector<16xi32>, vector<16xi32>], vector<16xf32>,
              %broadcast_in_dim3A_976 = arith.constant 51 : i32
              %broadcast_in_dim3A_977 = vector.broadcast %broadcast_in_dim3A_976 : i32 to vector<16xi32>
              tpu.vector_store_idx %arg11[%select_n3A_704, %broadcast_in_dim3A_977], %gather3A_975 : memref<704x128xf32, #tpu.memory_space<vmem>>[vector<16xi32>, vector<16xi32>], vector<16xf32>,
              %broadcast_in_dim3A_978 = arith.constant 4 : i32
              %broadcast_in_dim3A_979 = vector.broadcast %broadcast_in_dim3A_978 : i32 to vector<16xi32>
              %gather3A_980 = tpu.vector_load_idx %arg10[%broadcast_in_dim3A_672, %broadcast_in_dim3A_957, %broadcast_in_dim3A_979, %select_n3A_701] : memref<2x8x8x128xf32, #tpu.memory_space<vmem>>[vector<16xi32>, vector<16xi32>, vector<16xi32>, vector<16xi32>], vector<16xf32>,
              %broadcast_in_dim3A_981 = arith.constant 52 : i32
              %broadcast_in_dim3A_982 = vector.broadcast %broadcast_in_dim3A_981 : i32 to vector<16xi32>
              tpu.vector_store_idx %arg11[%select_n3A_704, %broadcast_in_dim3A_982], %gather3A_980 : memref<704x128xf32, #tpu.memory_space<vmem>>[vector<16xi32>, vector<16xi32>], vector<16xf32>,
              %broadcast_in_dim3A_983 = arith.constant 5 : i32
              %broadcast_in_dim3A_984 = vector.broadcast %broadcast_in_dim3A_983 : i32 to vector<16xi32>
              %gather3A_985 = tpu.vector_load_idx %arg10[%broadcast_in_dim3A_672, %broadcast_in_dim3A_957, %broadcast_in_dim3A_984, %select_n3A_701] : memref<2x8x8x128xf32, #tpu.memory_space<vmem>>[vector<16xi32>, vector<16xi32>, vector<16xi32>, vector<16xi32>], vector<16xf32>,
              %broadcast_in_dim3A_986 = arith.constant 53 : i32
              %broadcast_in_dim3A_987 = vector.broadcast %broadcast_in_dim3A_986 : i32 to vector<16xi32>
              tpu.vector_store_idx %arg11[%select_n3A_704, %broadcast_in_dim3A_987], %gather3A_985 : memref<704x128xf32, #tpu.memory_space<vmem>>[vector<16xi32>, vector<16xi32>], vector<16xf32>,
              %broadcast_in_dim3A_988 = arith.constant 6 : i32
              %broadcast_in_dim3A_989 = vector.broadcast %broadcast_in_dim3A_988 : i32 to vector<16xi32>
              %gather3A_990 = tpu.vector_load_idx %arg10[%broadcast_in_dim3A_672, %broadcast_in_dim3A_957, %broadcast_in_dim3A_989, %select_n3A_701] : memref<2x8x8x128xf32, #tpu.memory_space<vmem>>[vector<16xi32>, vector<16xi32>, vector<16xi32>, vector<16xi32>], vector<16xf32>,
              %broadcast_in_dim3A_991 = arith.constant 54 : i32
              %broadcast_in_dim3A_992 = vector.broadcast %broadcast_in_dim3A_991 : i32 to vector<16xi32>
              tpu.vector_store_idx %arg11[%select_n3A_704, %broadcast_in_dim3A_992], %gather3A_990 : memref<704x128xf32, #tpu.memory_space<vmem>>[vector<16xi32>, vector<16xi32>], vector<16xf32>,
              %broadcast_in_dim3A_993 = arith.constant 7 : i32
              %broadcast_in_dim3A_994 = vector.broadcast %broadcast_in_dim3A_993 : i32 to vector<16xi32>
              %gather3A_995 = tpu.vector_load_idx %arg10[%broadcast_in_dim3A_672, %broadcast_in_dim3A_957, %broadcast_in_dim3A_994, %select_n3A_701] : memref<2x8x8x128xf32, #tpu.memory_space<vmem>>[vector<16xi32>, vector<16xi32>, vector<16xi32>, vector<16xi32>], vector<16xf32>,
              %broadcast_in_dim3A_996 = arith.constant 55 : i32
              %broadcast_in_dim3A_997 = vector.broadcast %broadcast_in_dim3A_996 : i32 to vector<16xi32>
              tpu.vector_store_idx %arg11[%select_n3A_704, %broadcast_in_dim3A_997], %gather3A_995 : memref<704x128xf32, #tpu.memory_space<vmem>>[vector<16xi32>, vector<16xi32>], vector<16xf32>,
              %broadcast_in_dim3A_998 = arith.constant 7 : i32
              %broadcast_in_dim3A_999 = vector.broadcast %broadcast_in_dim3A_998 : i32 to vector<16xi32>
              %broadcast_in_dim3A_1000 = arith.constant 0 : i32
              %broadcast_in_dim3A_1001 = vector.broadcast %broadcast_in_dim3A_1000 : i32 to vector<16xi32>
              %gather3A_1002 = tpu.vector_load_idx %arg10[%broadcast_in_dim3A_672, %broadcast_in_dim3A_999, %broadcast_in_dim3A_1001, %select_n3A_701] : memref<2x8x8x128xf32, #tpu.memory_space<vmem>>[vector<16xi32>, vector<16xi32>, vector<16xi32>, vector<16xi32>], vector<16xf32>,
              %broadcast_in_dim3A_1003 = arith.constant 56 : i32
              %broadcast_in_dim3A_1004 = vector.broadcast %broadcast_in_dim3A_1003 : i32 to vector<16xi32>
              tpu.vector_store_idx %arg11[%select_n3A_704, %broadcast_in_dim3A_1004], %gather3A_1002 : memref<704x128xf32, #tpu.memory_space<vmem>>[vector<16xi32>, vector<16xi32>], vector<16xf32>,
              %broadcast_in_dim3A_1005 = arith.constant 1 : i32
              %broadcast_in_dim3A_1006 = vector.broadcast %broadcast_in_dim3A_1005 : i32 to vector<16xi32>
              %gather3A_1007 = tpu.vector_load_idx %arg10[%broadcast_in_dim3A_672, %broadcast_in_dim3A_999, %broadcast_in_dim3A_1006, %select_n3A_701] : memref<2x8x8x128xf32, #tpu.memory_space<vmem>>[vector<16xi32>, vector<16xi32>, vector<16xi32>, vector<16xi32>], vector<16xf32>,
              %broadcast_in_dim3A_1008 = arith.constant 57 : i32
              %broadcast_in_dim3A_1009 = vector.broadcast %broadcast_in_dim3A_1008 : i32 to vector<16xi32>
              tpu.vector_store_idx %arg11[%select_n3A_704, %broadcast_in_dim3A_1009], %gather3A_1007 : memref<704x128xf32, #tpu.memory_space<vmem>>[vector<16xi32>, vector<16xi32>], vector<16xf32>,
              %broadcast_in_dim3A_1010 = arith.constant 2 : i32
              %broadcast_in_dim3A_1011 = vector.broadcast %broadcast_in_dim3A_1010 : i32 to vector<16xi32>
              %gather3A_1012 = tpu.vector_load_idx %arg10[%broadcast_in_dim3A_672, %broadcast_in_dim3A_999, %broadcast_in_dim3A_1011, %select_n3A_701] : memref<2x8x8x128xf32, #tpu.memory_space<vmem>>[vector<16xi32>, vector<16xi32>, vector<16xi32>, vector<16xi32>], vector<16xf32>,
              %broadcast_in_dim3A_1013 = arith.constant 58 : i32
              %broadcast_in_dim3A_1014 = vector.broadcast %broadcast_in_dim3A_1013 : i32 to vector<16xi32>
              tpu.vector_store_idx %arg11[%select_n3A_704, %broadcast_in_dim3A_1014], %gather3A_1012 : memref<704x128xf32, #tpu.memory_space<vmem>>[vector<16xi32>, vector<16xi32>], vector<16xf32>,
              %broadcast_in_dim3A_1015 = arith.constant 3 : i32
              %broadcast_in_dim3A_1016 = vector.broadcast %broadcast_in_dim3A_1015 : i32 to vector<16xi32>
              %gather3A_1017 = tpu.vector_load_idx %arg10[%broadcast_in_dim3A_672, %broadcast_in_dim3A_999, %broadcast_in_dim3A_1016, %select_n3A_701] : memref<2x8x8x128xf32, #tpu.memory_space<vmem>>[vector<16xi32>, vector<16xi32>, vector<16xi32>, vector<16xi32>], vector<16xf32>,
              %broadcast_in_dim3A_1018 = arith.constant 59 : i32
              %broadcast_in_dim3A_1019 = vector.broadcast %broadcast_in_dim3A_1018 : i32 to vector<16xi32>
              tpu.vector_store_idx %arg11[%select_n3A_704, %broadcast_in_dim3A_1019], %gather3A_1017 : memref<704x128xf32, #tpu.memory_space<vmem>>[vector<16xi32>, vector<16xi32>], vector<16xf32>,
              %broadcast_in_dim3A_1020 = arith.constant 4 : i32
              %broadcast_in_dim3A_1021 = vector.broadcast %broadcast_in_dim3A_1020 : i32 to vector<16xi32>
              %gather3A_1022 = tpu.vector_load_idx %arg10[%broadcast_in_dim3A_672, %broadcast_in_dim3A_999, %broadcast_in_dim3A_1021, %select_n3A_701] : memref<2x8x8x128xf32, #tpu.memory_space<vmem>>[vector<16xi32>, vector<16xi32>, vector<16xi32>, vector<16xi32>], vector<16xf32>,
              %broadcast_in_dim3A_1023 = arith.constant 60 : i32
              %broadcast_in_dim3A_1024 = vector.broadcast %broadcast_in_dim3A_1023 : i32 to vector<16xi32>
              tpu.vector_store_idx %arg11[%select_n3A_704, %broadcast_in_dim3A_1024], %gather3A_1022 : memref<704x128xf32, #tpu.memory_space<vmem>>[vector<16xi32>, vector<16xi32>], vector<16xf32>,
              %broadcast_in_dim3A_1025 = arith.constant 5 : i32
              %broadcast_in_dim3A_1026 = vector.broadcast %broadcast_in_dim3A_1025 : i32 to vector<16xi32>
              %gather3A_1027 = tpu.vector_load_idx %arg10[%broadcast_in_dim3A_672, %broadcast_in_dim3A_999, %broadcast_in_dim3A_1026, %select_n3A_701] : memref<2x8x8x128xf32, #tpu.memory_space<vmem>>[vector<16xi32>, vector<16xi32>, vector<16xi32>, vector<16xi32>], vector<16xf32>,
              %broadcast_in_dim3A_1028 = arith.constant 61 : i32
              %broadcast_in_dim3A_1029 = vector.broadcast %broadcast_in_dim3A_1028 : i32 to vector<16xi32>
              tpu.vector_store_idx %arg11[%select_n3A_704, %broadcast_in_dim3A_1029], %gather3A_1027 : memref<704x128xf32, #tpu.memory_space<vmem>>[vector<16xi32>, vector<16xi32>], vector<16xf32>,
              %broadcast_in_dim3A_1030 = arith.constant 6 : i32
              %broadcast_in_dim3A_1031 = vector.broadcast %broadcast_in_dim3A_1030 : i32 to vector<16xi32>
              %gather3A_1032 = tpu.vector_load_idx %arg10[%broadcast_in_dim3A_672, %broadcast_in_dim3A_999, %broadcast_in_dim3A_1031, %select_n3A_701] : memref<2x8x8x128xf32, #tpu.memory_space<vmem>>[vector<16xi32>, vector<16xi32>, vector<16xi32>, vector<16xi32>], vector<16xf32>,
              %broadcast_in_dim3A_1033 = arith.constant 62 : i32
              %broadcast_in_dim3A_1034 = vector.broadcast %broadcast_in_dim3A_1033 : i32 to vector<16xi32>
              tpu.vector_store_idx %arg11[%select_n3A_704, %broadcast_in_dim3A_1034], %gather3A_1032 : memref<704x128xf32, #tpu.memory_space<vmem>>[vector<16xi32>, vector<16xi32>], vector<16xf32>,
              %broadcast_in_dim3A_1035 = arith.constant 7 : i32
              %broadcast_in_dim3A_1036 = vector.broadcast %broadcast_in_dim3A_1035 : i32 to vector<16xi32>
              %gather3A_1037 = tpu.vector_load_idx %arg10[%broadcast_in_dim3A_672, %broadcast_in_dim3A_999, %broadcast_in_dim3A_1036, %select_n3A_701] : memref<2x8x8x128xf32, #tpu.memory_space<vmem>>[vector<16xi32>, vector<16xi32>, vector<16xi32>, vector<16xi32>], vector<16xf32>,
              %broadcast_in_dim3A_1038 = arith.constant 63 : i32
              %broadcast_in_dim3A_1039 = vector.broadcast %broadcast_in_dim3A_1038 : i32 to vector<16xi32>
              tpu.vector_store_idx %arg11[%select_n3A_704, %broadcast_in_dim3A_1039], %gather3A_1037 : memref<704x128xf32, #tpu.memory_space<vmem>>[vector<16xi32>, vector<16xi32>], vector<16xf32>,
            } else {
            }
          }
          %scan3A_678 = arith.constant 36 : i32
        }
        %scan3A_166 = arith.constant 123 : i32
        %dma_start3A_167 = arith.constant 0 : i32
        %dma_start3A_168 = arith.constant 0 : i32
        %dma_start3A_169 = arith.constant 0 : i32
        %dma_start3A_170 = arith.constant 0 : i32
        %dma_start3A_171 = arith.constant 0 : i32
        %dma_start3A_172 = tpu.memref_slice %arg10[%dma_start3A_168, %dma_start3A_169, %dma_start3A_170, %dma_start3A_171] : memref<2x8x8x128xf32, #tpu.memory_space<vmem>> -> memref<1x1x8x128xf32, #tpu.memory_space<vmem>>
        %dma_start3A_173 = tpu.memref_squeeze %dma_start3A_172 : memref<1x1x8x128xf32, #tpu.memory_space<vmem>> -> memref<8x128xf32, #tpu.memory_space<vmem>>
        %dma_start3A_174 = arith.constant 0 : i32
        %dma_start3A_175 = arith.constant 0 : i32
        %dma_start3A_176 = tpu.memref_slice %arg3[%dma_start3A_167, %dma_start3A_174, %dma_start3A_175] : memref<8x8x128xf32, #tpu.memory_space<hbm>> -> memref<1x8x128xf32, #tpu.memory_space<hbm>>
        %dma_start3A_177 = tpu.memref_squeeze %dma_start3A_176 : memref<1x8x128xf32, #tpu.memory_space<hbm>> -> memref<8x128xf32, #tpu.memory_space<hbm>>
        %dma_start3A_178 = arith.constant 0 : i32
        %dma_start3A_179 = arith.constant 0 : i32
        %dma_start3A_180 = tpu.memref_slice %arg10[%dma_start3A_168, %dma_start3A_169, %dma_start3A_178, %dma_start3A_179] : memref<2x8x8x128xf32, #tpu.memory_space<vmem>> -> memref<1x1x8x128xf32, #tpu.memory_space<vmem>>
        %dma_start3A_181 = tpu.memref_squeeze %dma_start3A_180 : memref<1x1x8x128xf32, #tpu.memory_space<vmem>> -> memref<8x128xf32, #tpu.memory_space<vmem>>
        %dma_start3A_182 = arith.constant 0 : i32
        %dma_start3A_183 = arith.constant 0 : i32
        %dma_start3A_184 = tpu.memref_slice %arg3[%dma_start3A_167, %dma_start3A_182, %dma_start3A_183] : memref<8x8x128xf32, #tpu.memory_space<hbm>> -> memref<1x8x128xf32, #tpu.memory_space<hbm>>
        %dma_start3A_185 = tpu.memref_squeeze %dma_start3A_184 : memref<1x8x128xf32, #tpu.memory_space<hbm>> -> memref<8x128xf32, #tpu.memory_space<hbm>>
        tpu.enqueue_dma source(%dma_start3A_185 : memref<8x128xf32, #tpu.memory_space<hbm>>) target(%dma_start3A_181 : memref<8x128xf32, #tpu.memory_space<vmem>>) target_semaphore(%arg13 : memref<!tpu.dma_semaphore, #tpu.memory_space<semaphore_mem>>)
        %dma_start3A_186 = arith.constant 1 : i32
        %dma_start3A_187 = arith.constant 0 : i32
        %dma_start3A_188 = arith.constant 1 : i32
        %dma_start3A_189 = arith.constant 0 : i32
        %dma_start3A_190 = arith.constant 0 : i32
        %dma_start3A_191 = tpu.memref_slice %arg10[%dma_start3A_187, %dma_start3A_188, %dma_start3A_189, %dma_start3A_190] : memref<2x8x8x128xf32, #tpu.memory_space<vmem>> -> memref<1x1x8x128xf32, #tpu.memory_space<vmem>>
        %dma_start3A_192 = tpu.memref_squeeze %dma_start3A_191 : memref<1x1x8x128xf32, #tpu.memory_space<vmem>> -> memref<8x128xf32, #tpu.memory_space<vmem>>
        %dma_start3A_193 = arith.constant 0 : i32
        %dma_start3A_194 = arith.constant 0 : i32
        %dma_start3A_195 = tpu.memref_slice %arg3[%dma_start3A_186, %dma_start3A_193, %dma_start3A_194] : memref<8x8x128xf32, #tpu.memory_space<hbm>> -> memref<1x8x128xf32, #tpu.memory_space<hbm>>
        %dma_start3A_196 = tpu.memref_squeeze %dma_start3A_195 : memref<1x8x128xf32, #tpu.memory_space<hbm>> -> memref<8x128xf32, #tpu.memory_space<hbm>>
        %dma_start3A_197 = arith.constant 0 : i32
        %dma_start3A_198 = arith.constant 0 : i32
        %dma_start3A_199 = tpu.memref_slice %arg10[%dma_start3A_187, %dma_start3A_188, %dma_start3A_197, %dma_start3A_198] : memref<2x8x8x128xf32, #tpu.memory_space<vmem>> -> memref<1x1x8x128xf32, #tpu.memory_space<vmem>>
        %dma_start3A_200 = tpu.memref_squeeze %dma_start3A_199 : memref<1x1x8x128xf32, #tpu.memory_space<vmem>> -> memref<8x128xf32, #tpu.memory_space<vmem>>
        %dma_start3A_201 = arith.constant 0 : i32
        %dma_start3A_202 = arith.constant 0 : i32
        %dma_start3A_203 = tpu.memref_slice %arg3[%dma_start3A_186, %dma_start3A_201, %dma_start3A_202] : memref<8x8x128xf32, #tpu.memory_space<hbm>> -> memref<1x8x128xf32, #tpu.memory_space<hbm>>
        %dma_start3A_204 = tpu.memref_squeeze %dma_start3A_203 : memref<1x8x128xf32, #tpu.memory_space<hbm>> -> memref<8x128xf32, #tpu.memory_space<hbm>>
        tpu.enqueue_dma source(%dma_start3A_204 : memref<8x128xf32, #tpu.memory_space<hbm>>) target(%dma_start3A_200 : memref<8x128xf32, #tpu.memory_space<vmem>>) target_semaphore(%arg13 : memref<!tpu.dma_semaphore, #tpu.memory_space<semaphore_mem>>)
        %dma_start3A_205 = arith.constant 2 : i32
        %dma_start3A_206 = arith.constant 0 : i32
        %dma_start3A_207 = arith.constant 2 : i32
        %dma_start3A_208 = arith.constant 0 : i32
        %dma_start3A_209 = arith.constant 0 : i32
        %dma_start3A_210 = tpu.memref_slice %arg10[%dma_start3A_206, %dma_start3A_207, %dma_start3A_208, %dma_start3A_209] : memref<2x8x8x128xf32, #tpu.memory_space<vmem>> -> memref<1x1x8x128xf32, #tpu.memory_space<vmem>>
        %dma_start3A_211 = tpu.memref_squeeze %dma_start3A_210 : memref<1x1x8x128xf32, #tpu.memory_space<vmem>> -> memref<8x128xf32, #tpu.memory_space<vmem>>
        %dma_start3A_212 = arith.constant 0 : i32
        %dma_start3A_213 = arith.constant 0 : i32
        %dma_start3A_214 = tpu.memref_slice %arg3[%dma_start3A_205, %dma_start3A_212, %dma_start3A_213] : memref<8x8x128xf32, #tpu.memory_space<hbm>> -> memref<1x8x128xf32, #tpu.memory_space<hbm>>
        %dma_start3A_215 = tpu.memref_squeeze %dma_start3A_214 : memref<1x8x128xf32, #tpu.memory_space<hbm>> -> memref<8x128xf32, #tpu.memory_space<hbm>>
        %dma_start3A_216 = arith.constant 0 : i32
        %dma_start3A_217 = arith.constant 0 : i32
        %dma_start3A_218 = tpu.memref_slice %arg10[%dma_start3A_206, %dma_start3A_207, %dma_start3A_216, %dma_start3A_217] : memref<2x8x8x128xf32, #tpu.memory_space<vmem>> -> memref<1x1x8x128xf32, #tpu.memory_space<vmem>>
        %dma_start3A_219 = tpu.memref_squeeze %dma_start3A_218 : memref<1x1x8x128xf32, #tpu.memory_space<vmem>> -> memref<8x128xf32, #tpu.memory_space<vmem>>
        %dma_start3A_220 = arith.constant 0 : i32
        %dma_start3A_221 = arith.constant 0 : i32
        %dma_start3A_222 = tpu.memref_slice %arg3[%dma_start3A_205, %dma_start3A_220, %dma_start3A_221] : memref<8x8x128xf32, #tpu.memory_space<hbm>> -> memref<1x8x128xf32, #tpu.memory_space<hbm>>
        %dma_start3A_223 = tpu.memref_squeeze %dma_start3A_222 : memref<1x8x128xf32, #tpu.memory_space<hbm>> -> memref<8x128xf32, #tpu.memory_space<hbm>>
        tpu.enqueue_dma source(%dma_start3A_223 : memref<8x128xf32, #tpu.memory_space<hbm>>) target(%dma_start3A_219 : memref<8x128xf32, #tpu.memory_space<vmem>>) target_semaphore(%arg13 : memref<!tpu.dma_semaphore, #tpu.memory_space<semaphore_mem>>)
        %dma_start3A_224 = arith.constant 3 : i32
        %dma_start3A_225 = arith.constant 0 : i32
        %dma_start3A_226 = arith.constant 3 : i32
        %dma_start3A_227 = arith.constant 0 : i32
        %dma_start3A_228 = arith.constant 0 : i32
        %dma_start3A_229 = tpu.memref_slice %arg10[%dma_start3A_225, %dma_start3A_226, %dma_start3A_227, %dma_start3A_228] : memref<2x8x8x128xf32, #tpu.memory_space<vmem>> -> memref<1x1x8x128xf32, #tpu.memory_space<vmem>>
        %dma_start3A_230 = tpu.memref_squeeze %dma_start3A_229 : memref<1x1x8x128xf32, #tpu.memory_space<vmem>> -> memref<8x128xf32, #tpu.memory_space<vmem>>
        %dma_start3A_231 = arith.constant 0 : i32
        %dma_start3A_232 = arith.constant 0 : i32
        %dma_start3A_233 = tpu.memref_slice %arg3[%dma_start3A_224, %dma_start3A_231, %dma_start3A_232] : memref<8x8x128xf32, #tpu.memory_space<hbm>> -> memref<1x8x128xf32, #tpu.memory_space<hbm>>
        %dma_start3A_234 = tpu.memref_squeeze %dma_start3A_233 : memref<1x8x128xf32, #tpu.memory_space<hbm>> -> memref<8x128xf32, #tpu.memory_space<hbm>>
        %dma_start3A_235 = arith.constant 0 : i32
        %dma_start3A_236 = arith.constant 0 : i32
        %dma_start3A_237 = tpu.memref_slice %arg10[%dma_start3A_225, %dma_start3A_226, %dma_start3A_235, %dma_start3A_236] : memref<2x8x8x128xf32, #tpu.memory_space<vmem>> -> memref<1x1x8x128xf32, #tpu.memory_space<vmem>>
        %dma_start3A_238 = tpu.memref_squeeze %dma_start3A_237 : memref<1x1x8x128xf32, #tpu.memory_space<vmem>> -> memref<8x128xf32, #tpu.memory_space<vmem>>
        %dma_start3A_239 = arith.constant 0 : i32
        %dma_start3A_240 = arith.constant 0 : i32
        %dma_start3A_241 = tpu.memref_slice %arg3[%dma_start3A_224, %dma_start3A_239, %dma_start3A_240] : memref<8x8x128xf32, #tpu.memory_space<hbm>> -> memref<1x8x128xf32, #tpu.memory_space<hbm>>
        %dma_start3A_242 = tpu.memref_squeeze %dma_start3A_241 : memref<1x8x128xf32, #tpu.memory_space<hbm>> -> memref<8x128xf32, #tpu.memory_space<hbm>>
        tpu.enqueue_dma source(%dma_start3A_242 : memref<8x128xf32, #tpu.memory_space<hbm>>) target(%dma_start3A_238 : memref<8x128xf32, #tpu.memory_space<vmem>>) target_semaphore(%arg13 : memref<!tpu.dma_semaphore, #tpu.memory_space<semaphore_mem>>)
        %dma_start3A_243 = arith.constant 4 : i32
        %dma_start3A_244 = arith.constant 0 : i32
        %dma_start3A_245 = arith.constant 4 : i32
        %dma_start3A_246 = arith.constant 0 : i32
        %dma_start3A_247 = arith.constant 0 : i32
        %dma_start3A_248 = tpu.memref_slice %arg10[%dma_start3A_244, %dma_start3A_245, %dma_start3A_246, %dma_start3A_247] : memref<2x8x8x128xf32, #tpu.memory_space<vmem>> -> memref<1x1x8x128xf32, #tpu.memory_space<vmem>>
        %dma_start3A_249 = tpu.memref_squeeze %dma_start3A_248 : memref<1x1x8x128xf32, #tpu.memory_space<vmem>> -> memref<8x128xf32, #tpu.memory_space<vmem>>
        %dma_start3A_250 = arith.constant 0 : i32
        %dma_start3A_251 = arith.constant 0 : i32
        %dma_start3A_252 = tpu.memref_slice %arg3[%dma_start3A_243, %dma_start3A_250, %dma_start3A_251] : memref<8x8x128xf32, #tpu.memory_space<hbm>> -> memref<1x8x128xf32, #tpu.memory_space<hbm>>
        %dma_start3A_253 = tpu.memref_squeeze %dma_start3A_252 : memref<1x8x128xf32, #tpu.memory_space<hbm>> -> memref<8x128xf32, #tpu.memory_space<hbm>>
        %dma_start3A_254 = arith.constant 0 : i32
        %dma_start3A_255 = arith.constant 0 : i32
        %dma_start3A_256 = tpu.memref_slice %arg10[%dma_start3A_244, %dma_start3A_245, %dma_start3A_254, %dma_start3A_255] : memref<2x8x8x128xf32, #tpu.memory_space<vmem>> -> memref<1x1x8x128xf32, #tpu.memory_space<vmem>>
        %dma_start3A_257 = tpu.memref_squeeze %dma_start3A_256 : memref<1x1x8x128xf32, #tpu.memory_space<vmem>> -> memref<8x128xf32, #tpu.memory_space<vmem>>
        %dma_start3A_258 = arith.constant 0 : i32
        %dma_start3A_259 = arith.constant 0 : i32
        %dma_start3A_260 = tpu.memref_slice %arg3[%dma_start3A_243, %dma_start3A_258, %dma_start3A_259] : memref<8x8x128xf32, #tpu.memory_space<hbm>> -> memref<1x8x128xf32, #tpu.memory_space<hbm>>
        %dma_start3A_261 = tpu.memref_squeeze %dma_start3A_260 : memref<1x8x128xf32, #tpu.memory_space<hbm>> -> memref<8x128xf32, #tpu.memory_space<hbm>>
        tpu.enqueue_dma source(%dma_start3A_261 : memref<8x128xf32, #tpu.memory_space<hbm>>) target(%dma_start3A_257 : memref<8x128xf32, #tpu.memory_space<vmem>>) target_semaphore(%arg13 : memref<!tpu.dma_semaphore, #tpu.memory_space<semaphore_mem>>)
        %dma_start3A_262 = arith.constant 5 : i32
        %dma_start3A_263 = arith.constant 0 : i32
        %dma_start3A_264 = arith.constant 5 : i32
        %dma_start3A_265 = arith.constant 0 : i32
        %dma_start3A_266 = arith.constant 0 : i32
        %dma_start3A_267 = tpu.memref_slice %arg10[%dma_start3A_263, %dma_start3A_264, %dma_start3A_265, %dma_start3A_266] : memref<2x8x8x128xf32, #tpu.memory_space<vmem>> -> memref<1x1x8x128xf32, #tpu.memory_space<vmem>>
        %dma_start3A_268 = tpu.memref_squeeze %dma_start3A_267 : memref<1x1x8x128xf32, #tpu.memory_space<vmem>> -> memref<8x128xf32, #tpu.memory_space<vmem>>
        %dma_start3A_269 = arith.constant 0 : i32
        %dma_start3A_270 = arith.constant 0 : i32
        %dma_start3A_271 = tpu.memref_slice %arg3[%dma_start3A_262, %dma_start3A_269, %dma_start3A_270] : memref<8x8x128xf32, #tpu.memory_space<hbm>> -> memref<1x8x128xf32, #tpu.memory_space<hbm>>
        %dma_start3A_272 = tpu.memref_squeeze %dma_start3A_271 : memref<1x8x128xf32, #tpu.memory_space<hbm>> -> memref<8x128xf32, #tpu.memory_space<hbm>>
        %dma_start3A_273 = arith.constant 0 : i32
        %dma_start3A_274 = arith.constant 0 : i32
        %dma_start3A_275 = tpu.memref_slice %arg10[%dma_start3A_263, %dma_start3A_264, %dma_start3A_273, %dma_start3A_274] : memref<2x8x8x128xf32, #tpu.memory_space<vmem>> -> memref<1x1x8x128xf32, #tpu.memory_space<vmem>>
        %dma_start3A_276 = tpu.memref_squeeze %dma_start3A_275 : memref<1x1x8x128xf32, #tpu.memory_space<vmem>> -> memref<8x128xf32, #tpu.memory_space<vmem>>
        %dma_start3A_277 = arith.constant 0 : i32
        %dma_start3A_278 = arith.constant 0 : i32
        %dma_start3A_279 = tpu.memref_slice %arg3[%dma_start3A_262, %dma_start3A_277, %dma_start3A_278] : memref<8x8x128xf32, #tpu.memory_space<hbm>> -> memref<1x8x128xf32, #tpu.memory_space<hbm>>
        %dma_start3A_280 = tpu.memref_squeeze %dma_start3A_279 : memref<1x8x128xf32, #tpu.memory_space<hbm>> -> memref<8x128xf32, #tpu.memory_space<hbm>>
        tpu.enqueue_dma source(%dma_start3A_280 : memref<8x128xf32, #tpu.memory_space<hbm>>) target(%dma_start3A_276 : memref<8x128xf32, #tpu.memory_space<vmem>>) target_semaphore(%arg13 : memref<!tpu.dma_semaphore, #tpu.memory_space<semaphore_mem>>)
        %dma_start3A_281 = arith.constant 6 : i32
        %dma_start3A_282 = arith.constant 0 : i32
        %dma_start3A_283 = arith.constant 6 : i32
        %dma_start3A_284 = arith.constant 0 : i32
        %dma_start3A_285 = arith.constant 0 : i32
        %dma_start3A_286 = tpu.memref_slice %arg10[%dma_start3A_282, %dma_start3A_283, %dma_start3A_284, %dma_start3A_285] : memref<2x8x8x128xf32, #tpu.memory_space<vmem>> -> memref<1x1x8x128xf32, #tpu.memory_space<vmem>>
        %dma_start3A_287 = tpu.memref_squeeze %dma_start3A_286 : memref<1x1x8x128xf32, #tpu.memory_space<vmem>> -> memref<8x128xf32, #tpu.memory_space<vmem>>
        %dma_start3A_288 = arith.constant 0 : i32
        %dma_start3A_289 = arith.constant 0 : i32
        %dma_start3A_290 = tpu.memref_slice %arg3[%dma_start3A_281, %dma_start3A_288, %dma_start3A_289] : memref<8x8x128xf32, #tpu.memory_space<hbm>> -> memref<1x8x128xf32, #tpu.memory_space<hbm>>
        %dma_start3A_291 = tpu.memref_squeeze %dma_start3A_290 : memref<1x8x128xf32, #tpu.memory_space<hbm>> -> memref<8x128xf32, #tpu.memory_space<hbm>>
        %dma_start3A_292 = arith.constant 0 : i32
        %dma_start3A_293 = arith.constant 0 : i32
        %dma_start3A_294 = tpu.memref_slice %arg10[%dma_start3A_282, %dma_start3A_283, %dma_start3A_292, %dma_start3A_293] : memref<2x8x8x128xf32, #tpu.memory_space<vmem>> -> memref<1x1x8x128xf32, #tpu.memory_space<vmem>>
        %dma_start3A_295 = tpu.memref_squeeze %dma_start3A_294 : memref<1x1x8x128xf32, #tpu.memory_space<vmem>> -> memref<8x128xf32, #tpu.memory_space<vmem>>
        %dma_start3A_296 = arith.constant 0 : i32
        %dma_start3A_297 = arith.constant 0 : i32
        %dma_start3A_298 = tpu.memref_slice %arg3[%dma_start3A_281, %dma_start3A_296, %dma_start3A_297] : memref<8x8x128xf32, #tpu.memory_space<hbm>> -> memref<1x8x128xf32, #tpu.memory_space<hbm>>
        %dma_start3A_299 = tpu.memref_squeeze %dma_start3A_298 : memref<1x8x128xf32, #tpu.memory_space<hbm>> -> memref<8x128xf32, #tpu.memory_space<hbm>>
        tpu.enqueue_dma source(%dma_start3A_299 : memref<8x128xf32, #tpu.memory_space<hbm>>) target(%dma_start3A_295 : memref<8x128xf32, #tpu.memory_space<vmem>>) target_semaphore(%arg13 : memref<!tpu.dma_semaphore, #tpu.memory_space<semaphore_mem>>)
        %dma_start3A_300 = arith.constant 7 : i32
        %dma_start3A_301 = arith.constant 0 : i32
        %dma_start3A_302 = arith.constant 7 : i32
        %dma_start3A_303 = arith.constant 0 : i32
        %dma_start3A_304 = arith.constant 0 : i32
        %dma_start3A_305 = tpu.memref_slice %arg10[%dma_start3A_301, %dma_start3A_302, %dma_start3A_303, %dma_start3A_304] : memref<2x8x8x128xf32, #tpu.memory_space<vmem>> -> memref<1x1x8x128xf32, #tpu.memory_space<vmem>>
        %dma_start3A_306 = tpu.memref_squeeze %dma_start3A_305 : memref<1x1x8x128xf32, #tpu.memory_space<vmem>> -> memref<8x128xf32, #tpu.memory_space<vmem>>
        %dma_start3A_307 = arith.constant 0 : i32
        %dma_start3A_308 = arith.constant 0 : i32
        %dma_start3A_309 = tpu.memref_slice %arg3[%dma_start3A_300, %dma_start3A_307, %dma_start3A_308] : memref<8x8x128xf32, #tpu.memory_space<hbm>> -> memref<1x8x128xf32, #tpu.memory_space<hbm>>
        %dma_start3A_310 = tpu.memref_squeeze %dma_start3A_309 : memref<1x8x128xf32, #tpu.memory_space<hbm>> -> memref<8x128xf32, #tpu.memory_space<hbm>>
        %dma_start3A_311 = arith.constant 0 : i32
        %dma_start3A_312 = arith.constant 0 : i32
        %dma_start3A_313 = tpu.memref_slice %arg10[%dma_start3A_301, %dma_start3A_302, %dma_start3A_311, %dma_start3A_312] : memref<2x8x8x128xf32, #tpu.memory_space<vmem>> -> memref<1x1x8x128xf32, #tpu.memory_space<vmem>>
        %dma_start3A_314 = tpu.memref_squeeze %dma_start3A_313 : memref<1x1x8x128xf32, #tpu.memory_space<vmem>> -> memref<8x128xf32, #tpu.memory_space<vmem>>
        %dma_start3A_315 = arith.constant 0 : i32
        %dma_start3A_316 = arith.constant 0 : i32
        %dma_start3A_317 = tpu.memref_slice %arg3[%dma_start3A_300, %dma_start3A_315, %dma_start3A_316] : memref<8x8x128xf32, #tpu.memory_space<hbm>> -> memref<1x8x128xf32, #tpu.memory_space<hbm>>
        %dma_start3A_318 = tpu.memref_squeeze %dma_start3A_317 : memref<1x8x128xf32, #tpu.memory_space<hbm>> -> memref<8x128xf32, #tpu.memory_space<hbm>>
        tpu.enqueue_dma source(%dma_start3A_318 : memref<8x128xf32, #tpu.memory_space<hbm>>) target(%dma_start3A_314 : memref<8x128xf32, #tpu.memory_space<vmem>>) target_semaphore(%arg13 : memref<!tpu.dma_semaphore, #tpu.memory_space<semaphore_mem>>)
        %dma_wait3A = arith.constant 0 : i32
        %dma_wait3A_319 = arith.constant 0 : i32
        %dma_wait3A_320 = arith.constant 0 : i32
        %dma_wait3A_321 = arith.constant 0 : i32
        %dma_wait3A_322 = arith.constant 0 : i32
        %dma_wait3A_323 = tpu.memref_slice %arg10[%dma_wait3A_319, %dma_wait3A_320, %dma_wait3A_321, %dma_wait3A_322] : memref<2x8x8x128xf32, #tpu.memory_space<vmem>> -> memref<1x1x8x128xf32, #tpu.memory_space<vmem>>
        %dma_wait3A_324 = tpu.memref_squeeze %dma_wait3A_323 : memref<1x1x8x128xf32, #tpu.memory_space<vmem>> -> memref<8x128xf32, #tpu.memory_space<vmem>>
        %dma_wait3A_325 = arith.constant 0 : i32
        %dma_wait3A_326 = arith.constant 0 : i32
        %dma_wait3A_327 = tpu.memref_slice %arg3[%dma_wait3A, %dma_wait3A_325, %dma_wait3A_326] : memref<8x8x128xf32, #tpu.memory_space<hbm>> -> memref<1x8x128xf32, #tpu.memory_space<hbm>>
        %dma_wait3A_328 = tpu.memref_squeeze %dma_wait3A_327 : memref<1x8x128xf32, #tpu.memory_space<hbm>> -> memref<8x128xf32, #tpu.memory_space<hbm>>
        %dma_wait3A_329 = arith.constant 0 : i32
        %dma_wait3A_330 = arith.constant 0 : i32
        %dma_wait3A_331 = tpu.memref_slice %arg10[%dma_wait3A_319, %dma_wait3A_320, %dma_wait3A_329, %dma_wait3A_330] : memref<2x8x8x128xf32, #tpu.memory_space<vmem>> -> memref<1x1x8x128xf32, #tpu.memory_space<vmem>>
        %dma_wait3A_332 = tpu.memref_squeeze %dma_wait3A_331 : memref<1x1x8x128xf32, #tpu.memory_space<vmem>> -> memref<8x128xf32, #tpu.memory_space<vmem>>
        %dma_wait3A_333 = arith.constant 0 : i32
        %dma_wait3A_334 = arith.constant 0 : i32
        %dma_wait3A_335 = tpu.memref_slice %arg3[%dma_wait3A, %dma_wait3A_333, %dma_wait3A_334] : memref<8x8x128xf32, #tpu.memory_space<hbm>> -> memref<1x8x128xf32, #tpu.memory_space<hbm>>
        %dma_wait3A_336 = tpu.memref_squeeze %dma_wait3A_335 : memref<1x8x128xf32, #tpu.memory_space<hbm>> -> memref<8x128xf32, #tpu.memory_space<hbm>>
        tpu.wait_dma2 semaphore(%arg13 : memref<!tpu.dma_semaphore, #tpu.memory_space<semaphore_mem>>) src(%dma_wait3A_336 : memref<8x128xf32, #tpu.memory_space<hbm>>) dst(%dma_wait3A_332 : memref<8x128xf32, #tpu.memory_space<vmem>>)
        %dma_wait3A_337 = arith.constant 1 : i32
        %dma_wait3A_338 = arith.constant 0 : i32
        %dma_wait3A_339 = arith.constant 1 : i32
        %dma_wait3A_340 = arith.constant 0 : i32
        %dma_wait3A_341 = arith.constant 0 : i32
        %dma_wait3A_342 = tpu.memref_slice %arg10[%dma_wait3A_338, %dma_wait3A_339, %dma_wait3A_340, %dma_wait3A_341] : memref<2x8x8x128xf32, #tpu.memory_space<vmem>> -> memref<1x1x8x128xf32, #tpu.memory_space<vmem>>
        %dma_wait3A_343 = tpu.memref_squeeze %dma_wait3A_342 : memref<1x1x8x128xf32, #tpu.memory_space<vmem>> -> memref<8x128xf32, #tpu.memory_space<vmem>>
        %dma_wait3A_344 = arith.constant 0 : i32
        %dma_wait3A_345 = arith.constant 0 : i32
        %dma_wait3A_346 = tpu.memref_slice %arg3[%dma_wait3A_337, %dma_wait3A_344, %dma_wait3A_345] : memref<8x8x128xf32, #tpu.memory_space<hbm>> -> memref<1x8x128xf32, #tpu.memory_space<hbm>>
        %dma_wait3A_347 = tpu.memref_squeeze %dma_wait3A_346 : memref<1x8x128xf32, #tpu.memory_space<hbm>> -> memref<8x128xf32, #tpu.memory_space<hbm>>
        %dma_wait3A_348 = arith.constant 0 : i32
        %dma_wait3A_349 = arith.constant 0 : i32
        %dma_wait3A_350 = tpu.memref_slice %arg10[%dma_wait3A_338, %dma_wait3A_339, %dma_wait3A_348, %dma_wait3A_349] : memref<2x8x8x128xf32, #tpu.memory_space<vmem>> -> memref<1x1x8x128xf32, #tpu.memory_space<vmem>>
        %dma_wait3A_351 = tpu.memref_squeeze %dma_wait3A_350 : memref<1x1x8x128xf32, #tpu.memory_space<vmem>> -> memref<8x128xf32, #tpu.memory_space<vmem>>
        %dma_wait3A_352 = arith.constant 0 : i32
        %dma_wait3A_353 = arith.constant 0 : i32
        %dma_wait3A_354 = tpu.memref_slice %arg3[%dma_wait3A_337, %dma_wait3A_352, %dma_wait3A_353] : memref<8x8x128xf32, #tpu.memory_space<hbm>> -> memref<1x8x128xf32, #tpu.memory_space<hbm>>
        %dma_wait3A_355 = tpu.memref_squeeze %dma_wait3A_354 : memref<1x8x128xf32, #tpu.memory_space<hbm>> -> memref<8x128xf32, #tpu.memory_space<hbm>>
        tpu.wait_dma2 semaphore(%arg13 : memref<!tpu.dma_semaphore, #tpu.memory_space<semaphore_mem>>) src(%dma_wait3A_355 : memref<8x128xf32, #tpu.memory_space<hbm>>) dst(%dma_wait3A_351 : memref<8x128xf32, #tpu.memory_space<vmem>>)
        %dma_wait3A_356 = arith.constant 2 : i32
        %dma_wait3A_357 = arith.constant 0 : i32
        %dma_wait3A_358 = arith.constant 2 : i32
        %dma_wait3A_359 = arith.constant 0 : i32
        %dma_wait3A_360 = arith.constant 0 : i32
        %dma_wait3A_361 = tpu.memref_slice %arg10[%dma_wait3A_357, %dma_wait3A_358, %dma_wait3A_359, %dma_wait3A_360] : memref<2x8x8x128xf32, #tpu.memory_space<vmem>> -> memref<1x1x8x128xf32, #tpu.memory_space<vmem>>
        %dma_wait3A_362 = tpu.memref_squeeze %dma_wait3A_361 : memref<1x1x8x128xf32, #tpu.memory_space<vmem>> -> memref<8x128xf32, #tpu.memory_space<vmem>>
        %dma_wait3A_363 = arith.constant 0 : i32
        %dma_wait3A_364 = arith.constant 0 : i32
        %dma_wait3A_365 = tpu.memref_slice %arg3[%dma_wait3A_356, %dma_wait3A_363, %dma_wait3A_364] : memref<8x8x128xf32, #tpu.memory_space<hbm>> -> memref<1x8x128xf32, #tpu.memory_space<hbm>>
        %dma_wait3A_366 = tpu.memref_squeeze %dma_wait3A_365 : memref<1x8x128xf32, #tpu.memory_space<hbm>> -> memref<8x128xf32, #tpu.memory_space<hbm>>
        %dma_wait3A_367 = arith.constant 0 : i32
        %dma_wait3A_368 = arith.constant 0 : i32
        %dma_wait3A_369 = tpu.memref_slice %arg10[%dma_wait3A_357, %dma_wait3A_358, %dma_wait3A_367, %dma_wait3A_368] : memref<2x8x8x128xf32, #tpu.memory_space<vmem>> -> memref<1x1x8x128xf32, #tpu.memory_space<vmem>>
        %dma_wait3A_370 = tpu.memref_squeeze %dma_wait3A_369 : memref<1x1x8x128xf32, #tpu.memory_space<vmem>> -> memref<8x128xf32, #tpu.memory_space<vmem>>
        %dma_wait3A_371 = arith.constant 0 : i32
        %dma_wait3A_372 = arith.constant 0 : i32
        %dma_wait3A_373 = tpu.memref_slice %arg3[%dma_wait3A_356, %dma_wait3A_371, %dma_wait3A_372] : memref<8x8x128xf32, #tpu.memory_space<hbm>> -> memref<1x8x128xf32, #tpu.memory_space<hbm>>
        %dma_wait3A_374 = tpu.memref_squeeze %dma_wait3A_373 : memref<1x8x128xf32, #tpu.memory_space<hbm>> -> memref<8x128xf32, #tpu.memory_space<hbm>>
        tpu.wait_dma2 semaphore(%arg13 : memref<!tpu.dma_semaphore, #tpu.memory_space<semaphore_mem>>) src(%dma_wait3A_374 : memref<8x128xf32, #tpu.memory_space<hbm>>) dst(%dma_wait3A_370 : memref<8x128xf32, #tpu.memory_space<vmem>>)
        %dma_wait3A_375 = arith.constant 3 : i32
        %dma_wait3A_376 = arith.constant 0 : i32
        %dma_wait3A_377 = arith.constant 3 : i32
        %dma_wait3A_378 = arith.constant 0 : i32
        %dma_wait3A_379 = arith.constant 0 : i32
        %dma_wait3A_380 = tpu.memref_slice %arg10[%dma_wait3A_376, %dma_wait3A_377, %dma_wait3A_378, %dma_wait3A_379] : memref<2x8x8x128xf32, #tpu.memory_space<vmem>> -> memref<1x1x8x128xf32, #tpu.memory_space<vmem>>
        %dma_wait3A_381 = tpu.memref_squeeze %dma_wait3A_380 : memref<1x1x8x128xf32, #tpu.memory_space<vmem>> -> memref<8x128xf32, #tpu.memory_space<vmem>>
        %dma_wait3A_382 = arith.constant 0 : i32
        %dma_wait3A_383 = arith.constant 0 : i32
        %dma_wait3A_384 = tpu.memref_slice %arg3[%dma_wait3A_375, %dma_wait3A_382, %dma_wait3A_383] : memref<8x8x128xf32, #tpu.memory_space<hbm>> -> memref<1x8x128xf32, #tpu.memory_space<hbm>>
        %dma_wait3A_385 = tpu.memref_squeeze %dma_wait3A_384 : memref<1x8x128xf32, #tpu.memory_space<hbm>> -> memref<8x128xf32, #tpu.memory_space<hbm>>
        %dma_wait3A_386 = arith.constant 0 : i32
        %dma_wait3A_387 = arith.constant 0 : i32
        %dma_wait3A_388 = tpu.memref_slice %arg10[%dma_wait3A_376, %dma_wait3A_377, %dma_wait3A_386, %dma_wait3A_387] : memref<2x8x8x128xf32, #tpu.memory_space<vmem>> -> memref<1x1x8x128xf32, #tpu.memory_space<vmem>>
        %dma_wait3A_389 = tpu.memref_squeeze %dma_wait3A_388 : memref<1x1x8x128xf32, #tpu.memory_space<vmem>> -> memref<8x128xf32, #tpu.memory_space<vmem>>
        %dma_wait3A_390 = arith.constant 0 : i32
        %dma_wait3A_391 = arith.constant 0 : i32
        %dma_wait3A_392 = tpu.memref_slice %arg3[%dma_wait3A_375, %dma_wait3A_390, %dma_wait3A_391] : memref<8x8x128xf32, #tpu.memory_space<hbm>> -> memref<1x8x128xf32, #tpu.memory_space<hbm>>
        %dma_wait3A_393 = tpu.memref_squeeze %dma_wait3A_392 : memref<1x8x128xf32, #tpu.memory_space<hbm>> -> memref<8x128xf32, #tpu.memory_space<hbm>>
        tpu.wait_dma2 semaphore(%arg13 : memref<!tpu.dma_semaphore, #tpu.memory_space<semaphore_mem>>) src(%dma_wait3A_393 : memref<8x128xf32, #tpu.memory_space<hbm>>) dst(%dma_wait3A_389 : memref<8x128xf32, #tpu.memory_space<vmem>>)
        %dma_wait3A_394 = arith.constant 4 : i32
        %dma_wait3A_395 = arith.constant 0 : i32
        %dma_wait3A_396 = arith.constant 4 : i32
        %dma_wait3A_397 = arith.constant 0 : i32
        %dma_wait3A_398 = arith.constant 0 : i32
        %dma_wait3A_399 = tpu.memref_slice %arg10[%dma_wait3A_395, %dma_wait3A_396, %dma_wait3A_397, %dma_wait3A_398] : memref<2x8x8x128xf32, #tpu.memory_space<vmem>> -> memref<1x1x8x128xf32, #tpu.memory_space<vmem>>
        %dma_wait3A_400 = tpu.memref_squeeze %dma_wait3A_399 : memref<1x1x8x128xf32, #tpu.memory_space<vmem>> -> memref<8x128xf32, #tpu.memory_space<vmem>>
        %dma_wait3A_401 = arith.constant 0 : i32
        %dma_wait3A_402 = arith.constant 0 : i32
        %dma_wait3A_403 = tpu.memref_slice %arg3[%dma_wait3A_394, %dma_wait3A_401, %dma_wait3A_402] : memref<8x8x128xf32, #tpu.memory_space<hbm>> -> memref<1x8x128xf32, #tpu.memory_space<hbm>>
        %dma_wait3A_404 = tpu.memref_squeeze %dma_wait3A_403 : memref<1x8x128xf32, #tpu.memory_space<hbm>> -> memref<8x128xf32, #tpu.memory_space<hbm>>
        %dma_wait3A_405 = arith.constant 0 : i32
        %dma_wait3A_406 = arith.constant 0 : i32
        %dma_wait3A_407 = tpu.memref_slice %arg10[%dma_wait3A_395, %dma_wait3A_396, %dma_wait3A_405, %dma_wait3A_406] : memref<2x8x8x128xf32, #tpu.memory_space<vmem>> -> memref<1x1x8x128xf32, #tpu.memory_space<vmem>>
        %dma_wait3A_408 = tpu.memref_squeeze %dma_wait3A_407 : memref<1x1x8x128xf32, #tpu.memory_space<vmem>> -> memref<8x128xf32, #tpu.memory_space<vmem>>
        %dma_wait3A_409 = arith.constant 0 : i32
        %dma_wait3A_410 = arith.constant 0 : i32
        %dma_wait3A_411 = tpu.memref_slice %arg3[%dma_wait3A_394, %dma_wait3A_409, %dma_wait3A_410] : memref<8x8x128xf32, #tpu.memory_space<hbm>> -> memref<1x8x128xf32, #tpu.memory_space<hbm>>
        %dma_wait3A_412 = tpu.memref_squeeze %dma_wait3A_411 : memref<1x8x128xf32, #tpu.memory_space<hbm>> -> memref<8x128xf32, #tpu.memory_space<hbm>>
        tpu.wait_dma2 semaphore(%arg13 : memref<!tpu.dma_semaphore, #tpu.memory_space<semaphore_mem>>) src(%dma_wait3A_412 : memref<8x128xf32, #tpu.memory_space<hbm>>) dst(%dma_wait3A_408 : memref<8x128xf32, #tpu.memory_space<vmem>>)
        %dma_wait3A_413 = arith.constant 5 : i32
        %dma_wait3A_414 = arith.constant 0 : i32
        %dma_wait3A_415 = arith.constant 5 : i32
        %dma_wait3A_416 = arith.constant 0 : i32
        %dma_wait3A_417 = arith.constant 0 : i32
        %dma_wait3A_418 = tpu.memref_slice %arg10[%dma_wait3A_414, %dma_wait3A_415, %dma_wait3A_416, %dma_wait3A_417] : memref<2x8x8x128xf32, #tpu.memory_space<vmem>> -> memref<1x1x8x128xf32, #tpu.memory_space<vmem>>
        %dma_wait3A_419 = tpu.memref_squeeze %dma_wait3A_418 : memref<1x1x8x128xf32, #tpu.memory_space<vmem>> -> memref<8x128xf32, #tpu.memory_space<vmem>>
        %dma_wait3A_420 = arith.constant 0 : i32
        %dma_wait3A_421 = arith.constant 0 : i32
        %dma_wait3A_422 = tpu.memref_slice %arg3[%dma_wait3A_413, %dma_wait3A_420, %dma_wait3A_421] : memref<8x8x128xf32, #tpu.memory_space<hbm>> -> memref<1x8x128xf32, #tpu.memory_space<hbm>>
        %dma_wait3A_423 = tpu.memref_squeeze %dma_wait3A_422 : memref<1x8x128xf32, #tpu.memory_space<hbm>> -> memref<8x128xf32, #tpu.memory_space<hbm>>
        %dma_wait3A_424 = arith.constant 0 : i32
        %dma_wait3A_425 = arith.constant 0 : i32
        %dma_wait3A_426 = tpu.memref_slice %arg10[%dma_wait3A_414, %dma_wait3A_415, %dma_wait3A_424, %dma_wait3A_425] : memref<2x8x8x128xf32, #tpu.memory_space<vmem>> -> memref<1x1x8x128xf32, #tpu.memory_space<vmem>>
        %dma_wait3A_427 = tpu.memref_squeeze %dma_wait3A_426 : memref<1x1x8x128xf32, #tpu.memory_space<vmem>> -> memref<8x128xf32, #tpu.memory_space<vmem>>
        %dma_wait3A_428 = arith.constant 0 : i32
        %dma_wait3A_429 = arith.constant 0 : i32
        %dma_wait3A_430 = tpu.memref_slice %arg3[%dma_wait3A_413, %dma_wait3A_428, %dma_wait3A_429] : memref<8x8x128xf32, #tpu.memory_space<hbm>> -> memref<1x8x128xf32, #tpu.memory_space<hbm>>
        %dma_wait3A_431 = tpu.memref_squeeze %dma_wait3A_430 : memref<1x8x128xf32, #tpu.memory_space<hbm>> -> memref<8x128xf32, #tpu.memory_space<hbm>>
        tpu.wait_dma2 semaphore(%arg13 : memref<!tpu.dma_semaphore, #tpu.memory_space<semaphore_mem>>) src(%dma_wait3A_431 : memref<8x128xf32, #tpu.memory_space<hbm>>) dst(%dma_wait3A_427 : memref<8x128xf32, #tpu.memory_space<vmem>>)
        %dma_wait3A_432 = arith.constant 6 : i32
        %dma_wait3A_433 = arith.constant 0 : i32
        %dma_wait3A_434 = arith.constant 6 : i32
        %dma_wait3A_435 = arith.constant 0 : i32
        %dma_wait3A_436 = arith.constant 0 : i32
        %dma_wait3A_437 = tpu.memref_slice %arg10[%dma_wait3A_433, %dma_wait3A_434, %dma_wait3A_435, %dma_wait3A_436] : memref<2x8x8x128xf32, #tpu.memory_space<vmem>> -> memref<1x1x8x128xf32, #tpu.memory_space<vmem>>
        %dma_wait3A_438 = tpu.memref_squeeze %dma_wait3A_437 : memref<1x1x8x128xf32, #tpu.memory_space<vmem>> -> memref<8x128xf32, #tpu.memory_space<vmem>>
        %dma_wait3A_439 = arith.constant 0 : i32
        %dma_wait3A_440 = arith.constant 0 : i32
        %dma_wait3A_441 = tpu.memref_slice %arg3[%dma_wait3A_432, %dma_wait3A_439, %dma_wait3A_440] : memref<8x8x128xf32, #tpu.memory_space<hbm>> -> memref<1x8x128xf32, #tpu.memory_space<hbm>>
        %dma_wait3A_442 = tpu.memref_squeeze %dma_wait3A_441 : memref<1x8x128xf32, #tpu.memory_space<hbm>> -> memref<8x128xf32, #tpu.memory_space<hbm>>
        %dma_wait3A_443 = arith.constant 0 : i32
        %dma_wait3A_444 = arith.constant 0 : i32
        %dma_wait3A_445 = tpu.memref_slice %arg10[%dma_wait3A_433, %dma_wait3A_434, %dma_wait3A_443, %dma_wait3A_444] : memref<2x8x8x128xf32, #tpu.memory_space<vmem>> -> memref<1x1x8x128xf32, #tpu.memory_space<vmem>>
        %dma_wait3A_446 = tpu.memref_squeeze %dma_wait3A_445 : memref<1x1x8x128xf32, #tpu.memory_space<vmem>> -> memref<8x128xf32, #tpu.memory_space<vmem>>
        %dma_wait3A_447 = arith.constant 0 : i32
        %dma_wait3A_448 = arith.constant 0 : i32
        %dma_wait3A_449 = tpu.memref_slice %arg3[%dma_wait3A_432, %dma_wait3A_447, %dma_wait3A_448] : memref<8x8x128xf32, #tpu.memory_space<hbm>> -> memref<1x8x128xf32, #tpu.memory_space<hbm>>
        %dma_wait3A_450 = tpu.memref_squeeze %dma_wait3A_449 : memref<1x8x128xf32, #tpu.memory_space<hbm>> -> memref<8x128xf32, #tpu.memory_space<hbm>>
        tpu.wait_dma2 semaphore(%arg13 : memref<!tpu.dma_semaphore, #tpu.memory_space<semaphore_mem>>) src(%dma_wait3A_450 : memref<8x128xf32, #tpu.memory_space<hbm>>) dst(%dma_wait3A_446 : memref<8x128xf32, #tpu.memory_space<vmem>>)
        %dma_wait3A_451 = arith.constant 7 : i32
        %dma_wait3A_452 = arith.constant 0 : i32
        %dma_wait3A_453 = arith.constant 7 : i32
        %dma_wait3A_454 = arith.constant 0 : i32
        %dma_wait3A_455 = arith.constant 0 : i32
        %dma_wait3A_456 = tpu.memref_slice %arg10[%dma_wait3A_452, %dma_wait3A_453, %dma_wait3A_454, %dma_wait3A_455] : memref<2x8x8x128xf32, #tpu.memory_space<vmem>> -> memref<1x1x8x128xf32, #tpu.memory_space<vmem>>
        %dma_wait3A_457 = tpu.memref_squeeze %dma_wait3A_456 : memref<1x1x8x128xf32, #tpu.memory_space<vmem>> -> memref<8x128xf32, #tpu.memory_space<vmem>>
        %dma_wait3A_458 = arith.constant 0 : i32
        %dma_wait3A_459 = arith.constant 0 : i32
        %dma_wait3A_460 = tpu.memref_slice %arg3[%dma_wait3A_451, %dma_wait3A_458, %dma_wait3A_459] : memref<8x8x128xf32, #tpu.memory_space<hbm>> -> memref<1x8x128xf32, #tpu.memory_space<hbm>>
        %dma_wait3A_461 = tpu.memref_squeeze %dma_wait3A_460 : memref<1x8x128xf32, #tpu.memory_space<hbm>> -> memref<8x128xf32, #tpu.memory_space<hbm>>
        %dma_wait3A_462 = arith.constant 0 : i32
        %dma_wait3A_463 = arith.constant 0 : i32
        %dma_wait3A_464 = tpu.memref_slice %arg10[%dma_wait3A_452, %dma_wait3A_453, %dma_wait3A_462, %dma_wait3A_463] : memref<2x8x8x128xf32, #tpu.memory_space<vmem>> -> memref<1x1x8x128xf32, #tpu.memory_space<vmem>>
        %dma_wait3A_465 = tpu.memref_squeeze %dma_wait3A_464 : memref<1x1x8x128xf32, #tpu.memory_space<vmem>> -> memref<8x128xf32, #tpu.memory_space<vmem>>
        %dma_wait3A_466 = arith.constant 0 : i32
        %dma_wait3A_467 = arith.constant 0 : i32
        %dma_wait3A_468 = tpu.memref_slice %arg3[%dma_wait3A_451, %dma_wait3A_466, %dma_wait3A_467] : memref<8x8x128xf32, #tpu.memory_space<hbm>> -> memref<1x8x128xf32, #tpu.memory_space<hbm>>
        %dma_wait3A_469 = tpu.memref_squeeze %dma_wait3A_468 : memref<1x8x128xf32, #tpu.memory_space<hbm>> -> memref<8x128xf32, #tpu.memory_space<hbm>>
        tpu.wait_dma2 semaphore(%arg13 : memref<!tpu.dma_semaphore, #tpu.memory_space<semaphore_mem>>) src(%dma_wait3A_469 : memref<8x128xf32, #tpu.memory_space<hbm>>) dst(%dma_wait3A_465 : memref<8x128xf32, #tpu.memory_space<vmem>>)
        %sub3A_470 = arith.constant 499968 : i32
        %sub3A_471 = arith.subi %sub3A_470, %mul3A_2 : i32
        %scan3A_472 = arith.constant 0 : i32
        %scan3A_473 = arith.constant 0 : i32
        %scan3A_474 = arith.constant 36 : i32
        %scan3A_475 = arith.addi %scan3A_473, %scan3A_474 : i32
        %scan3A_476 = arith.constant 1 : i32
        %scan3A_477 = scf.for %scan3A_492 = %scan3A_473 to %scan3A_475 step %scan3A_476 iter_args(%scan3A_493 = %scan3A_472) -> (i32)  : i32 {
          %mul3A_494 = arith.constant 576 : i32
          %mul3A_495 = arith.muli %scan3A_16, %mul3A_494 : i32
          %mul3A_496 = arith.constant 16 : i32
          %mul3A_497 = arith.muli %scan3A_492, %mul3A_496 : i32
          %add3A_498 = arith.addi %mul3A_495, %mul3A_497 : i32
          %get3A = arith.index_cast %add3A_498 : i32 to index
          %get3A_499 = tpu.vector_load %arg7[%get3A] {strides = array<i32>} : memref<16400xi32, #tpu.memory_space<vmem>>, vector<16xi32>,
          %shift_right_arithmetic3A = arith.constant 14 : i32
          %shift_right_arithmetic3A_500 = vector.broadcast %shift_right_arithmetic3A : i32 to vector<16xi32>
          %shift_right_arithmetic3A_501 = arith.shrsi %get3A_499, %shift_right_arithmetic3A_500 : vector<16xi32>
          %mul3A_502 = arith.constant 16 : i32
          %mul3A_503 = arith.muli %scan3A_492, %mul3A_502 : i32
          %iota3A = tpu.iota {dimensions = array<i32: 0>} : vector<16xi32>
          %add3A_504 = vector.broadcast %mul3A_503 : i32 to vector<16xi32>
          %add3A_505 = arith.addi %add3A_504, %iota3A : vector<16xi32>
          %lt3A = vector.broadcast %min3A : i32 to vector<16xi32>
          %lt3A_506 = arith.cmpi slt, %add3A_505, %lt3A : vector<16xi32>
          %ge3A = vector.broadcast %sub3A_471 : i32 to vector<16xi32>
          %ge3A_507 = arith.cmpi sge, %shift_right_arithmetic3A_501, %ge3A : vector<16xi32>
          %and3A = arith.andi %lt3A_506, %ge3A_507 : vector<16xi1>
          %add3A_508 = arith.constant 128 : i32
          %add3A_509 = arith.addi %sub3A_471, %add3A_508 : i32
          %lt3A_510 = vector.broadcast %add3A_509 : i32 to vector<16xi32>
          %lt3A_511 = arith.cmpi slt, %shift_right_arithmetic3A_501, %lt3A_510 : vector<16xi32>
          %and3A_512 = arith.andi %and3A, %lt3A_511 : vector<16xi1>
          %convert_element_type3A_513 = arith.extui %and3A_512 : vector<16xi1> to vector<16xi32>
          %broadcast_in_dim3A_514 = arith.constant true
          %broadcast_in_dim3A_515 = vector.broadcast %broadcast_in_dim3A_514 : i1 to vector<16xi1>
          %masked_cumsum3A = tpu.scan <sum>, %convert_element_type3A_513 masked %broadcast_in_dim3A_515 : vector<16xi32>, vector<16xi1> -> vector<16xi32>
          %add3A_516 = vector.broadcast %scan3A_493 : i32 to vector<16xi32>
          %add3A_517 = arith.addi %add3A_516, %masked_cumsum3A : vector<16xi32>
          %sub3A_518 = arith.constant 1 : i32
          %sub3A_519 = vector.broadcast %sub3A_518 : i32 to vector<16xi32>
          %sub3A_520 = arith.subi %add3A_517, %sub3A_519 : vector<16xi32>
          %jit3A_521 = arith.constant 591 : i32
          %broadcast_in_dim3A_522 = vector.broadcast %jit3A_521 : i32 to vector<16xi32>
          %select_n3A = arith.select %and3A_512, %sub3A_520, %broadcast_in_dim3A_522 : vector<16xi1>, vector<16xi32>
          %sub3A_523 = vector.broadcast %sub3A_471 : i32 to vector<16xi32>
          %sub3A_524 = arith.subi %shift_right_arithmetic3A_501, %sub3A_523 : vector<16xi32>
          tpu.vector_store_idx %arg8[%select_n3A], %sub3A_524 : memref<592xi32, #tpu.memory_space<vmem>>[vector<16xi32>], vector<16xi32>,
          tpu.vector_store_idx %arg9[%select_n3A], %add3A_505 : memref<592xi32, #tpu.memory_space<vmem>>[vector<16xi32>], vector<16xi32>,
          %reduce_sum3A = arith.constant true
          %reduce_sum3A_525 = vector.broadcast %reduce_sum3A : i1 to vector<16xi1>
          %reduce_sum3A_526 = tpu.scan <sum>, %convert_element_type3A_513 masked %reduce_sum3A_525 : vector<16xi32>, vector<16xi1> -> vector<16xi32>
          %reduce_sum3A_527 = vector.extract %reduce_sum3A_526[15] : i32 from vector<16xi32>
          %add3A_528 = arith.addi %scan3A_493, %reduce_sum3A_527 : i32
          scf.yield %add3A_528 : i32
        }
        %scan3A_478 = arith.constant 36 : i32
        %broadcast_in_dim3A = arith.constant 0 : i32
        %broadcast_in_dim3A_479 = vector.broadcast %broadcast_in_dim3A : i32 to vector<16xi32>
        %scan3A_480 = arith.constant 0 : i32
        %scan3A_481 = arith.constant 0 : i32
        %scan3A_482 = arith.constant 36 : i32
        %scan3A_483 = arith.addi %scan3A_481, %scan3A_482 : i32
        %scan3A_484 = arith.constant 1 : i32
        scf.for %scan3A_492 = %scan3A_481 to %scan3A_483 step %scan3A_484  : i32 {
          %mul3A_493 = arith.constant 16 : i32
          %mul3A_494 = arith.muli %scan3A_492, %mul3A_493 : i32
          %lt3A = arith.cmpi slt, %mul3A_494, %scan3A_477 : i32
          %convert_element_type3A_495 = arith.extui %lt3A : i1 to i32
          %cond3A_496 = arith.constant 0 : i32
          %cond3A_497 = arith.cmpi ne, %convert_element_type3A_495, %cond3A_496 : i32
          scf.if %cond3A_497 {
            %mul3A_498 = arith.constant 16 : i32
            %mul3A_499 = arith.muli %scan3A_492, %mul3A_498 : i32
            %get3A = arith.index_cast %mul3A_499 : i32 to index
            %get3A_500 = tpu.vector_load %arg8[%get3A] {strides = array<i32>} : memref<592xi32, #tpu.memory_space<vmem>>, vector<16xi32>,
            %mul3A_501 = arith.constant 16 : i32
            %mul3A_502 = arith.muli %scan3A_492, %mul3A_501 : i32
            %get3A_503 = arith.index_cast %mul3A_502 : i32 to index
            %get3A_504 = tpu.vector_load %arg9[%get3A_503] {strides = array<i32>} : memref<592xi32, #tpu.memory_space<vmem>>, vector<16xi32>,
            %mul3A_505 = arith.constant 16 : i32
            %mul3A_506 = arith.muli %scan3A_492, %mul3A_505 : i32
            %iota3A = tpu.iota {dimensions = array<i32: 0>} : vector<16xi32>
            %add3A_507 = vector.broadcast %mul3A_506 : i32 to vector<16xi32>
            %add3A_508 = arith.addi %add3A_507, %iota3A : vector<16xi32>
            %lt3A_509 = vector.broadcast %scan3A_477 : i32 to vector<16xi32>
            %lt3A_510 = arith.cmpi slt, %add3A_508, %lt3A_509 : vector<16xi32>
            %jit3A_511 = arith.constant 0 : i32
            %broadcast_in_dim3A_512 = vector.broadcast %jit3A_511 : i32 to vector<16xi32>
            %select_n3A = arith.select %lt3A_510, %get3A_500, %broadcast_in_dim3A_512 : vector<16xi1>, vector<16xi32>
            %jit3A_513 = arith.constant 640 : i32
            %broadcast_in_dim3A_514 = vector.broadcast %jit3A_513 : i32 to vector<16xi32>
            %select_n3A_515 = arith.select %lt3A_510, %get3A_504, %broadcast_in_dim3A_514 : vector<16xi1>, vector<16xi32>
            %broadcast_in_dim3A_516 = arith.constant 0 : i32
            %broadcast_in_dim3A_517 = vector.broadcast %broadcast_in_dim3A_516 : i32 to vector<16xi32>
            %broadcast_in_dim3A_518 = arith.constant 0 : i32
            %broadcast_in_dim3A_519 = vector.broadcast %broadcast_in_dim3A_518 : i32 to vector<16xi32>
            %gather3A = tpu.vector_load_idx %arg10[%broadcast_in_dim3A_479, %broadcast_in_dim3A_517, %broadcast_in_dim3A_519, %select_n3A] : memref<2x8x8x128xf32, #tpu.memory_space<vmem>>[vector<16xi32>, vector<16xi32>, vector<16xi32>, vector<16xi32>], vector<16xf32>,
            %broadcast_in_dim3A_520 = arith.constant 0 : i32
            %broadcast_in_dim3A_521 = vector.broadcast %broadcast_in_dim3A_520 : i32 to vector<16xi32>
            tpu.vector_store_idx %arg11[%select_n3A_515, %broadcast_in_dim3A_521], %gather3A : memref<704x128xf32, #tpu.memory_space<vmem>>[vector<16xi32>, vector<16xi32>], vector<16xf32>,
            %broadcast_in_dim3A_522 = arith.constant 1 : i32
            %broadcast_in_dim3A_523 = vector.broadcast %broadcast_in_dim3A_522 : i32 to vector<16xi32>
            %gather3A_524 = tpu.vector_load_idx %arg10[%broadcast_in_dim3A_479, %broadcast_in_dim3A_517, %broadcast_in_dim3A_523, %select_n3A] : memref<2x8x8x128xf32, #tpu.memory_space<vmem>>[vector<16xi32>, vector<16xi32>, vector<16xi32>, vector<16xi32>], vector<16xf32>,
            %broadcast_in_dim3A_525 = arith.constant 1 : i32
            %broadcast_in_dim3A_526 = vector.broadcast %broadcast_in_dim3A_525 : i32 to vector<16xi32>
            tpu.vector_store_idx %arg11[%select_n3A_515, %broadcast_in_dim3A_526], %gather3A_524 : memref<704x128xf32, #tpu.memory_space<vmem>>[vector<16xi32>, vector<16xi32>], vector<16xf32>,
            %broadcast_in_dim3A_527 = arith.constant 2 : i32
            %broadcast_in_dim3A_528 = vector.broadcast %broadcast_in_dim3A_527 : i32 to vector<16xi32>
            %gather3A_529 = tpu.vector_load_idx %arg10[%broadcast_in_dim3A_479, %broadcast_in_dim3A_517, %broadcast_in_dim3A_528, %select_n3A] : memref<2x8x8x128xf32, #tpu.memory_space<vmem>>[vector<16xi32>, vector<16xi32>, vector<16xi32>, vector<16xi32>], vector<16xf32>,
            %broadcast_in_dim3A_530 = arith.constant 2 : i32
            %broadcast_in_dim3A_531 = vector.broadcast %broadcast_in_dim3A_530 : i32 to vector<16xi32>
            tpu.vector_store_idx %arg11[%select_n3A_515, %broadcast_in_dim3A_531], %gather3A_529 : memref<704x128xf32, #tpu.memory_space<vmem>>[vector<16xi32>, vector<16xi32>], vector<16xf32>,
            %broadcast_in_dim3A_532 = arith.constant 3 : i32
            %broadcast_in_dim3A_533 = vector.broadcast %broadcast_in_dim3A_532 : i32 to vector<16xi32>
            %gather3A_534 = tpu.vector_load_idx %arg10[%broadcast_in_dim3A_479, %broadcast_in_dim3A_517, %broadcast_in_dim3A_533, %select_n3A] : memref<2x8x8x128xf32, #tpu.memory_space<vmem>>[vector<16xi32>, vector<16xi32>, vector<16xi32>, vector<16xi32>], vector<16xf32>,
            %broadcast_in_dim3A_535 = arith.constant 3 : i32
            %broadcast_in_dim3A_536 = vector.broadcast %broadcast_in_dim3A_535 : i32 to vector<16xi32>
            tpu.vector_store_idx %arg11[%select_n3A_515, %broadcast_in_dim3A_536], %gather3A_534 : memref<704x128xf32, #tpu.memory_space<vmem>>[vector<16xi32>, vector<16xi32>], vector<16xf32>,
            %broadcast_in_dim3A_537 = arith.constant 4 : i32
            %broadcast_in_dim3A_538 = vector.broadcast %broadcast_in_dim3A_537 : i32 to vector<16xi32>
            %gather3A_539 = tpu.vector_load_idx %arg10[%broadcast_in_dim3A_479, %broadcast_in_dim3A_517, %broadcast_in_dim3A_538, %select_n3A] : memref<2x8x8x128xf32, #tpu.memory_space<vmem>>[vector<16xi32>, vector<16xi32>, vector<16xi32>, vector<16xi32>], vector<16xf32>,
            %broadcast_in_dim3A_540 = arith.constant 4 : i32
            %broadcast_in_dim3A_541 = vector.broadcast %broadcast_in_dim3A_540 : i32 to vector<16xi32>
            tpu.vector_store_idx %arg11[%select_n3A_515, %broadcast_in_dim3A_541], %gather3A_539 : memref<704x128xf32, #tpu.memory_space<vmem>>[vector<16xi32>, vector<16xi32>], vector<16xf32>,
            %broadcast_in_dim3A_542 = arith.constant 5 : i32
            %broadcast_in_dim3A_543 = vector.broadcast %broadcast_in_dim3A_542 : i32 to vector<16xi32>
            %gather3A_544 = tpu.vector_load_idx %arg10[%broadcast_in_dim3A_479, %broadcast_in_dim3A_517, %broadcast_in_dim3A_543, %select_n3A] : memref<2x8x8x128xf32, #tpu.memory_space<vmem>>[vector<16xi32>, vector<16xi32>, vector<16xi32>, vector<16xi32>], vector<16xf32>,
            %broadcast_in_dim3A_545 = arith.constant 5 : i32
            %broadcast_in_dim3A_546 = vector.broadcast %broadcast_in_dim3A_545 : i32 to vector<16xi32>
            tpu.vector_store_idx %arg11[%select_n3A_515, %broadcast_in_dim3A_546], %gather3A_544 : memref<704x128xf32, #tpu.memory_space<vmem>>[vector<16xi32>, vector<16xi32>], vector<16xf32>,
            %broadcast_in_dim3A_547 = arith.constant 6 : i32
            %broadcast_in_dim3A_548 = vector.broadcast %broadcast_in_dim3A_547 : i32 to vector<16xi32>
            %gather3A_549 = tpu.vector_load_idx %arg10[%broadcast_in_dim3A_479, %broadcast_in_dim3A_517, %broadcast_in_dim3A_548, %select_n3A] : memref<2x8x8x128xf32, #tpu.memory_space<vmem>>[vector<16xi32>, vector<16xi32>, vector<16xi32>, vector<16xi32>], vector<16xf32>,
            %broadcast_in_dim3A_550 = arith.constant 6 : i32
            %broadcast_in_dim3A_551 = vector.broadcast %broadcast_in_dim3A_550 : i32 to vector<16xi32>
            tpu.vector_store_idx %arg11[%select_n3A_515, %broadcast_in_dim3A_551], %gather3A_549 : memref<704x128xf32, #tpu.memory_space<vmem>>[vector<16xi32>, vector<16xi32>], vector<16xf32>,
            %broadcast_in_dim3A_552 = arith.constant 7 : i32
            %broadcast_in_dim3A_553 = vector.broadcast %broadcast_in_dim3A_552 : i32 to vector<16xi32>
            %gather3A_554 = tpu.vector_load_idx %arg10[%broadcast_in_dim3A_479, %broadcast_in_dim3A_517, %broadcast_in_dim3A_553, %select_n3A] : memref<2x8x8x128xf32, #tpu.memory_space<vmem>>[vector<16xi32>, vector<16xi32>, vector<16xi32>, vector<16xi32>], vector<16xf32>,
            %broadcast_in_dim3A_555 = arith.constant 7 : i32
            %broadcast_in_dim3A_556 = vector.broadcast %broadcast_in_dim3A_555 : i32 to vector<16xi32>
            tpu.vector_store_idx %arg11[%select_n3A_515, %broadcast_in_dim3A_556], %gather3A_554 : memref<704x128xf32, #tpu.memory_space<vmem>>[vector<16xi32>, vector<16xi32>], vector<16xf32>,
            %broadcast_in_dim3A_557 = arith.constant 1 : i32
            %broadcast_in_dim3A_558 = vector.broadcast %broadcast_in_dim3A_557 : i32 to vector<16xi32>
            %broadcast_in_dim3A_559 = arith.constant 0 : i32
            %broadcast_in_dim3A_560 = vector.broadcast %broadcast_in_dim3A_559 : i32 to vector<16xi32>
            %gather3A_561 = tpu.vector_load_idx %arg10[%broadcast_in_dim3A_479, %broadcast_in_dim3A_558, %broadcast_in_dim3A_560, %select_n3A] : memref<2x8x8x128xf32, #tpu.memory_space<vmem>>[vector<16xi32>, vector<16xi32>, vector<16xi32>, vector<16xi32>], vector<16xf32>,
            %broadcast_in_dim3A_562 = arith.constant 8 : i32
            %broadcast_in_dim3A_563 = vector.broadcast %broadcast_in_dim3A_562 : i32 to vector<16xi32>
            tpu.vector_store_idx %arg11[%select_n3A_515, %broadcast_in_dim3A_563], %gather3A_561 : memref<704x128xf32, #tpu.memory_space<vmem>>[vector<16xi32>, vector<16xi32>], vector<16xf32>,
            %broadcast_in_dim3A_564 = arith.constant 1 : i32
            %broadcast_in_dim3A_565 = vector.broadcast %broadcast_in_dim3A_564 : i32 to vector<16xi32>
            %gather3A_566 = tpu.vector_load_idx %arg10[%broadcast_in_dim3A_479, %broadcast_in_dim3A_558, %broadcast_in_dim3A_565, %select_n3A] : memref<2x8x8x128xf32, #tpu.memory_space<vmem>>[vector<16xi32>, vector<16xi32>, vector<16xi32>, vector<16xi32>], vector<16xf32>,
            %broadcast_in_dim3A_567 = arith.constant 9 : i32
            %broadcast_in_dim3A_568 = vector.broadcast %broadcast_in_dim3A_567 : i32 to vector<16xi32>
            tpu.vector_store_idx %arg11[%select_n3A_515, %broadcast_in_dim3A_568], %gather3A_566 : memref<704x128xf32, #tpu.memory_space<vmem>>[vector<16xi32>, vector<16xi32>], vector<16xf32>,
            %broadcast_in_dim3A_569 = arith.constant 2 : i32
            %broadcast_in_dim3A_570 = vector.broadcast %broadcast_in_dim3A_569 : i32 to vector<16xi32>
            %gather3A_571 = tpu.vector_load_idx %arg10[%broadcast_in_dim3A_479, %broadcast_in_dim3A_558, %broadcast_in_dim3A_570, %select_n3A] : memref<2x8x8x128xf32, #tpu.memory_space<vmem>>[vector<16xi32>, vector<16xi32>, vector<16xi32>, vector<16xi32>], vector<16xf32>,
            %broadcast_in_dim3A_572 = arith.constant 10 : i32
            %broadcast_in_dim3A_573 = vector.broadcast %broadcast_in_dim3A_572 : i32 to vector<16xi32>
            tpu.vector_store_idx %arg11[%select_n3A_515, %broadcast_in_dim3A_573], %gather3A_571 : memref<704x128xf32, #tpu.memory_space<vmem>>[vector<16xi32>, vector<16xi32>], vector<16xf32>,
            %broadcast_in_dim3A_574 = arith.constant 3 : i32
            %broadcast_in_dim3A_575 = vector.broadcast %broadcast_in_dim3A_574 : i32 to vector<16xi32>
            %gather3A_576 = tpu.vector_load_idx %arg10[%broadcast_in_dim3A_479, %broadcast_in_dim3A_558, %broadcast_in_dim3A_575, %select_n3A] : memref<2x8x8x128xf32, #tpu.memory_space<vmem>>[vector<16xi32>, vector<16xi32>, vector<16xi32>, vector<16xi32>], vector<16xf32>,
            %broadcast_in_dim3A_577 = arith.constant 11 : i32
            %broadcast_in_dim3A_578 = vector.broadcast %broadcast_in_dim3A_577 : i32 to vector<16xi32>
            tpu.vector_store_idx %arg11[%select_n3A_515, %broadcast_in_dim3A_578], %gather3A_576 : memref<704x128xf32, #tpu.memory_space<vmem>>[vector<16xi32>, vector<16xi32>], vector<16xf32>,
            %broadcast_in_dim3A_579 = arith.constant 4 : i32
            %broadcast_in_dim3A_580 = vector.broadcast %broadcast_in_dim3A_579 : i32 to vector<16xi32>
            %gather3A_581 = tpu.vector_load_idx %arg10[%broadcast_in_dim3A_479, %broadcast_in_dim3A_558, %broadcast_in_dim3A_580, %select_n3A] : memref<2x8x8x128xf32, #tpu.memory_space<vmem>>[vector<16xi32>, vector<16xi32>, vector<16xi32>, vector<16xi32>], vector<16xf32>,
            %broadcast_in_dim3A_582 = arith.constant 12 : i32
            %broadcast_in_dim3A_583 = vector.broadcast %broadcast_in_dim3A_582 : i32 to vector<16xi32>
            tpu.vector_store_idx %arg11[%select_n3A_515, %broadcast_in_dim3A_583], %gather3A_581 : memref<704x128xf32, #tpu.memory_space<vmem>>[vector<16xi32>, vector<16xi32>], vector<16xf32>,
            %broadcast_in_dim3A_584 = arith.constant 5 : i32
            %broadcast_in_dim3A_585 = vector.broadcast %broadcast_in_dim3A_584 : i32 to vector<16xi32>
            %gather3A_586 = tpu.vector_load_idx %arg10[%broadcast_in_dim3A_479, %broadcast_in_dim3A_558, %broadcast_in_dim3A_585, %select_n3A] : memref<2x8x8x128xf32, #tpu.memory_space<vmem>>[vector<16xi32>, vector<16xi32>, vector<16xi32>, vector<16xi32>], vector<16xf32>,
            %broadcast_in_dim3A_587 = arith.constant 13 : i32
            %broadcast_in_dim3A_588 = vector.broadcast %broadcast_in_dim3A_587 : i32 to vector<16xi32>
            tpu.vector_store_idx %arg11[%select_n3A_515, %broadcast_in_dim3A_588], %gather3A_586 : memref<704x128xf32, #tpu.memory_space<vmem>>[vector<16xi32>, vector<16xi32>], vector<16xf32>,
            %broadcast_in_dim3A_589 = arith.constant 6 : i32
            %broadcast_in_dim3A_590 = vector.broadcast %broadcast_in_dim3A_589 : i32 to vector<16xi32>
            %gather3A_591 = tpu.vector_load_idx %arg10[%broadcast_in_dim3A_479, %broadcast_in_dim3A_558, %broadcast_in_dim3A_590, %select_n3A] : memref<2x8x8x128xf32, #tpu.memory_space<vmem>>[vector<16xi32>, vector<16xi32>, vector<16xi32>, vector<16xi32>], vector<16xf32>,
            %broadcast_in_dim3A_592 = arith.constant 14 : i32
            %broadcast_in_dim3A_593 = vector.broadcast %broadcast_in_dim3A_592 : i32 to vector<16xi32>
            tpu.vector_store_idx %arg11[%select_n3A_515, %broadcast_in_dim3A_593], %gather3A_591 : memref<704x128xf32, #tpu.memory_space<vmem>>[vector<16xi32>, vector<16xi32>], vector<16xf32>,
            %broadcast_in_dim3A_594 = arith.constant 7 : i32
            %broadcast_in_dim3A_595 = vector.broadcast %broadcast_in_dim3A_594 : i32 to vector<16xi32>
            %gather3A_596 = tpu.vector_load_idx %arg10[%broadcast_in_dim3A_479, %broadcast_in_dim3A_558, %broadcast_in_dim3A_595, %select_n3A] : memref<2x8x8x128xf32, #tpu.memory_space<vmem>>[vector<16xi32>, vector<16xi32>, vector<16xi32>, vector<16xi32>], vector<16xf32>,
            %broadcast_in_dim3A_597 = arith.constant 15 : i32
            %broadcast_in_dim3A_598 = vector.broadcast %broadcast_in_dim3A_597 : i32 to vector<16xi32>
            tpu.vector_store_idx %arg11[%select_n3A_515, %broadcast_in_dim3A_598], %gather3A_596 : memref<704x128xf32, #tpu.memory_space<vmem>>[vector<16xi32>, vector<16xi32>], vector<16xf32>,
            %broadcast_in_dim3A_599 = arith.constant 2 : i32
            %broadcast_in_dim3A_600 = vector.broadcast %broadcast_in_dim3A_599 : i32 to vector<16xi32>
            %broadcast_in_dim3A_601 = arith.constant 0 : i32
            %broadcast_in_dim3A_602 = vector.broadcast %broadcast_in_dim3A_601 : i32 to vector<16xi32>
            %gather3A_603 = tpu.vector_load_idx %arg10[%broadcast_in_dim3A_479, %broadcast_in_dim3A_600, %broadcast_in_dim3A_602, %select_n3A] : memref<2x8x8x128xf32, #tpu.memory_space<vmem>>[vector<16xi32>, vector<16xi32>, vector<16xi32>, vector<16xi32>], vector<16xf32>,
            %broadcast_in_dim3A_604 = arith.constant 16 : i32
            %broadcast_in_dim3A_605 = vector.broadcast %broadcast_in_dim3A_604 : i32 to vector<16xi32>
            tpu.vector_store_idx %arg11[%select_n3A_515, %broadcast_in_dim3A_605], %gather3A_603 : memref<704x128xf32, #tpu.memory_space<vmem>>[vector<16xi32>, vector<16xi32>], vector<16xf32>,
            %broadcast_in_dim3A_606 = arith.constant 1 : i32
            %broadcast_in_dim3A_607 = vector.broadcast %broadcast_in_dim3A_606 : i32 to vector<16xi32>
            %gather3A_608 = tpu.vector_load_idx %arg10[%broadcast_in_dim3A_479, %broadcast_in_dim3A_600, %broadcast_in_dim3A_607, %select_n3A] : memref<2x8x8x128xf32, #tpu.memory_space<vmem>>[vector<16xi32>, vector<16xi32>, vector<16xi32>, vector<16xi32>], vector<16xf32>,
            %broadcast_in_dim3A_609 = arith.constant 17 : i32
            %broadcast_in_dim3A_610 = vector.broadcast %broadcast_in_dim3A_609 : i32 to vector<16xi32>
            tpu.vector_store_idx %arg11[%select_n3A_515, %broadcast_in_dim3A_610], %gather3A_608 : memref<704x128xf32, #tpu.memory_space<vmem>>[vector<16xi32>, vector<16xi32>], vector<16xf32>,
            %broadcast_in_dim3A_611 = arith.constant 2 : i32
            %broadcast_in_dim3A_612 = vector.broadcast %broadcast_in_dim3A_611 : i32 to vector<16xi32>
            %gather3A_613 = tpu.vector_load_idx %arg10[%broadcast_in_dim3A_479, %broadcast_in_dim3A_600, %broadcast_in_dim3A_612, %select_n3A] : memref<2x8x8x128xf32, #tpu.memory_space<vmem>>[vector<16xi32>, vector<16xi32>, vector<16xi32>, vector<16xi32>], vector<16xf32>,
            %broadcast_in_dim3A_614 = arith.constant 18 : i32
            %broadcast_in_dim3A_615 = vector.broadcast %broadcast_in_dim3A_614 : i32 to vector<16xi32>
            tpu.vector_store_idx %arg11[%select_n3A_515, %broadcast_in_dim3A_615], %gather3A_613 : memref<704x128xf32, #tpu.memory_space<vmem>>[vector<16xi32>, vector<16xi32>], vector<16xf32>,
            %broadcast_in_dim3A_616 = arith.constant 3 : i32
            %broadcast_in_dim3A_617 = vector.broadcast %broadcast_in_dim3A_616 : i32 to vector<16xi32>
            %gather3A_618 = tpu.vector_load_idx %arg10[%broadcast_in_dim3A_479, %broadcast_in_dim3A_600, %broadcast_in_dim3A_617, %select_n3A] : memref<2x8x8x128xf32, #tpu.memory_space<vmem>>[vector<16xi32>, vector<16xi32>, vector<16xi32>, vector<16xi32>], vector<16xf32>,
            %broadcast_in_dim3A_619 = arith.constant 19 : i32
            %broadcast_in_dim3A_620 = vector.broadcast %broadcast_in_dim3A_619 : i32 to vector<16xi32>
            tpu.vector_store_idx %arg11[%select_n3A_515, %broadcast_in_dim3A_620], %gather3A_618 : memref<704x128xf32, #tpu.memory_space<vmem>>[vector<16xi32>, vector<16xi32>], vector<16xf32>,
            %broadcast_in_dim3A_621 = arith.constant 4 : i32
            %broadcast_in_dim3A_622 = vector.broadcast %broadcast_in_dim3A_621 : i32 to vector<16xi32>
            %gather3A_623 = tpu.vector_load_idx %arg10[%broadcast_in_dim3A_479, %broadcast_in_dim3A_600, %broadcast_in_dim3A_622, %select_n3A] : memref<2x8x8x128xf32, #tpu.memory_space<vmem>>[vector<16xi32>, vector<16xi32>, vector<16xi32>, vector<16xi32>], vector<16xf32>,
            %broadcast_in_dim3A_624 = arith.constant 20 : i32
            %broadcast_in_dim3A_625 = vector.broadcast %broadcast_in_dim3A_624 : i32 to vector<16xi32>
            tpu.vector_store_idx %arg11[%select_n3A_515, %broadcast_in_dim3A_625], %gather3A_623 : memref<704x128xf32, #tpu.memory_space<vmem>>[vector<16xi32>, vector<16xi32>], vector<16xf32>,
            %broadcast_in_dim3A_626 = arith.constant 5 : i32
            %broadcast_in_dim3A_627 = vector.broadcast %broadcast_in_dim3A_626 : i32 to vector<16xi32>
            %gather3A_628 = tpu.vector_load_idx %arg10[%broadcast_in_dim3A_479, %broadcast_in_dim3A_600, %broadcast_in_dim3A_627, %select_n3A] : memref<2x8x8x128xf32, #tpu.memory_space<vmem>>[vector<16xi32>, vector<16xi32>, vector<16xi32>, vector<16xi32>], vector<16xf32>,
            %broadcast_in_dim3A_629 = arith.constant 21 : i32
            %broadcast_in_dim3A_630 = vector.broadcast %broadcast_in_dim3A_629 : i32 to vector<16xi32>
            tpu.vector_store_idx %arg11[%select_n3A_515, %broadcast_in_dim3A_630], %gather3A_628 : memref<704x128xf32, #tpu.memory_space<vmem>>[vector<16xi32>, vector<16xi32>], vector<16xf32>,
            %broadcast_in_dim3A_631 = arith.constant 6 : i32
            %broadcast_in_dim3A_632 = vector.broadcast %broadcast_in_dim3A_631 : i32 to vector<16xi32>
            %gather3A_633 = tpu.vector_load_idx %arg10[%broadcast_in_dim3A_479, %broadcast_in_dim3A_600, %broadcast_in_dim3A_632, %select_n3A] : memref<2x8x8x128xf32, #tpu.memory_space<vmem>>[vector<16xi32>, vector<16xi32>, vector<16xi32>, vector<16xi32>], vector<16xf32>,
            %broadcast_in_dim3A_634 = arith.constant 22 : i32
            %broadcast_in_dim3A_635 = vector.broadcast %broadcast_in_dim3A_634 : i32 to vector<16xi32>
            tpu.vector_store_idx %arg11[%select_n3A_515, %broadcast_in_dim3A_635], %gather3A_633 : memref<704x128xf32, #tpu.memory_space<vmem>>[vector<16xi32>, vector<16xi32>], vector<16xf32>,
            %broadcast_in_dim3A_636 = arith.constant 7 : i32
            %broadcast_in_dim3A_637 = vector.broadcast %broadcast_in_dim3A_636 : i32 to vector<16xi32>
            %gather3A_638 = tpu.vector_load_idx %arg10[%broadcast_in_dim3A_479, %broadcast_in_dim3A_600, %broadcast_in_dim3A_637, %select_n3A] : memref<2x8x8x128xf32, #tpu.memory_space<vmem>>[vector<16xi32>, vector<16xi32>, vector<16xi32>, vector<16xi32>], vector<16xf32>,
            %broadcast_in_dim3A_639 = arith.constant 23 : i32
            %broadcast_in_dim3A_640 = vector.broadcast %broadcast_in_dim3A_639 : i32 to vector<16xi32>
            tpu.vector_store_idx %arg11[%select_n3A_515, %broadcast_in_dim3A_640], %gather3A_638 : memref<704x128xf32, #tpu.memory_space<vmem>>[vector<16xi32>, vector<16xi32>], vector<16xf32>,
            %broadcast_in_dim3A_641 = arith.constant 3 : i32
            %broadcast_in_dim3A_642 = vector.broadcast %broadcast_in_dim3A_641 : i32 to vector<16xi32>
            %broadcast_in_dim3A_643 = arith.constant 0 : i32
            %broadcast_in_dim3A_644 = vector.broadcast %broadcast_in_dim3A_643 : i32 to vector<16xi32>
            %gather3A_645 = tpu.vector_load_idx %arg10[%broadcast_in_dim3A_479, %broadcast_in_dim3A_642, %broadcast_in_dim3A_644, %select_n3A] : memref<2x8x8x128xf32, #tpu.memory_space<vmem>>[vector<16xi32>, vector<16xi32>, vector<16xi32>, vector<16xi32>], vector<16xf32>,
            %broadcast_in_dim3A_646 = arith.constant 24 : i32
            %broadcast_in_dim3A_647 = vector.broadcast %broadcast_in_dim3A_646 : i32 to vector<16xi32>
            tpu.vector_store_idx %arg11[%select_n3A_515, %broadcast_in_dim3A_647], %gather3A_645 : memref<704x128xf32, #tpu.memory_space<vmem>>[vector<16xi32>, vector<16xi32>], vector<16xf32>,
            %broadcast_in_dim3A_648 = arith.constant 1 : i32
            %broadcast_in_dim3A_649 = vector.broadcast %broadcast_in_dim3A_648 : i32 to vector<16xi32>
            %gather3A_650 = tpu.vector_load_idx %arg10[%broadcast_in_dim3A_479, %broadcast_in_dim3A_642, %broadcast_in_dim3A_649, %select_n3A] : memref<2x8x8x128xf32, #tpu.memory_space<vmem>>[vector<16xi32>, vector<16xi32>, vector<16xi32>, vector<16xi32>], vector<16xf32>,
            %broadcast_in_dim3A_651 = arith.constant 25 : i32
            %broadcast_in_dim3A_652 = vector.broadcast %broadcast_in_dim3A_651 : i32 to vector<16xi32>
            tpu.vector_store_idx %arg11[%select_n3A_515, %broadcast_in_dim3A_652], %gather3A_650 : memref<704x128xf32, #tpu.memory_space<vmem>>[vector<16xi32>, vector<16xi32>], vector<16xf32>,
            %broadcast_in_dim3A_653 = arith.constant 2 : i32
            %broadcast_in_dim3A_654 = vector.broadcast %broadcast_in_dim3A_653 : i32 to vector<16xi32>
            %gather3A_655 = tpu.vector_load_idx %arg10[%broadcast_in_dim3A_479, %broadcast_in_dim3A_642, %broadcast_in_dim3A_654, %select_n3A] : memref<2x8x8x128xf32, #tpu.memory_space<vmem>>[vector<16xi32>, vector<16xi32>, vector<16xi32>, vector<16xi32>], vector<16xf32>,
            %broadcast_in_dim3A_656 = arith.constant 26 : i32
            %broadcast_in_dim3A_657 = vector.broadcast %broadcast_in_dim3A_656 : i32 to vector<16xi32>
            tpu.vector_store_idx %arg11[%select_n3A_515, %broadcast_in_dim3A_657], %gather3A_655 : memref<704x128xf32, #tpu.memory_space<vmem>>[vector<16xi32>, vector<16xi32>], vector<16xf32>,
            %broadcast_in_dim3A_658 = arith.constant 3 : i32
            %broadcast_in_dim3A_659 = vector.broadcast %broadcast_in_dim3A_658 : i32 to vector<16xi32>
            %gather3A_660 = tpu.vector_load_idx %arg10[%broadcast_in_dim3A_479, %broadcast_in_dim3A_642, %broadcast_in_dim3A_659, %select_n3A] : memref<2x8x8x128xf32, #tpu.memory_space<vmem>>[vector<16xi32>, vector<16xi32>, vector<16xi32>, vector<16xi32>], vector<16xf32>,
            %broadcast_in_dim3A_661 = arith.constant 27 : i32
            %broadcast_in_dim3A_662 = vector.broadcast %broadcast_in_dim3A_661 : i32 to vector<16xi32>
            tpu.vector_store_idx %arg11[%select_n3A_515, %broadcast_in_dim3A_662], %gather3A_660 : memref<704x128xf32, #tpu.memory_space<vmem>>[vector<16xi32>, vector<16xi32>], vector<16xf32>,
            %broadcast_in_dim3A_663 = arith.constant 4 : i32
            %broadcast_in_dim3A_664 = vector.broadcast %broadcast_in_dim3A_663 : i32 to vector<16xi32>
            %gather3A_665 = tpu.vector_load_idx %arg10[%broadcast_in_dim3A_479, %broadcast_in_dim3A_642, %broadcast_in_dim3A_664, %select_n3A] : memref<2x8x8x128xf32, #tpu.memory_space<vmem>>[vector<16xi32>, vector<16xi32>, vector<16xi32>, vector<16xi32>], vector<16xf32>,
            %broadcast_in_dim3A_666 = arith.constant 28 : i32
            %broadcast_in_dim3A_667 = vector.broadcast %broadcast_in_dim3A_666 : i32 to vector<16xi32>
            tpu.vector_store_idx %arg11[%select_n3A_515, %broadcast_in_dim3A_667], %gather3A_665 : memref<704x128xf32, #tpu.memory_space<vmem>>[vector<16xi32>, vector<16xi32>], vector<16xf32>,
            %broadcast_in_dim3A_668 = arith.constant 5 : i32
            %broadcast_in_dim3A_669 = vector.broadcast %broadcast_in_dim3A_668 : i32 to vector<16xi32>
            %gather3A_670 = tpu.vector_load_idx %arg10[%broadcast_in_dim3A_479, %broadcast_in_dim3A_642, %broadcast_in_dim3A_669, %select_n3A] : memref<2x8x8x128xf32, #tpu.memory_space<vmem>>[vector<16xi32>, vector<16xi32>, vector<16xi32>, vector<16xi32>], vector<16xf32>,
            %broadcast_in_dim3A_671 = arith.constant 29 : i32
            %broadcast_in_dim3A_672 = vector.broadcast %broadcast_in_dim3A_671 : i32 to vector<16xi32>
            tpu.vector_store_idx %arg11[%select_n3A_515, %broadcast_in_dim3A_672], %gather3A_670 : memref<704x128xf32, #tpu.memory_space<vmem>>[vector<16xi32>, vector<16xi32>], vector<16xf32>,
            %broadcast_in_dim3A_673 = arith.constant 6 : i32
            %broadcast_in_dim3A_674 = vector.broadcast %broadcast_in_dim3A_673 : i32 to vector<16xi32>
            %gather3A_675 = tpu.vector_load_idx %arg10[%broadcast_in_dim3A_479, %broadcast_in_dim3A_642, %broadcast_in_dim3A_674, %select_n3A] : memref<2x8x8x128xf32, #tpu.memory_space<vmem>>[vector<16xi32>, vector<16xi32>, vector<16xi32>, vector<16xi32>], vector<16xf32>,
            %broadcast_in_dim3A_676 = arith.constant 30 : i32
            %broadcast_in_dim3A_677 = vector.broadcast %broadcast_in_dim3A_676 : i32 to vector<16xi32>
            tpu.vector_store_idx %arg11[%select_n3A_515, %broadcast_in_dim3A_677], %gather3A_675 : memref<704x128xf32, #tpu.memory_space<vmem>>[vector<16xi32>, vector<16xi32>], vector<16xf32>,
            %broadcast_in_dim3A_678 = arith.constant 7 : i32
            %broadcast_in_dim3A_679 = vector.broadcast %broadcast_in_dim3A_678 : i32 to vector<16xi32>
            %gather3A_680 = tpu.vector_load_idx %arg10[%broadcast_in_dim3A_479, %broadcast_in_dim3A_642, %broadcast_in_dim3A_679, %select_n3A] : memref<2x8x8x128xf32, #tpu.memory_space<vmem>>[vector<16xi32>, vector<16xi32>, vector<16xi32>, vector<16xi32>], vector<16xf32>,
            %broadcast_in_dim3A_681 = arith.constant 31 : i32
            %broadcast_in_dim3A_682 = vector.broadcast %broadcast_in_dim3A_681 : i32 to vector<16xi32>
            tpu.vector_store_idx %arg11[%select_n3A_515, %broadcast_in_dim3A_682], %gather3A_680 : memref<704x128xf32, #tpu.memory_space<vmem>>[vector<16xi32>, vector<16xi32>], vector<16xf32>,
            %broadcast_in_dim3A_683 = arith.constant 4 : i32
            %broadcast_in_dim3A_684 = vector.broadcast %broadcast_in_dim3A_683 : i32 to vector<16xi32>
            %broadcast_in_dim3A_685 = arith.constant 0 : i32
            %broadcast_in_dim3A_686 = vector.broadcast %broadcast_in_dim3A_685 : i32 to vector<16xi32>
            %gather3A_687 = tpu.vector_load_idx %arg10[%broadcast_in_dim3A_479, %broadcast_in_dim3A_684, %broadcast_in_dim3A_686, %select_n3A] : memref<2x8x8x128xf32, #tpu.memory_space<vmem>>[vector<16xi32>, vector<16xi32>, vector<16xi32>, vector<16xi32>], vector<16xf32>,
            %broadcast_in_dim3A_688 = arith.constant 32 : i32
            %broadcast_in_dim3A_689 = vector.broadcast %broadcast_in_dim3A_688 : i32 to vector<16xi32>
            tpu.vector_store_idx %arg11[%select_n3A_515, %broadcast_in_dim3A_689], %gather3A_687 : memref<704x128xf32, #tpu.memory_space<vmem>>[vector<16xi32>, vector<16xi32>], vector<16xf32>,
            %broadcast_in_dim3A_690 = arith.constant 1 : i32
            %broadcast_in_dim3A_691 = vector.broadcast %broadcast_in_dim3A_690 : i32 to vector<16xi32>
            %gather3A_692 = tpu.vector_load_idx %arg10[%broadcast_in_dim3A_479, %broadcast_in_dim3A_684, %broadcast_in_dim3A_691, %select_n3A] : memref<2x8x8x128xf32, #tpu.memory_space<vmem>>[vector<16xi32>, vector<16xi32>, vector<16xi32>, vector<16xi32>], vector<16xf32>,
            %broadcast_in_dim3A_693 = arith.constant 33 : i32
            %broadcast_in_dim3A_694 = vector.broadcast %broadcast_in_dim3A_693 : i32 to vector<16xi32>
            tpu.vector_store_idx %arg11[%select_n3A_515, %broadcast_in_dim3A_694], %gather3A_692 : memref<704x128xf32, #tpu.memory_space<vmem>>[vector<16xi32>, vector<16xi32>], vector<16xf32>,
            %broadcast_in_dim3A_695 = arith.constant 2 : i32
            %broadcast_in_dim3A_696 = vector.broadcast %broadcast_in_dim3A_695 : i32 to vector<16xi32>
            %gather3A_697 = tpu.vector_load_idx %arg10[%broadcast_in_dim3A_479, %broadcast_in_dim3A_684, %broadcast_in_dim3A_696, %select_n3A] : memref<2x8x8x128xf32, #tpu.memory_space<vmem>>[vector<16xi32>, vector<16xi32>, vector<16xi32>, vector<16xi32>], vector<16xf32>,
            %broadcast_in_dim3A_698 = arith.constant 34 : i32
            %broadcast_in_dim3A_699 = vector.broadcast %broadcast_in_dim3A_698 : i32 to vector<16xi32>
            tpu.vector_store_idx %arg11[%select_n3A_515, %broadcast_in_dim3A_699], %gather3A_697 : memref<704x128xf32, #tpu.memory_space<vmem>>[vector<16xi32>, vector<16xi32>], vector<16xf32>,
            %broadcast_in_dim3A_700 = arith.constant 3 : i32
            %broadcast_in_dim3A_701 = vector.broadcast %broadcast_in_dim3A_700 : i32 to vector<16xi32>
            %gather3A_702 = tpu.vector_load_idx %arg10[%broadcast_in_dim3A_479, %broadcast_in_dim3A_684, %broadcast_in_dim3A_701, %select_n3A] : memref<2x8x8x128xf32, #tpu.memory_space<vmem>>[vector<16xi32>, vector<16xi32>, vector<16xi32>, vector<16xi32>], vector<16xf32>,
            %broadcast_in_dim3A_703 = arith.constant 35 : i32
            %broadcast_in_dim3A_704 = vector.broadcast %broadcast_in_dim3A_703 : i32 to vector<16xi32>
            tpu.vector_store_idx %arg11[%select_n3A_515, %broadcast_in_dim3A_704], %gather3A_702 : memref<704x128xf32, #tpu.memory_space<vmem>>[vector<16xi32>, vector<16xi32>], vector<16xf32>,
            %broadcast_in_dim3A_705 = arith.constant 4 : i32
            %broadcast_in_dim3A_706 = vector.broadcast %broadcast_in_dim3A_705 : i32 to vector<16xi32>
            %gather3A_707 = tpu.vector_load_idx %arg10[%broadcast_in_dim3A_479, %broadcast_in_dim3A_684, %broadcast_in_dim3A_706, %select_n3A] : memref<2x8x8x128xf32, #tpu.memory_space<vmem>>[vector<16xi32>, vector<16xi32>, vector<16xi32>, vector<16xi32>], vector<16xf32>,
            %broadcast_in_dim3A_708 = arith.constant 36 : i32
            %broadcast_in_dim3A_709 = vector.broadcast %broadcast_in_dim3A_708 : i32 to vector<16xi32>
            tpu.vector_store_idx %arg11[%select_n3A_515, %broadcast_in_dim3A_709], %gather3A_707 : memref<704x128xf32, #tpu.memory_space<vmem>>[vector<16xi32>, vector<16xi32>], vector<16xf32>,
            %broadcast_in_dim3A_710 = arith.constant 5 : i32
            %broadcast_in_dim3A_711 = vector.broadcast %broadcast_in_dim3A_710 : i32 to vector<16xi32>
            %gather3A_712 = tpu.vector_load_idx %arg10[%broadcast_in_dim3A_479, %broadcast_in_dim3A_684, %broadcast_in_dim3A_711, %select_n3A] : memref<2x8x8x128xf32, #tpu.memory_space<vmem>>[vector<16xi32>, vector<16xi32>, vector<16xi32>, vector<16xi32>], vector<16xf32>,
            %broadcast_in_dim3A_713 = arith.constant 37 : i32
            %broadcast_in_dim3A_714 = vector.broadcast %broadcast_in_dim3A_713 : i32 to vector<16xi32>
            tpu.vector_store_idx %arg11[%select_n3A_515, %broadcast_in_dim3A_714], %gather3A_712 : memref<704x128xf32, #tpu.memory_space<vmem>>[vector<16xi32>, vector<16xi32>], vector<16xf32>,
            %broadcast_in_dim3A_715 = arith.constant 6 : i32
            %broadcast_in_dim3A_716 = vector.broadcast %broadcast_in_dim3A_715 : i32 to vector<16xi32>
            %gather3A_717 = tpu.vector_load_idx %arg10[%broadcast_in_dim3A_479, %broadcast_in_dim3A_684, %broadcast_in_dim3A_716, %select_n3A] : memref<2x8x8x128xf32, #tpu.memory_space<vmem>>[vector<16xi32>, vector<16xi32>, vector<16xi32>, vector<16xi32>], vector<16xf32>,
            %broadcast_in_dim3A_718 = arith.constant 38 : i32
            %broadcast_in_dim3A_719 = vector.broadcast %broadcast_in_dim3A_718 : i32 to vector<16xi32>
            tpu.vector_store_idx %arg11[%select_n3A_515, %broadcast_in_dim3A_719], %gather3A_717 : memref<704x128xf32, #tpu.memory_space<vmem>>[vector<16xi32>, vector<16xi32>], vector<16xf32>,
            %broadcast_in_dim3A_720 = arith.constant 7 : i32
            %broadcast_in_dim3A_721 = vector.broadcast %broadcast_in_dim3A_720 : i32 to vector<16xi32>
            %gather3A_722 = tpu.vector_load_idx %arg10[%broadcast_in_dim3A_479, %broadcast_in_dim3A_684, %broadcast_in_dim3A_721, %select_n3A] : memref<2x8x8x128xf32, #tpu.memory_space<vmem>>[vector<16xi32>, vector<16xi32>, vector<16xi32>, vector<16xi32>], vector<16xf32>,
            %broadcast_in_dim3A_723 = arith.constant 39 : i32
            %broadcast_in_dim3A_724 = vector.broadcast %broadcast_in_dim3A_723 : i32 to vector<16xi32>
            tpu.vector_store_idx %arg11[%select_n3A_515, %broadcast_in_dim3A_724], %gather3A_722 : memref<704x128xf32, #tpu.memory_space<vmem>>[vector<16xi32>, vector<16xi32>], vector<16xf32>,
            %broadcast_in_dim3A_725 = arith.constant 5 : i32
            %broadcast_in_dim3A_726 = vector.broadcast %broadcast_in_dim3A_725 : i32 to vector<16xi32>
            %broadcast_in_dim3A_727 = arith.constant 0 : i32
            %broadcast_in_dim3A_728 = vector.broadcast %broadcast_in_dim3A_727 : i32 to vector<16xi32>
            %gather3A_729 = tpu.vector_load_idx %arg10[%broadcast_in_dim3A_479, %broadcast_in_dim3A_726, %broadcast_in_dim3A_728, %select_n3A] : memref<2x8x8x128xf32, #tpu.memory_space<vmem>>[vector<16xi32>, vector<16xi32>, vector<16xi32>, vector<16xi32>], vector<16xf32>,
            %broadcast_in_dim3A_730 = arith.constant 40 : i32
            %broadcast_in_dim3A_731 = vector.broadcast %broadcast_in_dim3A_730 : i32 to vector<16xi32>
            tpu.vector_store_idx %arg11[%select_n3A_515, %broadcast_in_dim3A_731], %gather3A_729 : memref<704x128xf32, #tpu.memory_space<vmem>>[vector<16xi32>, vector<16xi32>], vector<16xf32>,
            %broadcast_in_dim3A_732 = arith.constant 1 : i32
            %broadcast_in_dim3A_733 = vector.broadcast %broadcast_in_dim3A_732 : i32 to vector<16xi32>
            %gather3A_734 = tpu.vector_load_idx %arg10[%broadcast_in_dim3A_479, %broadcast_in_dim3A_726, %broadcast_in_dim3A_733, %select_n3A] : memref<2x8x8x128xf32, #tpu.memory_space<vmem>>[vector<16xi32>, vector<16xi32>, vector<16xi32>, vector<16xi32>], vector<16xf32>,
            %broadcast_in_dim3A_735 = arith.constant 41 : i32
            %broadcast_in_dim3A_736 = vector.broadcast %broadcast_in_dim3A_735 : i32 to vector<16xi32>
            tpu.vector_store_idx %arg11[%select_n3A_515, %broadcast_in_dim3A_736], %gather3A_734 : memref<704x128xf32, #tpu.memory_space<vmem>>[vector<16xi32>, vector<16xi32>], vector<16xf32>,
            %broadcast_in_dim3A_737 = arith.constant 2 : i32
            %broadcast_in_dim3A_738 = vector.broadcast %broadcast_in_dim3A_737 : i32 to vector<16xi32>
            %gather3A_739 = tpu.vector_load_idx %arg10[%broadcast_in_dim3A_479, %broadcast_in_dim3A_726, %broadcast_in_dim3A_738, %select_n3A] : memref<2x8x8x128xf32, #tpu.memory_space<vmem>>[vector<16xi32>, vector<16xi32>, vector<16xi32>, vector<16xi32>], vector<16xf32>,
            %broadcast_in_dim3A_740 = arith.constant 42 : i32
            %broadcast_in_dim3A_741 = vector.broadcast %broadcast_in_dim3A_740 : i32 to vector<16xi32>
            tpu.vector_store_idx %arg11[%select_n3A_515, %broadcast_in_dim3A_741], %gather3A_739 : memref<704x128xf32, #tpu.memory_space<vmem>>[vector<16xi32>, vector<16xi32>], vector<16xf32>,
            %broadcast_in_dim3A_742 = arith.constant 3 : i32
            %broadcast_in_dim3A_743 = vector.broadcast %broadcast_in_dim3A_742 : i32 to vector<16xi32>
            %gather3A_744 = tpu.vector_load_idx %arg10[%broadcast_in_dim3A_479, %broadcast_in_dim3A_726, %broadcast_in_dim3A_743, %select_n3A] : memref<2x8x8x128xf32, #tpu.memory_space<vmem>>[vector<16xi32>, vector<16xi32>, vector<16xi32>, vector<16xi32>], vector<16xf32>,
            %broadcast_in_dim3A_745 = arith.constant 43 : i32
            %broadcast_in_dim3A_746 = vector.broadcast %broadcast_in_dim3A_745 : i32 to vector<16xi32>
            tpu.vector_store_idx %arg11[%select_n3A_515, %broadcast_in_dim3A_746], %gather3A_744 : memref<704x128xf32, #tpu.memory_space<vmem>>[vector<16xi32>, vector<16xi32>], vector<16xf32>,
            %broadcast_in_dim3A_747 = arith.constant 4 : i32
            %broadcast_in_dim3A_748 = vector.broadcast %broadcast_in_dim3A_747 : i32 to vector<16xi32>
            %gather3A_749 = tpu.vector_load_idx %arg10[%broadcast_in_dim3A_479, %broadcast_in_dim3A_726, %broadcast_in_dim3A_748, %select_n3A] : memref<2x8x8x128xf32, #tpu.memory_space<vmem>>[vector<16xi32>, vector<16xi32>, vector<16xi32>, vector<16xi32>], vector<16xf32>,
            %broadcast_in_dim3A_750 = arith.constant 44 : i32
            %broadcast_in_dim3A_751 = vector.broadcast %broadcast_in_dim3A_750 : i32 to vector<16xi32>
            tpu.vector_store_idx %arg11[%select_n3A_515, %broadcast_in_dim3A_751], %gather3A_749 : memref<704x128xf32, #tpu.memory_space<vmem>>[vector<16xi32>, vector<16xi32>], vector<16xf32>,
            %broadcast_in_dim3A_752 = arith.constant 5 : i32
            %broadcast_in_dim3A_753 = vector.broadcast %broadcast_in_dim3A_752 : i32 to vector<16xi32>
            %gather3A_754 = tpu.vector_load_idx %arg10[%broadcast_in_dim3A_479, %broadcast_in_dim3A_726, %broadcast_in_dim3A_753, %select_n3A] : memref<2x8x8x128xf32, #tpu.memory_space<vmem>>[vector<16xi32>, vector<16xi32>, vector<16xi32>, vector<16xi32>], vector<16xf32>,
            %broadcast_in_dim3A_755 = arith.constant 45 : i32
            %broadcast_in_dim3A_756 = vector.broadcast %broadcast_in_dim3A_755 : i32 to vector<16xi32>
            tpu.vector_store_idx %arg11[%select_n3A_515, %broadcast_in_dim3A_756], %gather3A_754 : memref<704x128xf32, #tpu.memory_space<vmem>>[vector<16xi32>, vector<16xi32>], vector<16xf32>,
            %broadcast_in_dim3A_757 = arith.constant 6 : i32
            %broadcast_in_dim3A_758 = vector.broadcast %broadcast_in_dim3A_757 : i32 to vector<16xi32>
            %gather3A_759 = tpu.vector_load_idx %arg10[%broadcast_in_dim3A_479, %broadcast_in_dim3A_726, %broadcast_in_dim3A_758, %select_n3A] : memref<2x8x8x128xf32, #tpu.memory_space<vmem>>[vector<16xi32>, vector<16xi32>, vector<16xi32>, vector<16xi32>], vector<16xf32>,
            %broadcast_in_dim3A_760 = arith.constant 46 : i32
            %broadcast_in_dim3A_761 = vector.broadcast %broadcast_in_dim3A_760 : i32 to vector<16xi32>
            tpu.vector_store_idx %arg11[%select_n3A_515, %broadcast_in_dim3A_761], %gather3A_759 : memref<704x128xf32, #tpu.memory_space<vmem>>[vector<16xi32>, vector<16xi32>], vector<16xf32>,
            %broadcast_in_dim3A_762 = arith.constant 7 : i32
            %broadcast_in_dim3A_763 = vector.broadcast %broadcast_in_dim3A_762 : i32 to vector<16xi32>
            %gather3A_764 = tpu.vector_load_idx %arg10[%broadcast_in_dim3A_479, %broadcast_in_dim3A_726, %broadcast_in_dim3A_763, %select_n3A] : memref<2x8x8x128xf32, #tpu.memory_space<vmem>>[vector<16xi32>, vector<16xi32>, vector<16xi32>, vector<16xi32>], vector<16xf32>,
            %broadcast_in_dim3A_765 = arith.constant 47 : i32
            %broadcast_in_dim3A_766 = vector.broadcast %broadcast_in_dim3A_765 : i32 to vector<16xi32>
            tpu.vector_store_idx %arg11[%select_n3A_515, %broadcast_in_dim3A_766], %gather3A_764 : memref<704x128xf32, #tpu.memory_space<vmem>>[vector<16xi32>, vector<16xi32>], vector<16xf32>,
            %broadcast_in_dim3A_767 = arith.constant 6 : i32
            %broadcast_in_dim3A_768 = vector.broadcast %broadcast_in_dim3A_767 : i32 to vector<16xi32>
            %broadcast_in_dim3A_769 = arith.constant 0 : i32
            %broadcast_in_dim3A_770 = vector.broadcast %broadcast_in_dim3A_769 : i32 to vector<16xi32>
            %gather3A_771 = tpu.vector_load_idx %arg10[%broadcast_in_dim3A_479, %broadcast_in_dim3A_768, %broadcast_in_dim3A_770, %select_n3A] : memref<2x8x8x128xf32, #tpu.memory_space<vmem>>[vector<16xi32>, vector<16xi32>, vector<16xi32>, vector<16xi32>], vector<16xf32>,
            %broadcast_in_dim3A_772 = arith.constant 48 : i32
            %broadcast_in_dim3A_773 = vector.broadcast %broadcast_in_dim3A_772 : i32 to vector<16xi32>
            tpu.vector_store_idx %arg11[%select_n3A_515, %broadcast_in_dim3A_773], %gather3A_771 : memref<704x128xf32, #tpu.memory_space<vmem>>[vector<16xi32>, vector<16xi32>], vector<16xf32>,
            %broadcast_in_dim3A_774 = arith.constant 1 : i32
            %broadcast_in_dim3A_775 = vector.broadcast %broadcast_in_dim3A_774 : i32 to vector<16xi32>
            %gather3A_776 = tpu.vector_load_idx %arg10[%broadcast_in_dim3A_479, %broadcast_in_dim3A_768, %broadcast_in_dim3A_775, %select_n3A] : memref<2x8x8x128xf32, #tpu.memory_space<vmem>>[vector<16xi32>, vector<16xi32>, vector<16xi32>, vector<16xi32>], vector<16xf32>,
            %broadcast_in_dim3A_777 = arith.constant 49 : i32
            %broadcast_in_dim3A_778 = vector.broadcast %broadcast_in_dim3A_777 : i32 to vector<16xi32>
            tpu.vector_store_idx %arg11[%select_n3A_515, %broadcast_in_dim3A_778], %gather3A_776 : memref<704x128xf32, #tpu.memory_space<vmem>>[vector<16xi32>, vector<16xi32>], vector<16xf32>,
            %broadcast_in_dim3A_779 = arith.constant 2 : i32
            %broadcast_in_dim3A_780 = vector.broadcast %broadcast_in_dim3A_779 : i32 to vector<16xi32>
            %gather3A_781 = tpu.vector_load_idx %arg10[%broadcast_in_dim3A_479, %broadcast_in_dim3A_768, %broadcast_in_dim3A_780, %select_n3A] : memref<2x8x8x128xf32, #tpu.memory_space<vmem>>[vector<16xi32>, vector<16xi32>, vector<16xi32>, vector<16xi32>], vector<16xf32>,
            %broadcast_in_dim3A_782 = arith.constant 50 : i32
            %broadcast_in_dim3A_783 = vector.broadcast %broadcast_in_dim3A_782 : i32 to vector<16xi32>
            tpu.vector_store_idx %arg11[%select_n3A_515, %broadcast_in_dim3A_783], %gather3A_781 : memref<704x128xf32, #tpu.memory_space<vmem>>[vector<16xi32>, vector<16xi32>], vector<16xf32>,
            %broadcast_in_dim3A_784 = arith.constant 3 : i32
            %broadcast_in_dim3A_785 = vector.broadcast %broadcast_in_dim3A_784 : i32 to vector<16xi32>
            %gather3A_786 = tpu.vector_load_idx %arg10[%broadcast_in_dim3A_479, %broadcast_in_dim3A_768, %broadcast_in_dim3A_785, %select_n3A] : memref<2x8x8x128xf32, #tpu.memory_space<vmem>>[vector<16xi32>, vector<16xi32>, vector<16xi32>, vector<16xi32>], vector<16xf32>,
            %broadcast_in_dim3A_787 = arith.constant 51 : i32
            %broadcast_in_dim3A_788 = vector.broadcast %broadcast_in_dim3A_787 : i32 to vector<16xi32>
            tpu.vector_store_idx %arg11[%select_n3A_515, %broadcast_in_dim3A_788], %gather3A_786 : memref<704x128xf32, #tpu.memory_space<vmem>>[vector<16xi32>, vector<16xi32>], vector<16xf32>,
            %broadcast_in_dim3A_789 = arith.constant 4 : i32
            %broadcast_in_dim3A_790 = vector.broadcast %broadcast_in_dim3A_789 : i32 to vector<16xi32>
            %gather3A_791 = tpu.vector_load_idx %arg10[%broadcast_in_dim3A_479, %broadcast_in_dim3A_768, %broadcast_in_dim3A_790, %select_n3A] : memref<2x8x8x128xf32, #tpu.memory_space<vmem>>[vector<16xi32>, vector<16xi32>, vector<16xi32>, vector<16xi32>], vector<16xf32>,
            %broadcast_in_dim3A_792 = arith.constant 52 : i32
            %broadcast_in_dim3A_793 = vector.broadcast %broadcast_in_dim3A_792 : i32 to vector<16xi32>
            tpu.vector_store_idx %arg11[%select_n3A_515, %broadcast_in_dim3A_793], %gather3A_791 : memref<704x128xf32, #tpu.memory_space<vmem>>[vector<16xi32>, vector<16xi32>], vector<16xf32>,
            %broadcast_in_dim3A_794 = arith.constant 5 : i32
            %broadcast_in_dim3A_795 = vector.broadcast %broadcast_in_dim3A_794 : i32 to vector<16xi32>
            %gather3A_796 = tpu.vector_load_idx %arg10[%broadcast_in_dim3A_479, %broadcast_in_dim3A_768, %broadcast_in_dim3A_795, %select_n3A] : memref<2x8x8x128xf32, #tpu.memory_space<vmem>>[vector<16xi32>, vector<16xi32>, vector<16xi32>, vector<16xi32>], vector<16xf32>,
            %broadcast_in_dim3A_797 = arith.constant 53 : i32
            %broadcast_in_dim3A_798 = vector.broadcast %broadcast_in_dim3A_797 : i32 to vector<16xi32>
            tpu.vector_store_idx %arg11[%select_n3A_515, %broadcast_in_dim3A_798], %gather3A_796 : memref<704x128xf32, #tpu.memory_space<vmem>>[vector<16xi32>, vector<16xi32>], vector<16xf32>,
            %broadcast_in_dim3A_799 = arith.constant 6 : i32
            %broadcast_in_dim3A_800 = vector.broadcast %broadcast_in_dim3A_799 : i32 to vector<16xi32>
            %gather3A_801 = tpu.vector_load_idx %arg10[%broadcast_in_dim3A_479, %broadcast_in_dim3A_768, %broadcast_in_dim3A_800, %select_n3A] : memref<2x8x8x128xf32, #tpu.memory_space<vmem>>[vector<16xi32>, vector<16xi32>, vector<16xi32>, vector<16xi32>], vector<16xf32>,
            %broadcast_in_dim3A_802 = arith.constant 54 : i32
            %broadcast_in_dim3A_803 = vector.broadcast %broadcast_in_dim3A_802 : i32 to vector<16xi32>
            tpu.vector_store_idx %arg11[%select_n3A_515, %broadcast_in_dim3A_803], %gather3A_801 : memref<704x128xf32, #tpu.memory_space<vmem>>[vector<16xi32>, vector<16xi32>], vector<16xf32>,
            %broadcast_in_dim3A_804 = arith.constant 7 : i32
            %broadcast_in_dim3A_805 = vector.broadcast %broadcast_in_dim3A_804 : i32 to vector<16xi32>
            %gather3A_806 = tpu.vector_load_idx %arg10[%broadcast_in_dim3A_479, %broadcast_in_dim3A_768, %broadcast_in_dim3A_805, %select_n3A] : memref<2x8x8x128xf32, #tpu.memory_space<vmem>>[vector<16xi32>, vector<16xi32>, vector<16xi32>, vector<16xi32>], vector<16xf32>,
            %broadcast_in_dim3A_807 = arith.constant 55 : i32
            %broadcast_in_dim3A_808 = vector.broadcast %broadcast_in_dim3A_807 : i32 to vector<16xi32>
            tpu.vector_store_idx %arg11[%select_n3A_515, %broadcast_in_dim3A_808], %gather3A_806 : memref<704x128xf32, #tpu.memory_space<vmem>>[vector<16xi32>, vector<16xi32>], vector<16xf32>,
            %broadcast_in_dim3A_809 = arith.constant 7 : i32
            %broadcast_in_dim3A_810 = vector.broadcast %broadcast_in_dim3A_809 : i32 to vector<16xi32>
            %broadcast_in_dim3A_811 = arith.constant 0 : i32
            %broadcast_in_dim3A_812 = vector.broadcast %broadcast_in_dim3A_811 : i32 to vector<16xi32>
            %gather3A_813 = tpu.vector_load_idx %arg10[%broadcast_in_dim3A_479, %broadcast_in_dim3A_810, %broadcast_in_dim3A_812, %select_n3A] : memref<2x8x8x128xf32, #tpu.memory_space<vmem>>[vector<16xi32>, vector<16xi32>, vector<16xi32>, vector<16xi32>], vector<16xf32>,
            %broadcast_in_dim3A_814 = arith.constant 56 : i32
            %broadcast_in_dim3A_815 = vector.broadcast %broadcast_in_dim3A_814 : i32 to vector<16xi32>
            tpu.vector_store_idx %arg11[%select_n3A_515, %broadcast_in_dim3A_815], %gather3A_813 : memref<704x128xf32, #tpu.memory_space<vmem>>[vector<16xi32>, vector<16xi32>], vector<16xf32>,
            %broadcast_in_dim3A_816 = arith.constant 1 : i32
            %broadcast_in_dim3A_817 = vector.broadcast %broadcast_in_dim3A_816 : i32 to vector<16xi32>
            %gather3A_818 = tpu.vector_load_idx %arg10[%broadcast_in_dim3A_479, %broadcast_in_dim3A_810, %broadcast_in_dim3A_817, %select_n3A] : memref<2x8x8x128xf32, #tpu.memory_space<vmem>>[vector<16xi32>, vector<16xi32>, vector<16xi32>, vector<16xi32>], vector<16xf32>,
            %broadcast_in_dim3A_819 = arith.constant 57 : i32
            %broadcast_in_dim3A_820 = vector.broadcast %broadcast_in_dim3A_819 : i32 to vector<16xi32>
            tpu.vector_store_idx %arg11[%select_n3A_515, %broadcast_in_dim3A_820], %gather3A_818 : memref<704x128xf32, #tpu.memory_space<vmem>>[vector<16xi32>, vector<16xi32>], vector<16xf32>,
            %broadcast_in_dim3A_821 = arith.constant 2 : i32
            %broadcast_in_dim3A_822 = vector.broadcast %broadcast_in_dim3A_821 : i32 to vector<16xi32>
            %gather3A_823 = tpu.vector_load_idx %arg10[%broadcast_in_dim3A_479, %broadcast_in_dim3A_810, %broadcast_in_dim3A_822, %select_n3A] : memref<2x8x8x128xf32, #tpu.memory_space<vmem>>[vector<16xi32>, vector<16xi32>, vector<16xi32>, vector<16xi32>], vector<16xf32>,
            %broadcast_in_dim3A_824 = arith.constant 58 : i32
            %broadcast_in_dim3A_825 = vector.broadcast %broadcast_in_dim3A_824 : i32 to vector<16xi32>
            tpu.vector_store_idx %arg11[%select_n3A_515, %broadcast_in_dim3A_825], %gather3A_823 : memref<704x128xf32, #tpu.memory_space<vmem>>[vector<16xi32>, vector<16xi32>], vector<16xf32>,
            %broadcast_in_dim3A_826 = arith.constant 3 : i32
            %broadcast_in_dim3A_827 = vector.broadcast %broadcast_in_dim3A_826 : i32 to vector<16xi32>
            %gather3A_828 = tpu.vector_load_idx %arg10[%broadcast_in_dim3A_479, %broadcast_in_dim3A_810, %broadcast_in_dim3A_827, %select_n3A] : memref<2x8x8x128xf32, #tpu.memory_space<vmem>>[vector<16xi32>, vector<16xi32>, vector<16xi32>, vector<16xi32>], vector<16xf32>,
            %broadcast_in_dim3A_829 = arith.constant 59 : i32
            %broadcast_in_dim3A_830 = vector.broadcast %broadcast_in_dim3A_829 : i32 to vector<16xi32>
            tpu.vector_store_idx %arg11[%select_n3A_515, %broadcast_in_dim3A_830], %gather3A_828 : memref<704x128xf32, #tpu.memory_space<vmem>>[vector<16xi32>, vector<16xi32>], vector<16xf32>,
            %broadcast_in_dim3A_831 = arith.constant 4 : i32
            %broadcast_in_dim3A_832 = vector.broadcast %broadcast_in_dim3A_831 : i32 to vector<16xi32>
            %gather3A_833 = tpu.vector_load_idx %arg10[%broadcast_in_dim3A_479, %broadcast_in_dim3A_810, %broadcast_in_dim3A_832, %select_n3A] : memref<2x8x8x128xf32, #tpu.memory_space<vmem>>[vector<16xi32>, vector<16xi32>, vector<16xi32>, vector<16xi32>], vector<16xf32>,
            %broadcast_in_dim3A_834 = arith.constant 60 : i32
            %broadcast_in_dim3A_835 = vector.broadcast %broadcast_in_dim3A_834 : i32 to vector<16xi32>
            tpu.vector_store_idx %arg11[%select_n3A_515, %broadcast_in_dim3A_835], %gather3A_833 : memref<704x128xf32, #tpu.memory_space<vmem>>[vector<16xi32>, vector<16xi32>], vector<16xf32>,
            %broadcast_in_dim3A_836 = arith.constant 5 : i32
            %broadcast_in_dim3A_837 = vector.broadcast %broadcast_in_dim3A_836 : i32 to vector<16xi32>
            %gather3A_838 = tpu.vector_load_idx %arg10[%broadcast_in_dim3A_479, %broadcast_in_dim3A_810, %broadcast_in_dim3A_837, %select_n3A] : memref<2x8x8x128xf32, #tpu.memory_space<vmem>>[vector<16xi32>, vector<16xi32>, vector<16xi32>, vector<16xi32>], vector<16xf32>,
            %broadcast_in_dim3A_839 = arith.constant 61 : i32
            %broadcast_in_dim3A_840 = vector.broadcast %broadcast_in_dim3A_839 : i32 to vector<16xi32>
            tpu.vector_store_idx %arg11[%select_n3A_515, %broadcast_in_dim3A_840], %gather3A_838 : memref<704x128xf32, #tpu.memory_space<vmem>>[vector<16xi32>, vector<16xi32>], vector<16xf32>,
            %broadcast_in_dim3A_841 = arith.constant 6 : i32
            %broadcast_in_dim3A_842 = vector.broadcast %broadcast_in_dim3A_841 : i32 to vector<16xi32>
            %gather3A_843 = tpu.vector_load_idx %arg10[%broadcast_in_dim3A_479, %broadcast_in_dim3A_810, %broadcast_in_dim3A_842, %select_n3A] : memref<2x8x8x128xf32, #tpu.memory_space<vmem>>[vector<16xi32>, vector<16xi32>, vector<16xi32>, vector<16xi32>], vector<16xf32>,
            %broadcast_in_dim3A_844 = arith.constant 62 : i32
            %broadcast_in_dim3A_845 = vector.broadcast %broadcast_in_dim3A_844 : i32 to vector<16xi32>
            tpu.vector_store_idx %arg11[%select_n3A_515, %broadcast_in_dim3A_845], %gather3A_843 : memref<704x128xf32, #tpu.memory_space<vmem>>[vector<16xi32>, vector<16xi32>], vector<16xf32>,
            %broadcast_in_dim3A_846 = arith.constant 7 : i32
            %broadcast_in_dim3A_847 = vector.broadcast %broadcast_in_dim3A_846 : i32 to vector<16xi32>
            %gather3A_848 = tpu.vector_load_idx %arg10[%broadcast_in_dim3A_479, %broadcast_in_dim3A_810, %broadcast_in_dim3A_847, %select_n3A] : memref<2x8x8x128xf32, #tpu.memory_space<vmem>>[vector<16xi32>, vector<16xi32>, vector<16xi32>, vector<16xi32>], vector<16xf32>,
            %broadcast_in_dim3A_849 = arith.constant 63 : i32
            %broadcast_in_dim3A_850 = vector.broadcast %broadcast_in_dim3A_849 : i32 to vector<16xi32>
            tpu.vector_store_idx %arg11[%select_n3A_515, %broadcast_in_dim3A_850], %gather3A_848 : memref<704x128xf32, #tpu.memory_space<vmem>>[vector<16xi32>, vector<16xi32>], vector<16xf32>,
          } else {
          }
        }
        %scan3A_485 = arith.constant 36 : i32
        %scan3A_486 = arith.constant 0 : i32
        %scan3A_487 = arith.constant 0 : i32
        %scan3A_488 = arith.constant 5 : i32
        %scan3A_489 = arith.addi %scan3A_487, %scan3A_488 : i32
        %scan3A_490 = arith.constant 1 : i32
        scf.for %scan3A_492 = %scan3A_487 to %scan3A_489 step %scan3A_490  : i32 {
          %mul3A_493 = arith.constant 128 : i32
          %mul3A_494 = arith.muli %scan3A_492, %mul3A_493 : i32
          %lt3A = arith.cmpi slt, %mul3A_494, %min3A : i32
          %convert_element_type3A_495 = arith.extui %lt3A : i1 to i32
          %cond3A_496 = arith.constant 0 : i32
          %cond3A_497 = arith.cmpi ne, %convert_element_type3A_495, %cond3A_496 : i32
          scf.if %cond3A_497 {
            %mul3A_498 = arith.constant 128 : i32
            %mul3A_499 = arith.muli %scan3A_492, %mul3A_498 : i32
            %add3A_500 = arith.constant 0 : i32
            %add3A_501 = arith.addi %mul3A_499, %add3A_500 : i32
            %mul3A_502 = arith.constant 576 : i32
            %mul3A_503 = arith.muli %scan3A_16, %mul3A_502 : i32
            %add3A_504 = arith.addi %mul3A_503, %add3A_501 : i32
            %get3A = arith.index_cast %add3A_504 : i32 to index
            %get3A_505 = tpu.vector_load %arg7[%get3A] {strides = array<i32>} : memref<16400xi32, #tpu.memory_space<vmem>>, vector<16xi32>,
            %and3A = arith.constant 16383 : i32
            %and3A_506 = vector.broadcast %and3A : i32 to vector<16xi32>
            %and3A_507 = arith.andi %get3A_505, %and3A_506 : vector<16xi32>
            %iota3A = tpu.iota {dimensions = array<i32: 0>} : vector<16xi32>
            %add3A_508 = vector.broadcast %add3A_501 : i32 to vector<16xi32>
            %add3A_509 = arith.addi %add3A_508, %iota3A : vector<16xi32>
            %lt3A_510 = vector.broadcast %min3A : i32 to vector<16xi32>
            %lt3A_511 = arith.cmpi slt, %add3A_509, %lt3A_510 : vector<16xi32>
            %iota3A_512 = tpu.iota {dimensions = array<i32: 0>} : vector<16xi32>
            %add3A_513 = arith.constant 16384 : i32
            %add3A_514 = vector.broadcast %add3A_513 : i32 to vector<16xi32>
            %add3A_515 = arith.addi %add3A_514, %iota3A_512 : vector<16xi32>
            %select_n3A = arith.select %lt3A_511, %and3A_507, %add3A_515 : vector<16xi1>, vector<16xi32>
            %swap3A = arith.constant 0 : i32
            %swap3A_516 = arith.index_cast %swap3A : i32 to index
            %swap3A_517 = arith.constant 0 : index
            %swap3A_518 = tpu.vector_load %arg12[%swap3A_516, %swap3A_517] {strides = array<i32>} : memref<1x128xi32, #tpu.memory_space<vmem>>, vector<16xi32>,
            tpu.vector_store %arg12[%swap3A_516, %swap3A_517], %select_n3A {strides = array<i32>} : memref<1x128xi32, #tpu.memory_space<vmem>>, vector<16xi32>,
            %mul3A_519 = arith.constant 128 : i32
            %mul3A_520 = arith.muli %scan3A_492, %mul3A_519 : i32
            %add3A_521 = arith.constant 16 : i32
            %add3A_522 = arith.addi %mul3A_520, %add3A_521 : i32
            %mul3A_523 = arith.constant 576 : i32
            %mul3A_524 = arith.muli %scan3A_16, %mul3A_523 : i32
            %add3A_525 = arith.addi %mul3A_524, %add3A_522 : i32
            %get3A_526 = arith.index_cast %add3A_525 : i32 to index
            %get3A_527 = tpu.vector_load %arg7[%get3A_526] {strides = array<i32>} : memref<16400xi32, #tpu.memory_space<vmem>>, vector<16xi32>,
            %and3A_528 = arith.constant 16383 : i32
            %and3A_529 = vector.broadcast %and3A_528 : i32 to vector<16xi32>
            %and3A_530 = arith.andi %get3A_527, %and3A_529 : vector<16xi32>
            %iota3A_531 = tpu.iota {dimensions = array<i32: 0>} : vector<16xi32>
            %add3A_532 = vector.broadcast %add3A_522 : i32 to vector<16xi32>
            %add3A_533 = arith.addi %add3A_532, %iota3A_531 : vector<16xi32>
            %lt3A_534 = vector.broadcast %min3A : i32 to vector<16xi32>
            %lt3A_535 = arith.cmpi slt, %add3A_533, %lt3A_534 : vector<16xi32>
            %iota3A_536 = tpu.iota {dimensions = array<i32: 0>} : vector<16xi32>
            %add3A_537 = arith.constant 16400 : i32
            %add3A_538 = vector.broadcast %add3A_537 : i32 to vector<16xi32>
            %add3A_539 = arith.addi %add3A_538, %iota3A_536 : vector<16xi32>
            %select_n3A_540 = arith.select %lt3A_535, %and3A_530, %add3A_539 : vector<16xi1>, vector<16xi32>
            %swap3A_541 = arith.constant 0 : i32
            %swap3A_542 = arith.index_cast %swap3A_541 : i32 to index
            %swap3A_543 = arith.constant 16 : index
            %swap3A_544 = tpu.vector_load %arg12[%swap3A_542, %swap3A_543] {strides = array<i32>} : memref<1x128xi32, #tpu.memory_space<vmem>>, vector<16xi32>,
            tpu.vector_store %arg12[%swap3A_542, %swap3A_543], %select_n3A_540 {strides = array<i32>} : memref<1x128xi32, #tpu.memory_space<vmem>>, vector<16xi32>,
            %mul3A_545 = arith.constant 128 : i32
            %mul3A_546 = arith.muli %scan3A_492, %mul3A_545 : i32
            %add3A_547 = arith.constant 32 : i32
            %add3A_548 = arith.addi %mul3A_546, %add3A_547 : i32
            %mul3A_549 = arith.constant 576 : i32
            %mul3A_550 = arith.muli %scan3A_16, %mul3A_549 : i32
            %add3A_551 = arith.addi %mul3A_550, %add3A_548 : i32
            %get3A_552 = arith.index_cast %add3A_551 : i32 to index
            %get3A_553 = tpu.vector_load %arg7[%get3A_552] {strides = array<i32>} : memref<16400xi32, #tpu.memory_space<vmem>>, vector<16xi32>,
            %and3A_554 = arith.constant 16383 : i32
            %and3A_555 = vector.broadcast %and3A_554 : i32 to vector<16xi32>
            %and3A_556 = arith.andi %get3A_553, %and3A_555 : vector<16xi32>
            %iota3A_557 = tpu.iota {dimensions = array<i32: 0>} : vector<16xi32>
            %add3A_558 = vector.broadcast %add3A_548 : i32 to vector<16xi32>
            %add3A_559 = arith.addi %add3A_558, %iota3A_557 : vector<16xi32>
            %lt3A_560 = vector.broadcast %min3A : i32 to vector<16xi32>
            %lt3A_561 = arith.cmpi slt, %add3A_559, %lt3A_560 : vector<16xi32>
            %iota3A_562 = tpu.iota {dimensions = array<i32: 0>} : vector<16xi32>
            %add3A_563 = arith.constant 16416 : i32
            %add3A_564 = vector.broadcast %add3A_563 : i32 to vector<16xi32>
            %add3A_565 = arith.addi %add3A_564, %iota3A_562 : vector<16xi32>
            %select_n3A_566 = arith.select %lt3A_561, %and3A_556, %add3A_565 : vector<16xi1>, vector<16xi32>
            %swap3A_567 = arith.constant 0 : i32
            %swap3A_568 = arith.index_cast %swap3A_567 : i32 to index
            %swap3A_569 = arith.constant 32 : index
            %swap3A_570 = tpu.vector_load %arg12[%swap3A_568, %swap3A_569] {strides = array<i32>} : memref<1x128xi32, #tpu.memory_space<vmem>>, vector<16xi32>,
            tpu.vector_store %arg12[%swap3A_568, %swap3A_569], %select_n3A_566 {strides = array<i32>} : memref<1x128xi32, #tpu.memory_space<vmem>>, vector<16xi32>,
            %mul3A_571 = arith.constant 128 : i32
            %mul3A_572 = arith.muli %scan3A_492, %mul3A_571 : i32
            %add3A_573 = arith.constant 48 : i32
            %add3A_574 = arith.addi %mul3A_572, %add3A_573 : i32
            %mul3A_575 = arith.constant 576 : i32
            %mul3A_576 = arith.muli %scan3A_16, %mul3A_575 : i32
            %add3A_577 = arith.addi %mul3A_576, %add3A_574 : i32
            %get3A_578 = arith.index_cast %add3A_577 : i32 to index
            %get3A_579 = tpu.vector_load %arg7[%get3A_578] {strides = array<i32>} : memref<16400xi32, #tpu.memory_space<vmem>>, vector<16xi32>,
            %and3A_580 = arith.constant 16383 : i32
            %and3A_581 = vector.broadcast %and3A_580 : i32 to vector<16xi32>
            %and3A_582 = arith.andi %get3A_579, %and3A_581 : vector<16xi32>
            %iota3A_583 = tpu.iota {dimensions = array<i32: 0>} : vector<16xi32>
            %add3A_584 = vector.broadcast %add3A_574 : i32 to vector<16xi32>
            %add3A_585 = arith.addi %add3A_584, %iota3A_583 : vector<16xi32>
            %lt3A_586 = vector.broadcast %min3A : i32 to vector<16xi32>
            %lt3A_587 = arith.cmpi slt, %add3A_585, %lt3A_586 : vector<16xi32>
            %iota3A_588 = tpu.iota {dimensions = array<i32: 0>} : vector<16xi32>
            %add3A_589 = arith.constant 16432 : i32
            %add3A_590 = vector.broadcast %add3A_589 : i32 to vector<16xi32>
            %add3A_591 = arith.addi %add3A_590, %iota3A_588 : vector<16xi32>
            %select_n3A_592 = arith.select %lt3A_587, %and3A_582, %add3A_591 : vector<16xi1>, vector<16xi32>
            %swap3A_593 = arith.constant 0 : i32
            %swap3A_594 = arith.index_cast %swap3A_593 : i32 to index
            %swap3A_595 = arith.constant 48 : index
            %swap3A_596 = tpu.vector_load %arg12[%swap3A_594, %swap3A_595] {strides = array<i32>} : memref<1x128xi32, #tpu.memory_space<vmem>>, vector<16xi32>,
            tpu.vector_store %arg12[%swap3A_594, %swap3A_595], %select_n3A_592 {strides = array<i32>} : memref<1x128xi32, #tpu.memory_space<vmem>>, vector<16xi32>,
            %mul3A_597 = arith.constant 128 : i32
            %mul3A_598 = arith.muli %scan3A_492, %mul3A_597 : i32
            %add3A_599 = arith.constant 64 : i32
            %add3A_600 = arith.addi %mul3A_598, %add3A_599 : i32
            %mul3A_601 = arith.constant 576 : i32
            %mul3A_602 = arith.muli %scan3A_16, %mul3A_601 : i32
            %add3A_603 = arith.addi %mul3A_602, %add3A_600 : i32
            %get3A_604 = arith.index_cast %add3A_603 : i32 to index
            %get3A_605 = tpu.vector_load %arg7[%get3A_604] {strides = array<i32>} : memref<16400xi32, #tpu.memory_space<vmem>>, vector<16xi32>,
            %and3A_606 = arith.constant 16383 : i32
            %and3A_607 = vector.broadcast %and3A_606 : i32 to vector<16xi32>
            %and3A_608 = arith.andi %get3A_605, %and3A_607 : vector<16xi32>
            %iota3A_609 = tpu.iota {dimensions = array<i32: 0>} : vector<16xi32>
            %add3A_610 = vector.broadcast %add3A_600 : i32 to vector<16xi32>
            %add3A_611 = arith.addi %add3A_610, %iota3A_609 : vector<16xi32>
            %lt3A_612 = vector.broadcast %min3A : i32 to vector<16xi32>
            %lt3A_613 = arith.cmpi slt, %add3A_611, %lt3A_612 : vector<16xi32>
            %iota3A_614 = tpu.iota {dimensions = array<i32: 0>} : vector<16xi32>
            %add3A_615 = arith.constant 16448 : i32
            %add3A_616 = vector.broadcast %add3A_615 : i32 to vector<16xi32>
            %add3A_617 = arith.addi %add3A_616, %iota3A_614 : vector<16xi32>
            %select_n3A_618 = arith.select %lt3A_613, %and3A_608, %add3A_617 : vector<16xi1>, vector<16xi32>
            %swap3A_619 = arith.constant 0 : i32
            %swap3A_620 = arith.index_cast %swap3A_619 : i32 to index
            %swap3A_621 = arith.constant 64 : index
            %swap3A_622 = tpu.vector_load %arg12[%swap3A_620, %swap3A_621] {strides = array<i32>} : memref<1x128xi32, #tpu.memory_space<vmem>>, vector<16xi32>,
            tpu.vector_store %arg12[%swap3A_620, %swap3A_621], %select_n3A_618 {strides = array<i32>} : memref<1x128xi32, #tpu.memory_space<vmem>>, vector<16xi32>,
            %mul3A_623 = arith.constant 128 : i32
            %mul3A_624 = arith.muli %scan3A_492, %mul3A_623 : i32
            %add3A_625 = arith.constant 80 : i32
            %add3A_626 = arith.addi %mul3A_624, %add3A_625 : i32
            %mul3A_627 = arith.constant 576 : i32
            %mul3A_628 = arith.muli %scan3A_16, %mul3A_627 : i32
            %add3A_629 = arith.addi %mul3A_628, %add3A_626 : i32
            %get3A_630 = arith.index_cast %add3A_629 : i32 to index
            %get3A_631 = tpu.vector_load %arg7[%get3A_630] {strides = array<i32>} : memref<16400xi32, #tpu.memory_space<vmem>>, vector<16xi32>,
            %and3A_632 = arith.constant 16383 : i32
            %and3A_633 = vector.broadcast %and3A_632 : i32 to vector<16xi32>
            %and3A_634 = arith.andi %get3A_631, %and3A_633 : vector<16xi32>
            %iota3A_635 = tpu.iota {dimensions = array<i32: 0>} : vector<16xi32>
            %add3A_636 = vector.broadcast %add3A_626 : i32 to vector<16xi32>
            %add3A_637 = arith.addi %add3A_636, %iota3A_635 : vector<16xi32>
            %lt3A_638 = vector.broadcast %min3A : i32 to vector<16xi32>
            %lt3A_639 = arith.cmpi slt, %add3A_637, %lt3A_638 : vector<16xi32>
            %iota3A_640 = tpu.iota {dimensions = array<i32: 0>} : vector<16xi32>
            %add3A_641 = arith.constant 16464 : i32
            %add3A_642 = vector.broadcast %add3A_641 : i32 to vector<16xi32>
            %add3A_643 = arith.addi %add3A_642, %iota3A_640 : vector<16xi32>
            %select_n3A_644 = arith.select %lt3A_639, %and3A_634, %add3A_643 : vector<16xi1>, vector<16xi32>
            %swap3A_645 = arith.constant 0 : i32
            %swap3A_646 = arith.index_cast %swap3A_645 : i32 to index
            %swap3A_647 = arith.constant 80 : index
            %swap3A_648 = tpu.vector_load %arg12[%swap3A_646, %swap3A_647] {strides = array<i32>} : memref<1x128xi32, #tpu.memory_space<vmem>>, vector<16xi32>,
            tpu.vector_store %arg12[%swap3A_646, %swap3A_647], %select_n3A_644 {strides = array<i32>} : memref<1x128xi32, #tpu.memory_space<vmem>>, vector<16xi32>,
            %mul3A_649 = arith.constant 128 : i32
            %mul3A_650 = arith.muli %scan3A_492, %mul3A_649 : i32
            %add3A_651 = arith.constant 96 : i32
            %add3A_652 = arith.addi %mul3A_650, %add3A_651 : i32
            %mul3A_653 = arith.constant 576 : i32
            %mul3A_654 = arith.muli %scan3A_16, %mul3A_653 : i32
            %add3A_655 = arith.addi %mul3A_654, %add3A_652 : i32
            %get3A_656 = arith.index_cast %add3A_655 : i32 to index
            %get3A_657 = tpu.vector_load %arg7[%get3A_656] {strides = array<i32>} : memref<16400xi32, #tpu.memory_space<vmem>>, vector<16xi32>,
            %and3A_658 = arith.constant 16383 : i32
            %and3A_659 = vector.broadcast %and3A_658 : i32 to vector<16xi32>
            %and3A_660 = arith.andi %get3A_657, %and3A_659 : vector<16xi32>
            %iota3A_661 = tpu.iota {dimensions = array<i32: 0>} : vector<16xi32>
            %add3A_662 = vector.broadcast %add3A_652 : i32 to vector<16xi32>
            %add3A_663 = arith.addi %add3A_662, %iota3A_661 : vector<16xi32>
            %lt3A_664 = vector.broadcast %min3A : i32 to vector<16xi32>
            %lt3A_665 = arith.cmpi slt, %add3A_663, %lt3A_664 : vector<16xi32>
            %iota3A_666 = tpu.iota {dimensions = array<i32: 0>} : vector<16xi32>
            %add3A_667 = arith.constant 16480 : i32
            %add3A_668 = vector.broadcast %add3A_667 : i32 to vector<16xi32>
            %add3A_669 = arith.addi %add3A_668, %iota3A_666 : vector<16xi32>
            %select_n3A_670 = arith.select %lt3A_665, %and3A_660, %add3A_669 : vector<16xi1>, vector<16xi32>
            %swap3A_671 = arith.constant 0 : i32
            %swap3A_672 = arith.index_cast %swap3A_671 : i32 to index
            %swap3A_673 = arith.constant 96 : index
            %swap3A_674 = tpu.vector_load %arg12[%swap3A_672, %swap3A_673] {strides = array<i32>} : memref<1x128xi32, #tpu.memory_space<vmem>>, vector<16xi32>,
            tpu.vector_store %arg12[%swap3A_672, %swap3A_673], %select_n3A_670 {strides = array<i32>} : memref<1x128xi32, #tpu.memory_space<vmem>>, vector<16xi32>,
            %mul3A_675 = arith.constant 128 : i32
            %mul3A_676 = arith.muli %scan3A_492, %mul3A_675 : i32
            %add3A_677 = arith.constant 112 : i32
            %add3A_678 = arith.addi %mul3A_676, %add3A_677 : i32
            %mul3A_679 = arith.constant 576 : i32
            %mul3A_680 = arith.muli %scan3A_16, %mul3A_679 : i32
            %add3A_681 = arith.addi %mul3A_680, %add3A_678 : i32
            %get3A_682 = arith.index_cast %add3A_681 : i32 to index
            %get3A_683 = tpu.vector_load %arg7[%get3A_682] {strides = array<i32>} : memref<16400xi32, #tpu.memory_space<vmem>>, vector<16xi32>,
            %and3A_684 = arith.constant 16383 : i32
            %and3A_685 = vector.broadcast %and3A_684 : i32 to vector<16xi32>
            %and3A_686 = arith.andi %get3A_683, %and3A_685 : vector<16xi32>
            %iota3A_687 = tpu.iota {dimensions = array<i32: 0>} : vector<16xi32>
            %add3A_688 = vector.broadcast %add3A_678 : i32 to vector<16xi32>
            %add3A_689 = arith.addi %add3A_688, %iota3A_687 : vector<16xi32>
            %lt3A_690 = vector.broadcast %min3A : i32 to vector<16xi32>
            %lt3A_691 = arith.cmpi slt, %add3A_689, %lt3A_690 : vector<16xi32>
            %iota3A_692 = tpu.iota {dimensions = array<i32: 0>} : vector<16xi32>
            %add3A_693 = arith.constant 16496 : i32
            %add3A_694 = vector.broadcast %add3A_693 : i32 to vector<16xi32>
            %add3A_695 = arith.addi %add3A_694, %iota3A_692 : vector<16xi32>
            %select_n3A_696 = arith.select %lt3A_691, %and3A_686, %add3A_695 : vector<16xi1>, vector<16xi32>
            %swap3A_697 = arith.constant 0 : i32
            %swap3A_698 = arith.index_cast %swap3A_697 : i32 to index
            %swap3A_699 = arith.constant 112 : index
            %swap3A_700 = tpu.vector_load %arg12[%swap3A_698, %swap3A_699] {strides = array<i32>} : memref<1x128xi32, #tpu.memory_space<vmem>>, vector<16xi32>,
            tpu.vector_store %arg12[%swap3A_698, %swap3A_699], %select_n3A_696 {strides = array<i32>} : memref<1x128xi32, #tpu.memory_space<vmem>>, vector<16xi32>,
            %mul3A_701 = arith.constant 128 : i32
            %mul3A_702 = arith.muli %scan3A_492, %mul3A_701 : i32
            %dma_start3A_703 = arith.constant 0 : i32
            %dma_start3A_704 = arith.constant 0 : i32
            %dma_start3A_705 = tpu.memref_slice %arg11[%mul3A_702, %dma_start3A_704] : memref<704x128xf32, #tpu.memory_space<vmem>> -> memref<128x128xf32, #tpu.memory_space<vmem>>
            %dma_start3A_706 = arith.constant 0 : i32
            %dma_start3A_707 = tpu.memref_slice %arg12[%dma_start3A_703, %dma_start3A_706] : memref<1x128xi32, #tpu.memory_space<vmem>> -> memref<1x128xi32, #tpu.memory_space<vmem>>
            %dma_start3A_708 = tpu.memref_squeeze %dma_start3A_707 : memref<1x128xi32, #tpu.memory_space<vmem>> -> memref<128xi32, #tpu.memory_space<vmem>>
            %dma_start3A_709 = arith.constant 0 : i32
            %dma_start3A_710 = arith.constant 0 : i32
            %dma_start3A_711 = tpu.memref_slice %arg5[%dma_start3A_709, %dma_start3A_710] : memref<16512x128xf32, #tpu.memory_space<hbm>> -> memref<16512x128xf32, #tpu.memory_space<hbm>>
            tpu.enqueue_indirect_dma source(%dma_start3A_705 : memref<128x128xf32, #tpu.memory_space<vmem>>) target(%dma_start3A_711 : memref<16512x128xf32, #tpu.memory_space<hbm>>) offsets(%dma_start3A_708 : memref<128xi32, #tpu.memory_space<vmem>>) semaphore(%arg13 : memref<!tpu.dma_semaphore, #tpu.memory_space<semaphore_mem>>)
            %dma_wait3A_712 = arith.constant 0 : i32
            %dma_wait3A_713 = arith.constant 0 : i32
            %dma_wait3A_714 = tpu.memref_slice %arg11[%mul3A_702, %dma_wait3A_713] : memref<704x128xf32, #tpu.memory_space<vmem>> -> memref<128x128xf32, #tpu.memory_space<vmem>>
            %dma_wait3A_715 = arith.constant 0 : i32
            %dma_wait3A_716 = tpu.memref_slice %arg12[%dma_wait3A_712, %dma_wait3A_715] : memref<1x128xi32, #tpu.memory_space<vmem>> -> memref<1x128xi32, #tpu.memory_space<vmem>>
            %dma_wait3A_717 = tpu.memref_squeeze %dma_wait3A_716 : memref<1x128xi32, #tpu.memory_space<vmem>> -> memref<128xi32, #tpu.memory_space<vmem>>
            %dma_wait3A_718 = arith.constant 0 : i32
            %dma_wait3A_719 = arith.constant 0 : i32
            %dma_wait3A_720 = tpu.memref_slice %arg5[%dma_wait3A_718, %dma_wait3A_719] : memref<16512x128xf32, #tpu.memory_space<hbm>> -> memref<16512x128xf32, #tpu.memory_space<hbm>>
            tpu.wait_indirect_dma semaphore(%arg13 : memref<!tpu.dma_semaphore, #tpu.memory_space<semaphore_mem>>) src(%dma_wait3A_714 : memref<128x128xf32, #tpu.memory_space<vmem>>) dst(%dma_wait3A_720 : memref<16512x128xf32, #tpu.memory_space<hbm>>)
          } else {
          }
        }
        %scan3A_491 = arith.constant 5 : i32
      } else {
      }
    }
    %scan3A_15 = arith.constant 29 : i32
    return
  }
}

</mosaic_0001>

<sc_bundles>
// kernel: kernel.3.cloned.1.call-start
scs
__scs_entry_jumppad:
0x0: {  	(pc) =	sbr.rel $0x88, $3  }
0x1: {  	(tag) =	ssettag $0x0;
	lr =	simm.s32 $0x1  }
0x2: {  	[smem:$0x3F9F] =	sst lr;
	_ =	strace $0xD0000000  }
0x3: {  	_ = 	snop  }
0x4: {  	_ = 	snop  }
0x5: {  	_ = 	snop  }
0x6: {  	_ = 	snop  }
0x7: {  	_ = 	snop  }
__scs_overlays_trampoline_lowered:
0x8: {  	[smem:$0x3FAE] =	sst s0  }
0x9: {  	[smem:$0x3FAF] =	sst s1  }
0xa: {  	[smem:$0x3FB0] =	sst s2  }
0xb: {  	[smem:$0x3FB1] =	sst s3  }
0xc: {  	[smem:$0x3FB2] =	sst s4  }
0xd: {  	[smem:$0x3FB3] =	sst s5  }
0xe: {  	[smem:$0x3FB4] =	sst s6  }
0xf: {  	[smem:$0x3FB5] =	sst s7  }
0x10: {  	[smem:$0x3FB6] =	sst s8  }
0x11: {  	[smem:$0x3FB7] =	sst s9;
	s0 =	simm.s32 @!p0 $0x0  }
0x12: {  	s1 =	sld [smem:$0x3F9D];
	s0 =	simm.s32 @p0 $0x1  }
0x13: {  	[smem:$0x3FB8] =	sst s0;
	s0 =	simm.s32 @!p1 $0x0  }
0x14: {  	s2 =	sld [smem:$0x3F9C];
	s0 =	simm.s32 @p1 $0x1  }
0x15: {  	[smem:$0x3FB9] =	sst s0;
	s0 =	simm.s32 @!p2 $0x0  }
0x16: {  	s3 =	sld [smem:$0x3FDB];
	s0 =	simm.s32 @p2 $0x1  }
0x17: {  	s4 =	simm.s32 $0x1BF5;
	[smem:$0x3FBB] =	sst s0  }
0x18: {  	s0 =	sld [smem:$0x3F9E];
	_ =	swait.ge [sflag:s4], $0x0  }
0x19: {  	s7 =	sld [smem:$0x3F9F]  }
0x1a: {  	s8 =	sadd.s32 $0xFFFFE003, lr  }
0x1b: {  	s9 =	sadd.s32 $0xFFFFFEF7, lr;
	s5 =	simm.s32 $0xFFFFFFFF;
	p2 =	slt.u32 s8, $0xFFFFF086  }
0x1c: {  	p1 =	slt.u32 s9, $0xF7A;
	s5 =	simm.s32 @!p2 $0x0  }
0x1d: {  	s5 =	simm.s32 @p1 $0x1;
	p0 =	seq.s32 s7, s2  }
0x1e: {  	s7 =	smul.u32 @!p0 $0xF7A, s2;
	p2 =	seq.s32 @!p0 s5, $0x0  }
0x1f: {  	s9 =	smul.u32 $0xF7A, s1;
	s8 =	simm.s32 @!p0 $0x1BF5;
	p2 =	por !p2, p0  }
0x20: {  	[sflag:s8] =	ssyncset.s32 @!p0 $0xFFFFF086;
	s6 =	sadd.s32 @!p0 s3, s7;
	s7 =	simm.s32 @!p0 $0x108  }
0x21: {  	s3 =	sadd.s32 s3, s9;
	s6 =	sadd.s32 @!p0 $0x88, s6;
	s7 =	simm.s32 @p2 $0x1082  }
0x22: {  	[simem:s7], [sflag:s8] =	dma.local @!p0 [hbm:s6], $0xF7A  }
0x23: {  	s9 =	sor.u32 $0xD0000000, s2;
	s6 =	simm.s32 $0x108;
	_ =	swait.ge @!p0 [sflag:s8], $0x0  }
0x24: {  	s3 =	sadd.s32 $0x88, s3;
	s6 =	simm.s32 @!p1 $0x1082;
	[sflag:s4] =	ssyncset.s32 $0xFFFFF086  }
0x25: {  	[simem:s6], [sflag:s4] =	dma.local [hbm:s3], $0xF7A  }
0x26: {  	[smem:$0x3F9F] =	sst s1;
	(tag) =	ssettag s2;
	_ =	strace s9  }
0x27: {  	s1 =	sld [smem:$0x3FAF]  }
0x28: {  	s2 =	sld [smem:$0x3FB0]  }
0x29: {  	s4 =	sld [smem:$0x3FB2]  }
0x2a: {  	p0 =	seq.s32 s5, $0x0;
	s5 =	sld [smem:$0x3FB3]  }
0x2b: {  	s6 =	sld [smem:$0x3FB4]  }
0x2c: {  	s7 =	sld [smem:$0x3FB5]  }
0x2d: {  	s3 =	simm.s32 $0x108;
	s8 =	sld [smem:$0x3FB6]  }
0x2e: {  	s3 =	simm.s32 @!p0 $0x1082;
	s9 =	sld [smem:$0x3FB7]  }
0x2f: {  	lr =	sadd.s32 s0, s3;
	s0 =	sld [smem:$0x3FAE]  }
0x30: {  	s3 =	sld [smem:$0x3FB1]  }
0x31: {  	[smem:$0x3FBA] =	sst s10  }
0x32: {  	s10 =	sld [smem:$0x3FB8];
	_ =	sdelay $0x3  }
0x33: {  	p0 =	seq.s32 s10, $0x1;
	s10 =	sld [smem:$0x3FBA];
	_ =	sdelay $0x3  }
0x34: {  	[smem:$0x3FBA] =	sst s10  }
0x35: {  	s10 =	sld [smem:$0x3FB9];
	_ =	sdelay $0x3  }
0x36: {  	p1 =	seq.s32 s10, $0x1;
	s10 =	sld [smem:$0x3FBA];
	_ =	sdelay $0x3  }
0x37: {  	[smem:$0x3FBA] =	sst s10  }
0x38: {  	s10 =	sld [smem:$0x3FBB]  }
0x39: {  	_ = 	snop;
	(pc) =	sbr.ind lr, $3  }
0x3a: {  	_ = 	snop  }
0x3b: {  	_ = 	snop  }
0x3c: {  	p2 =	seq.s32 s10, $0x1;
	s10 =	sld [smem:$0x3FBA]  }
0x3d: {  	_ =	shalt  }
0x3e: {  	_ =	shalt  }
0x3f: {  	_ =	shalt  }
0x40: {  	_ =	shalt  }
0x41: {  	_ =	shalt  }
0x42: {  	_ =	shalt  }
0x43: {  	_ =	shalt  }
0x44: {  	_ =	shalt  }
0x45: {  	_ =	shalt  }
0x46: {  	_ =	shalt  }
0x47: {  	_ =	shalt  }
0x48: {  	_ =	shalt  }
0x49: {  	_ =	shalt  }
0x4a: {  	_ =	shalt  }
0x4b: {  	_ =	shalt  }
0x4c: {  	_ =	shalt  }
0x4d: {  	_ =	shalt  }
0x4e: {  	_ =	shalt  }
0x4f: {  	_ =	shalt  }
0x50: {  	_ =	shalt  }
0x51: {  	_ =	shalt  }
0x52: {  	_ =	shalt  }
0x53: {  	_ =	shalt  }
0x54: {  	_ =	shalt  }
0x55: {  	_ =	shalt  }
0x56: {  	_ =	shalt  }
0x57: {  	_ =	shalt  }
0x58: {  	_ =	shalt  }
0x59: {  	_ =	shalt  }
0x5a: {  	_ =	shalt  }
0x5b: {  	_ =	shalt  }
0x5c: {  	_ =	shalt  }
0x5d: {  	_ =	shalt  }
0x5e: {  	_ =	shalt  }
0x5f: {  	_ =	shalt  }
0x60: {  	_ =	shalt  }
0x61: {  	_ =	shalt  }
0x62: {  	_ =	shalt  }
0x63: {  	_ =	shalt  }
0x64: {  	_ =	shalt  }
0x65: {  	_ =	shalt  }
0x66: {  	_ =	shalt  }
0x67: {  	_ =	shalt  }
0x68: {  	_ =	shalt  }
0x69: {  	_ =	shalt  }
0x6a: {  	_ =	shalt  }
0x6b: {  	_ =	shalt  }
0x6c: {  	_ =	shalt  }
0x6d: {  	_ =	shalt  }
0x6e: {  	_ =	shalt  }
0x6f: {  	_ =	shalt  }
0x70: {  	_ =	shalt  }
0x71: {  	_ =	shalt  }
0x72: {  	_ =	shalt  }
0x73: {  	_ =	shalt  }
0x74: {  	_ =	shalt  }
0x75: {  	_ =	shalt  }
0x76: {  	_ =	shalt  }
0x77: {  	_ =	shalt  }
0x78: {  	_ =	shalt  }
0x79: {  	_ =	shalt  }
0x7a: {  	_ =	shalt  }
0x7b: {  	_ =	shalt  }
0x7c: {  	_ =	shalt  }
0x7d: {  	_ =	shalt  }
0x7e: {  	_ =	shalt  }
0x7f: {  	_ =	shalt  }
0x80: {  	_ =	shalt  }
0x81: {  	_ =	shalt  }
0x82: {  	_ =	shalt  }
0x83: {  	_ =	shalt  }
0x84: {  	_ =	shalt  }
0x85: {  	_ =	shalt  }
0x86: {  	_ =	shalt  }
0x87: {  	_ =	shalt  }
.Lfunc_end0:
.L_simem_size_0:
called_computation_lowered:
.L_overlay_start_0:
0x88: {  	s2 =	sld [smem:$0x3FD9]  }
0x89: {  	s3 =	sld [smem:$0x3FFE];
	_ =	sdelay $0x1  }
0x8a: {  	s1 =	srdreg.scid  }
0x8b: {  	s0 =	sand.u32 $0x1, s1  }
0x8c: {  	s17 =	sshll.u32 s0, $0xA;
	s2 =	sadd.s32 s3, s2  }
0x8d: {  	s2 =	sadd.s32 s2, s17  }
0x8e: {  	[smem:$0x3FC6] =	sst s2  }
0x8f: {  	_ = 	snop  }
0x90: {  	s2 =	sld [smem:$0x3FC9]  }
0x91: {  	s18 =	sld [smem:$0x3FC8]  }
0x92: {  	s4 =	sld [smem:$0x3FD0];
	(tm) =	ssettm $0x1  }
0x93: {  	s5 =	sld [smem:$0x3FFB];
	_ =	sdelay $0x3  }
0x94: {  	_ =	strace s5  }
0x95: {  	s5 =	sld [smem:$0x3FFC];
	_ =	sdelay $0x3  }
0x96: {  	_ =	strace s5  }
0x97: {  	s5 =	sld [smem:$0x3FFD];
	_ =	sdelay $0x3  }
0x98: {  	_ =	strace s5  }
0x99: {  	_ =	strace $0x8FFFFFFF  }
0x9a: {  	s19 =	sld [smem:$0x3FDB];
	_ =	sdelay $0x1  }
0x9b: {  	s6 =	simm.s32 $_scs_section_size  }
0x9c: {  	s7 =	simm.s32 $_size__tile_overlayer_lowered;
	s8 =	simm.s32 $_tile_overlayer_lowered  }
0x9d: {  	s22 =	simm.s32 $0x1BFF;
	s21 =	sshll.u32 s8, $0x1;
	s5 =	sadd.s32 s6, s19  }
0x9e: {  	s9 =	simm.s32 $0x0;
	s20 =	sshll.u32 s7, $0x1;
	s7 =	sadd.s32 s21, s5  }
0x9f: {  	[timem:s9], [sflag:s22] =	dma.local [hbm:s7], s20  }
0xa0: {  	_ =	swait.ge [sflag:s22], s20  }
0xa1: {  	s6 =	ssub.s32 $0x0, s20;
	[sflag:s22] =	ssyncset.done $0x0  }
0xa2: {  	[sflag:s22] =	ssyncadd.s32 s6;
	_ =	sdelay $0x1  }
0xa3: {  	s23 =	simm.s32 $0x1B8B  }
0xa4: {  	_ =	swait.ge [sflag:s23], $0x1  }
0xa5: {  	[sflag:s23] =	ssyncset.done $0x0  }
0xa6: {  	s25 =	simm.s32 $0x1B8E;
	s24 =	sld [smem:$0x3FFE];
	[sflag:s23] =	ssyncadd.s32 $0xFFFFFFFF  }
0xa7: {  	s26 =	simm.s32 $execute0_lowered;
	[smem:$0x3FD2] =	sst s25  }
0xa8: {  	s7 =	sshll.u32 s26, $0x1;
	_ =	strace $0x80000046;
	[dreg:$0x1] =	wrdreg $0xFFFFFFFF  }
0xa9: {  	s28 =	simm.s32 $_size_execute0_lowered;
	s5 =	sadd.s32 s5, s7;
	[dreg:$0x0] =	wrdreg $0x0  }
0xaa: {  	s7 =	sshll.u32 s28, $0x1;
	[dreg:$0x2] =	wrdreg s5  }
0xab: {  	[dreg:$0x3] =	wrdreg s7  }
0xac: {  	[dreg:$0x4] =	wrdreg $0xC0  }
0xad: {  	_ =	task [dreg:s9], $0x5FFFF  }
0xae: {  	[dreg:$0x1] =	wrdreg $0xFFFFFFFF  }
0xaf: {  	[dreg:$0x0] =	wrdreg $0x60  }
0xb0: {  	[dreg:$0x2] =	wrdreg s18  }
0xb1: {  	[dreg:$0x3] =	wrdreg s4  }
0xb2: {  	[dreg:$0x4] =	wrdreg s2  }
0xb3: {  	[dreg:$0x5] =	wrdreg s24  }
0xb4: {  	[dreg:$0x6] =	wrdreg $0x9  }
0xb5: {  	_ =	task.clear_ibuf [dreg:s9], $0x7FFFF;
	_ =	strace $0x90000046  }
0xb6: {  	s29 =	simm.s32 $0x9;
	_ =	strace $0x80000048  }
0xb7: {  	_ =	swait.ge [sflag:s29], $0x1  }
0xb8: {  	[sflag:s29] =	ssyncadd.s32 $0xFFFFFFFF  }
0xb9: {  	_ =	strace $0x90000048  }
0xba: {  	_ =	sfence  }
0xbb: {  	s30 =	sld [smem:$0x0];
	_ =	sdelay $0x2  }
0xbc: {  	s31 =	sshll.u32 s1, $0xD;
	s1 =	sshrl.u32 s1, $0x2  }
0xbd: {  	s3 =	sand.u32 $0x4000, s31;
	s1 =	sadd.s32 s1, s30  }
0xbe: {  	s0 =	sor.u32 s3, s0;
	s1 =	sshll.u32 s1, $0x11  }
0xbf: {  	s0 =	sor.u32 s1, s0  }
0xc0: {  	s0 =	sadd.s32 $0x8F2B, s0  }
0xc1: {  	[sflag:s0] =	ssyncadd.remote.s32 $0x1  }
0xc2: {  	_ =	sfence.sel $0xFFFF  }
0xc3: {  	[dreg:$0x0] =	wrdreg $0xFFFFFFFF;
	(pc) =	sbr.abs _section_cstart, $3  }
0xc4: {  	[dreg:$0x1] =	wrdreg $0xFFFFFFFF  }
0xc5: {  	_ =	task.clear_ibuf [dreg:s9], $0x2FFFF;
	_ =	strace $0x9FFFFFFF  }
0xc6: {  	(tm) =	ssettm $0x7FFFFFFF  }
0xc7: {  	_ =	shalt  }
tec
execute0_lowered:
.L_overlay_start_1:
0x0: {  	(tag) =	ssettag $0x1  }
0x1: {  	s1 =	rddreg [dreg:$0x0]  }
0x2: {  	s5 =	rddreg [dreg:$0x1]  }
0x3: {  	s14 =	rddreg [dreg:$0x2]  }
0x4: {  	s0 =	rddreg [dreg:$0x3];
	s2 =	srdreg.scid;
	s9 =	simm.s32 $0x0  }
0x5: {  	s3 =	stileid.u32;
	s2 =	sand.u32 $0x1, s2;
	[smem:$0x7FF] =	sst s9  }
0x6: {  	s7 =	sadd.s32 $0x400, s0;
	s10 =	sadd.s32 $0x7A180, s1;
	s12 =	sadd.s32 $0xF4300, s1  }
0x7: {  	s3 =	sshll.u32 s3, $0x1;
	s13 =	sadd.s32 $0x16E480, s1;
	s16 =	sadd.s32 $0x1E8600, s1  }
0x8: {  	s18 =	sadd.s32 $0x262780, s1;
	s19 =	sadd.s32 $0x2DC900, s1;
	s21 =	sadd.s32 $0x80, s5  }
0x9: {  	s23 =	sadd.s32 $0x100, s5;
	_ =	strace $0x80000047;
	[dreg:$0xe] =	wrdreg s21  }
0xa: {  	s24 =	sadd.s32 $0x180, s5;
	s25 =	sadd.s32 $0x200, s5;
	[dreg:$0x10] =	wrdreg s23  }
0xb: {  	s26 =	sadd.s32 $0x280, s5;
	s28 =	sadd.s32 $0x300, s5;
	[dreg:$0x11] =	wrdreg s24  }
0xc: {  	s4 =	ssub.s32 $0x2, s2;
	s2 =	sor.u32 s2, s3;
	[dreg:$0x12] =	wrdreg s25  }
0xd: {  	[dreg:$0x13] =	wrdreg s26;
	s29 =	sshrl.u32 s4, $0x1;
	s6 =	smul.u32 $0x3D80, s2  }
0xe: {  	[dreg:$0x14] =	wrdreg s28;
	s30 =	ssub.s32 s4, s29;
	s29 =	sadd.s32 $0x380, s5  }
0xf: {  	s22 =	sadd.s32 $0x356A80, s1;
	s2 =	sadd.s32 s1, s6;
	[dreg:$0x15] =	wrdreg s29  }
0x10: {  	s25 =	simm.s32 $0x400;
	s31 =	sadd.s32 s6, s10;
	[dreg:$0x6] =	wrdreg s2  }
0x11: {  	s26 =	simm.s32 $0x5180;
	s3 =	sadd.s32 s6, s12;
	[dreg:$0x7] =	wrdreg s31  }
0x12: {  	s21 =	simm.s32 $0x4480;
	s4 =	sadd.s32 s6, s13;
	[dreg:$0x8] =	wrdreg s3  }
0x13: {  	s23 =	simm.s32 $0x4700;
	s11 =	sadd.s32 s6, s16;
	[dreg:$0x9] =	wrdreg s4  }
0x14: {  	s24 =	simm.s32 $0x8980;
	s15 =	sadd.s32 s6, s18;
	[dreg:$0xa] =	wrdreg s11  }
.Ltmp0:
0x15: {  	s17 =	sadd.s32 s6, s19;
	[dreg:$0xb] =	wrdreg s15;
	(pc) =	sbr.rel .LBB2_1-.Ltmp0, $4  }
0x16: {  	s5 =	simm.s32 $0x1;
	s20 =	sadd.s32 s6, s22;
	[dreg:$0xc] =	wrdreg s17  }
0x17: {  	s0 =	smax.u32 s30, $0x1;
	v11 =	vmov s6;
	[dreg:$0xd] =	wrdreg s20;
	s31 =	ssub.s32 $0x7A180, s6  }
0x18: {  	s8 =	ssub.s32 $0x7A080, s6;
	s30 =	ssub.s32 $0x7A100, s6;
	[dreg:$0xf] =	wrdreg s0;
	[tilespmem:$0x1FFF0] =	vst v11;
	v10 =	vmov s31  }
0x19: {  	v3 =	vlaneseq.u32;
	v4 =	vimm.s32 $0x0;
	s15 =	simm.s32 $0x2;
	s3 =	simm.s32 $0x4980;
	s20 =	simm.s32 $0x4D80;
	v0 =	vmov s30;
	[tilespmem:$0x1FFE0] =	vst v10  }
.LBB2_26:
0x1a: {  	s9 =	rddreg [dreg:$0x5]  }
0x1b: {  	s0 =	rddreg [dreg:$0xf];
	s9 =	sadd.s32 $0x1, s9  }
0x1c: {  	p0 =	sne.s32 s9, s0  }
.Ltmp1:
0x1d: {  	_ = 	snop;
	(pc) =	sbr.rel @!p0 .LBB2_27-.Ltmp1, $2  }
0x1e: {  	_ =	sdelay $0x2  }
0x1f: {  	s14 =	rddreg [dreg:$0x2];
	s15 =	simm.s32 $0x2  }
.LBB2_1:
0x20: {  	[dreg:$0x5] =	wrdreg s9  }
0x21: {  	s0 =	simm.s32 $0x0;
	s29 =	simm.s32 $0x0;
	s2 =	simm.s32 $0x0  }
.LBB2_2:
0x22: {  	s4 =	sshll.u32 s2, $0x7  }
0x23: {  	s9 =	simm.s32 $0x0;
	s4 =	sadd.s32 s14, s4  }
0x24: {  	[tilespmem:s9], [sflag:$0x2] =	stream.linear.gather [hbm4b:s4+s9], $0x400, $0x38;
	[tilespmem:$0x1EA00] =	vst v63  }
0x25: {  	_ =	swait.ge [sflag:s15], $0x400  }
0x26: {  	[sflag:s15] =	ssyncset.done $0x0  }
0x27: {  	s30 =	simm.s32 $0x0;
	[sflag:s15] =	ssyncadd.s32 $0xFFFFFC00  }
0x28: {  	v1 =	vld [tilespmem:s30+$0x0];
	_ =	sdelay $0x4  }
0x29: {  	v1 =	vsub.s32 v1, v11  }
0x2a: {  	vm0 =	vlt.u32 v1, $0x3D80  }
0x2b: {  	v2 =	vsel vm0, $0x1, v4  }
0x2c: {  	(xrf0) =	vadd.scan.msk.s32 $0xffff, v2;
	_ =	sdelay $0x2  }
0x2d: {  	v2 =	vmov s29  }
0x2e: {  	v2 =	vadd.s32 $0xFFFFFFFF, v2  }
0x2f: {  	v2 =	vbroadcast v2, $0x0  }
0x30: {  	v5, _, _ =	vpop (xrf0)  }
0x31: {  	v2 =	vadd.s32 v5, v2;
	(v2sf) =	vpush v5, $0xF  }
0x32: {  	v2 =	vnsel vm0, $0x400F, v2  }
0x33: {  	v1 =	vshll.u32 v1, $0xE  }
0x34: {  	v1 =	vadd.s32 s0, v1  }
0x35: {  	v1 =	vadd.s32 v3, v1  }
0x36: {  	v1 =	vnsel vm0, $0x0, v1  }
0x37: {  	s31 =	simm.s32 $0x10;
	[tilespmem:v2+s25+$0x0] =	vst.idx.msk $0xffff, v1  }
0x38: {  	v1 =	vld [tilespmem:s31+$0x0];
	_ =	sdelay $0x4  }
0x39: {  	v1 =	vsub.s32 v1, v11  }
0x3a: {  	s4 =	sadd.s32 $0x10, s0;
	vm0 =	vlt.u32 v1, $0x3D80;
	v1 =	vshll.u32 v1, $0xE  }
0x3b: {  	v2 =	vsel vm0, $0x1, v4;
	v1 =	vadd.s32 s4, v1  }
0x3c: {  	s9 =	simm.s32 $0x80;
	v1 =	vadd.s32 v3, v1;
	(xrf0) =	vadd.scan.msk.s32 $0xffff, v2;
	s11 =	spop (v2sf)  }
.LBB2_3:
0x3d: {  	p0 =	sne.s32 s9, $0xFC0  }
0x3e: {  	s29 =	sadd.s32 s29, s11;
	s11 =	smov.u32 s9;
	s9 =	sadd.s32 $0x40, s9  }
0x3f: {  	v2 =	vmov s29  }
0x40: {  	v2 =	vadd.s32 $0xFFFFFFFF, v2;
	_ =	sdelay $0x1  }
0x41: {  	v2 =	vbroadcast v2, $0x0  }
0x42: {  	v5, _, _ =	vpop (xrf0)  }
0x43: {  	v2 =	vadd.s32 v5, v2;
	(v2sf) =	vpush v5, $0xF  }
0x44: {  	v2 =	vnsel vm0, $0x400F, v2;
	_ =	sdelay $0x3  }
0x45: {  	v1 =	vnsel vm0, $0x0, v1  }
0x46: {  	s11 =	sshra.s32 s11, $0x2;
	[tilespmem:v2+s25+$0x0] =	vst.idx.msk $0xffff, v1  }
0x47: {  	v1 =	vld [tilespmem:s11+$0x0];
	_ =	sdelay $0x3  }
.Ltmp2:
0x48: {  	(pc) =	sbr.rel @p0 .LBB2_3-.Ltmp2, $4  }
0x49: {  	v1 =	vsub.s32 v1, v11  }
0x4a: {  	s4 =	sadd.s32 $0x10, s4;
	vm0 =	vlt.u32 v1, $0x3D80;
	v1 =	vshll.u32 v1, $0xE  }
0x4b: {  	v2 =	vsel vm0, $0x1, v4;
	v1 =	vadd.s32 s4, v1  }
0x4c: {  	v1 =	vadd.s32 v3, v1;
	(xrf0) =	vadd.scan.msk.s32 $0xffff, v2;
	s11 =	spop (v2sf)  }
0x4d: {  	_ =	sdelay $0x4  }
0x4e: {  	v2, _, _ =	vpop (xrf0)  }
0x4f: {  	(v2sf) =	vpush v2, $0xF;
	_ =	sdelay $0x4  }
0x50: {  	s4 =	sadd.s32 s29, s11  }
0x51: {  	v5 =	vmov s4  }
0x52: {  	v5 =	vadd.s32 $0xFFFFFFFF, v5  }
0x53: {  	v5 =	vbroadcast v5, $0x0;
	_ =	sdelay $0x1  }
0x54: {  	s2 =	sadd.s32 $0x1, s2;
	v2 =	vadd.s32 v2, v5  }
0x55: {  	p0 =	sne.s32 s2, $0x10;
	v2 =	vnsel vm0, $0x400F, v2  }
.Ltmp3:
0x56: {  	_ = 	snop;
	(pc) =	sbr.rel @p0 .LBB2_2-.Ltmp3, $3  }
0x57: {  	_ =	sdelay $0x1  }
0x58: {  	v1 =	vnsel vm0, $0x0, v1;
	s9 =	spop (v2sf)  }
0x59: {  	s0 =	sadd.s32 $0x400, s0;
	[tilespmem:v2+s25+$0x0] =	vst.idx.msk $0xffff, v1;
	s29 =	sadd.s32 s4, s9  }
.Ltmp4:
0x5a: {  	(pc) =	sbr.rel .LBB2_6-.Ltmp4, $4  }
0x5b: {  	_ = 	snop  }
0x5c: {  	s0 =	simm.s32 $0x0  }
0x5d: {  	s30 =	simm.s32 $0x400;
	s31 =	simm.s32 $0x440;
	[dreg:$0x16] =	wrdreg s0  }
0x5e: {  	p0 =	por $0x0, $0x0;
	s4 =	simm.s32 $0x0;
	[dreg:$0x17] =	wrdreg s31  }
.LBB2_25:
0x5f: {  	s4 =	sadd.s32 $0x1, s4  }
0x60: {  	p1 =	sne.s32 s4, $0x1D  }
.Ltmp5:
0x61: {  	_ = 	snop;
	(pc) =	sbr.rel @!p1 .LBB2_26-.Ltmp5, $4  }
0x62: {  	s0 =	rddreg [dreg:$0x16]  }
0x63: {  	s31 =	rddreg [dreg:$0x17];
	s0 =	sadd.s32 $0x240, s0  }
0x64: {  	[dreg:$0x16] =	wrdreg s0;
	s0 =	sadd.s32 $0x240, s31  }
0x65: {  	s30 =	sadd.s32 $0x240, s30;
	p0 =	por !p0, !p0;
	[dreg:$0x17] =	wrdreg s0  }
.LBB2_6:
0x66: {  	s2 =	smul.u32 $0x240, s4;
	_ =	sdelay $0x1  }
0x67: {  	s2 =	ssub.s32 s29, s2  }
0x68: {  	p1 =	slt.s32 s2, $0x1  }
.Ltmp6:
0x69: {  	_ = 	snop;
	(pc) =	sbr.rel @p1 .LBB2_25-.Ltmp6, $1  }
0x6a: {  	_ =	sdelay $0x3  }
0x6b: {  	s0 =	rddreg [dreg:$0x6]  }
0x6c: {  	s11 =	rddreg [dreg:$0x7]  }
0x6d: {  	s14 =	simm.s32 $0x0;
	s15 =	rddreg [dreg:$0x8]  }
0x6e: {  	[tilespmem:s3], [sflag:$0x1] =	stream.linear.gather [hbm4b:s0+s14], $0x400, $0x38;
	[tilespmem:$0x1EA00] =	vst v63  }
0x6f: {  	s17 =	rddreg [dreg:$0x9]  }
0x70: {  	[tilespmem:s20], [sflag:$0x1] =	stream.linear.gather [hbm4b:s11+s14], $0x400, $0x38;
	[tilespmem:$0x1EA00] =	vst v63  }
0x71: {  	s31 =	rddreg [dreg:$0xb];
	p1 =	sgt.s32 s2, $0x0  }
0x72: {  	[tilespmem:s26], [sflag:$0x1] =	stream.linear.gather [hbm4b:s15+s14], $0x400, $0x38;
	[tilespmem:$0x1EA00] =	vst v63  }
0x73: {  	s9 =	simm.s32 $0x5580;
	s2 =	simm.s32 @!p1 $0x0;
	s20 =	rddreg [dreg:$0xa]  }
0x74: {  	[tilespmem:s9], [sflag:$0x1] =	stream.linear.gather [hbm4b:s17+s14], $0x400, $0x38;
	[tilespmem:$0x1EA00] =	vst v63  }
0x75: {  	s11 =	simm.s32 $0x5980;
	s26 =	rddreg [dreg:$0x16];
	s9 =	simm.s32 $0x1  }
0x76: {  	s15 =	simm.s32 $0x5D80;
	s28 =	sshll.u32 s26, $0x2;
	s9 =	simm.s32 @!p0 $0x0  }
0x77: {  	[tilespmem:s11], [sflag:$0x1] =	stream.linear.gather [hbm4b:s20+s14], $0x400, $0x38;
	[tilespmem:$0x1EA00] =	vst v63  }
0x78: {  	s26 =	rddreg [dreg:$0xd];
	s11 =	sand.u32 $0xFFFFFE00, s28;
	s9 =	sshll.u32 s9, $0x8  }
0x79: {  	[tilespmem:s15], [sflag:$0x1] =	stream.linear.gather [hbm4b:s31+s14], $0x400, $0x38;
	[tilespmem:$0x1EA00] =	vst v63  }
.Ltmp7:
0x7a: {  	s17 =	rddreg [dreg:$0xc];
	s9 =	sor.u32 s9, s11;
	(pc) =	sbr.rel .LBB2_9-.Ltmp7, $4  }
0x7b: {  	s20 =	simm.s32 $0x6180;
	s28 =	simm.s32 $0x6580;
	s31 =	sshrl.u32 s9, $0x2  }
0x7c: {  	[tilespmem:s20], [sflag:$0x1] =	stream.linear.gather [hbm4b:s17+s14], $0x400, $0x38;
	[tilespmem:$0x1EA00] =	vst v63  }
0x7d: {  	s9 =	smin.u32 s2, $0x240;
	s15 =	simm.s32 $0x0;
	s11 =	sadd.s32 $0x400, s31  }
0x7e: {  	v5 =	vmov s9;
	[tilespmem:s28], [sflag:$0x1] =	stream.linear.gather [hbm4b:s26+s14], $0x400, $0x38;
	[tilespmem:$0x1EA00] =	vst v63  }
.LBB2_8:
0x7f: {  	p1 =	seq.s32 s15, $0x7B  }
.Ltmp8:
0x80: {  	_ = 	snop;
	(pc) =	sbr.rel @p1 .LBB2_15-.Ltmp8, $1  }
0x81: {  	_ =	sdelay $0x3  }
.LBB2_9:
0x82: {  	_ =	swait.ge [sflag:s5], $0x400  }
0x83: {  	[sflag:s5] =	ssyncset.done $0x0  }
0x84: {  	[sflag:s5] =	ssyncadd.s32 $0xFFFFFC00  }
0x85: {  	_ =	swait.ge [sflag:s5], $0x400  }
0x86: {  	[sflag:s5] =	ssyncset.done $0x0  }
0x87: {  	[sflag:s5] =	ssyncadd.s32 $0xFFFFFC00  }
0x88: {  	_ =	swait.ge [sflag:s5], $0x400  }
0x89: {  	[sflag:s5] =	ssyncset.done $0x0  }
0x8a: {  	[sflag:s5] =	ssyncadd.s32 $0xFFFFFC00  }
0x8b: {  	_ =	swait.ge [sflag:s5], $0x400  }
0x8c: {  	[sflag:s5] =	ssyncset.done $0x0  }
0x8d: {  	[sflag:s5] =	ssyncadd.s32 $0xFFFFFC00  }
0x8e: {  	_ =	swait.ge [sflag:s5], $0x400  }
0x8f: {  	[sflag:s5] =	ssyncset.done $0x0  }
0x90: {  	[sflag:s5] =	ssyncadd.s32 $0xFFFFFC00  }
0x91: {  	_ =	swait.ge [sflag:s5], $0x400  }
0x92: {  	[sflag:s5] =	ssyncset.done $0x0  }
0x93: {  	[sflag:s5] =	ssyncadd.s32 $0xFFFFFC00  }
0x94: {  	s17 =	smov.u32 s15;
	s15 =	sadd.s32 $0x1, s15;
	_ =	swait.ge [sflag:s5], $0x400  }
0x95: {  	p1 =	seq.s32 s17, $0x7A;
	s2 =	sand.u32 $0x1, s17;
	[sflag:s5] =	ssyncset.done $0x0  }
0x96: {  	s20 =	sshll.u32 @!p1 s15, $0x7;
	s26 =	sshll.u32 @!p1 s2, $0xD;
	[sflag:s5] =	ssyncadd.s32 $0xFFFFFC00  }
0x97: {  	s0 =	simm.s32 @!p1 $0x0;
	s20 =	smin.u32 @!p1 s20, s8;
	_ =	swait.ge [sflag:s5], $0x400  }
0x98: {  	s28 =	sxor.u32 @!p1 $0x2000, s26;
	s20 =	sadd.s32 @!p1 s6, s20;
	[sflag:s5] =	ssyncset.done $0x0  }
0x99: {  	s28 =	sor.u32 @!p1 $0x4980, s28;
	s31 =	sadd.s32 @!p1 s1, s20;
	[sflag:s5] =	ssyncadd.s32 $0xFFFFFC00  }
0x9a: {  	[tilespmem:s28], [sflag:$0x1] =	stream.linear.gather @!p1 [hbm4b:s31+s0], $0x400, $0x38;
	[tilespmem:$0x1EA00] =	vst v63  }
0x9b: {  	s28 =	sxor.u32 @!p1 $0x6D80, s26;
	s31 =	sadd.s32 @!p1 s20, s10  }
0x9c: {  	[tilespmem:s28], [sflag:$0x1] =	stream.linear.gather @!p1 [hbm4b:s31+s0], $0x400, $0x38;
	[tilespmem:$0x1EA00] =	vst v63  }
0x9d: {  	s28 =	sxor.u32 @!p1 $0x7180, s26;
	s31 =	sadd.s32 @!p1 s20, s12  }
0x9e: {  	[tilespmem:s28], [sflag:$0x1] =	stream.linear.gather @!p1 [hbm4b:s31+s0], $0x400, $0x38;
	[tilespmem:$0x1EA00] =	vst v63  }
0x9f: {  	s28 =	sxor.u32 @!p1 $0x7580, s26;
	s31 =	sadd.s32 @!p1 s20, s13  }
0xa0: {  	[tilespmem:s28], [sflag:$0x1] =	stream.linear.gather @!p1 [hbm4b:s31+s0], $0x400, $0x38;
	[tilespmem:$0x1EA00] =	vst v63  }
0xa1: {  	s28 =	sxor.u32 @!p1 $0x7980, s26;
	s31 =	sadd.s32 @!p1 s20, s16  }
0xa2: {  	[tilespmem:s28], [sflag:$0x1] =	stream.linear.gather @!p1 [hbm4b:s31+s0], $0x400, $0x38;
	[tilespmem:$0x1EA00] =	vst v63  }
0xa3: {  	s28 =	sxor.u32 @!p1 $0x7D80, s26;
	s31 =	sadd.s32 @!p1 s20, s18  }
0xa4: {  	[tilespmem:s28], [sflag:$0x1] =	stream.linear.gather @!p1 [hbm4b:s31+s0], $0x400, $0x38;
	[tilespmem:$0x1EA00] =	vst v63  }
0xa5: {  	s28 =	ssub.s32 @!p1 $0x8180, s26;
	s31 =	sadd.s32 @!p1 s20, s19  }
0xa6: {  	[tilespmem:s28], [sflag:$0x1] =	stream.linear.gather @!p1 [hbm4b:s31+s0], $0x400, $0x38;
	[tilespmem:$0x1EA00] =	vst v63  }
0xa7: {  	s26 =	ssub.s32 @!p1 $0x8580, s26;
	s20 =	sadd.s32 @!p1 s20, s22  }
0xa8: {  	[tilespmem:s26], [sflag:$0x1] =	stream.linear.gather @!p1 [hbm4b:s20+s0], $0x400, $0x38;
	[tilespmem:$0x1EA00] =	vst v63  }
0xa9: {  	v2 =	vld [tilespmem:s30+$0x0];
	_ =	sdelay $0x2  }
0xaa: {  	s31 =	sshll.u32 s17, $0x7  }
0xab: {  	s0 =	smin.u32 s31, s8  }
0xac: {  	v7 =	vor.u32 s14, v3;
	v1 =	vmov s0;
	s0 =	sadd.s32 $0x80, s0;
	v6 =	vshra.s32 v2, $0xE  }
0xad: {  	vm0 =	vlt.u32 v7, v5;
	v2 =	vmov s0;
	vm1 =	vge.s32 v6, v1  }
0xae: {  	vm15 =	vlt.s32 v6, v2;
	vm0 =	vmand vm0, vm1  }
0xaf: {  	vm0 =	vmand vm15, vm0  }
0xb0: {  	v8 =	vsel vm0, $0x1, v4  }
0xb1: {  	(xrf0) =	vadd.scan.msk.s32 $0xffff, v8;
	_ =	sdelay $0x2  }
0xb2: {  	v8 =	vmov s14  }
0xb3: {  	v8 =	vadd.s32 $0xFFFFFFFF, v8  }
0xb4: {  	v8 =	vbroadcast v8, $0x0  }
0xb5: {  	v9, _, _ =	vpop (xrf0)  }
0xb6: {  	v8 =	vadd.s32 v9, v8;
	(v2sf) =	vpush v9, $0xF  }
0xb7: {  	v8 =	vnsel vm0, $0x24F, v8;
	_ =	sdelay $0x3  }
0xb8: {  	v6 =	vsub.s32 v6, v1  }
0xb9: {  	[tilespmem:v8+s21+$0x0] =	vst.idx.msk $0xffff, v6  }
0xba: {  	s26 =	sadd.s32 $0x10, s30;
	[tilespmem:v8+s23+$0x0] =	vst.idx.msk $0xffff, v7  }
0xbb: {  	s28 =	simm.s32 $0x20;
	s17 =	simm.s32 $0x0;
	s20 =	simm.s32 $0x10;
	v6 =	vld [tilespmem:s26+$0x0]  }
.LBB2_10:
0xbc: {  	p1 =	sne.s32 s28, $0x230;
	_ =	sdelay $0x3  }
0xbd: {  	v7 =	vor.u32 s20, v3;
	s20 =	smov.u32 s28;
	v6 =	vshra.s32 v6, $0xE  }
0xbe: {  	vm0 =	vlt.u32 v7, v5;
	vm1 =	vge.s32 v6, v1;
	v8 =	vsub.s32 v6, v1  }
0xbf: {  	vm0 =	vmand vm0, vm1;
	vm1 =	vlt.s32 v6, v2;
	s0 =	spop (v2sf)  }
0xc0: {  	vm0 =	vmand vm1, vm0;
	s17 =	sadd.s32 s17, s0  }
0xc1: {  	v6 =	vsel vm0, $0x1, v4;
	v9 =	vmov s17  }
0xc2: {  	v9 =	vadd.s32 $0xFFFFFFFF, v9;
	(xrf0) =	vadd.scan.msk.s32 $0xffff, v6  }
0xc3: {  	v6 =	vbroadcast v9, $0x0;
	_ =	sdelay $0x4  }
0xc4: {  	v9, _, _ =	vpop (xrf0)  }
0xc5: {  	v6 =	vadd.s32 v9, v6;
	(v2sf) =	vpush v9, $0xF  }
0xc6: {  	v6 =	vnsel vm0, $0x24F, v6;
	_ =	sdelay $0x2  }
.Ltmp9:
0xc7: {  	(pc) =	sbr.rel @p1 .LBB2_10-.Ltmp9, $4  }
0xc8: {  	_ = 	snop  }
0xc9: {  	[tilespmem:v6+s21+$0x0] =	vst.idx.msk $0xffff, v8  }
0xca: {  	s26 =	sadd.s32 $0x10, s26;
	[tilespmem:v6+s23+$0x0] =	vst.idx.msk $0xffff, v7  }
0xcb: {  	s28 =	sadd.s32 $0x10, s28;
	v6 =	vld [tilespmem:s26+$0x0]  }
0xcc: {  	_ =	sdelay $0x3  }
0xcd: {  	v10 =	vor.u32 s20, v3;
	v6 =	vshra.s32 v6, $0xE  }
0xce: {  	vm0 =	vlt.u32 v10, v5;
	vm1 =	vge.s32 v6, v1  }
0xcf: {  	vm15 =	vlt.s32 v6, v2;
	vm0 =	vmand vm0, vm1  }
0xd0: {  	vm0 =	vmand vm15, vm0  }
0xd1: {  	v2 =	vsel vm0, $0x1, v4  }
0xd2: {  	(xrf0) =	vadd.scan.msk.s32 $0xffff, v2;
	_ =	sdelay $0x5  }
0xd3: {  	v2, _, _ =	vpop (xrf0)  }
0xd4: {  	s0 =	spop (v2sf);
	(v2sf) =	vpush v2, $0xF  }
0xd5: {  	s0 =	sadd.s32 s17, s0  }
0xd6: {  	v7 =	vmov s0  }
0xd7: {  	v7 =	vadd.s32 $0xFFFFFFFF, v7  }
0xd8: {  	v7 =	vbroadcast v7, $0x0  }
0xd9: {  	s31 =	sshll.u32 s2, $0xD  }
0xda: {  	v6 =	vsub.s32 v6, v1;
	v1 =	vadd.s32 v2, v7;
	v7 =	vmov s31  }
0xdb: {  	v2 =	vnsel vm0, $0x24F, v1;
	v18 =	vor.u32 $0x580, v7  }
0xdc: {  	v19 =	vor.u32 $0x600, v7;
	v20 =	vor.u32 $0x680, v7;
	v21 =	vor.u32 $0x700, v7  }
0xdd: {  	v22 =	vor.u32 $0x780, v7;
	v23 =	vor.u32 $0x800, v7;
	v24 =	vor.u32 $0x880, v7  }
0xde: {  	v25 =	vor.u32 $0x900, v7;
	v26 =	vor.u32 $0x980, v7;
	v27 =	vor.u32 $0xA00, v7  }
0xdf: {  	v28 =	vor.u32 $0xA80, v7;
	v29 =	vor.u32 $0xB00, v7;
	v30 =	vor.u32 $0xB80, v7  }
0xe0: {  	v31 =	vor.u32 $0xC00, v7;
	v32 =	vor.u32 $0xC80, v7;
	v33 =	vor.u32 $0xD00, v7  }
0xe1: {  	v34 =	vor.u32 $0xD80, v7;
	v35 =	vor.u32 $0xE00, v7;
	v36 =	vor.u32 $0xE80, v7  }
0xe2: {  	v37 =	vor.u32 $0xF00, v7;
	v38 =	vor.u32 $0xF80, v7;
	v39 =	vor.u32 $0x1000, v7  }
0xe3: {  	v40 =	vor.u32 $0x1080, v7;
	v41 =	vor.u32 $0x1100, v7;
	v42 =	vor.u32 $0x1180, v7;
	s28 =	spop (v2sf)  }
0xe4: {  	v43 =	vor.u32 $0x1200, v7;
	v44 =	vor.u32 $0x1280, v7;
	v45 =	vor.u32 $0x1300, v7;
	[tilespmem:v2+s21+$0x0] =	vst.idx.msk $0xffff, v6;
	s17 =	sadd.s32 s0, s28  }
0xe5: {  	v46 =	vor.u32 $0x1380, v7;
	v47 =	vor.u32 $0x1400, v7;
	[tilespmem:v2+s23+$0x0] =	vst.idx.msk $0xffff, v10;
	v1 =	vmov s17  }
0xe6: {  	v48 =	vor.u32 $0x1480, v7;
	v49 =	vor.u32 $0x1500, v7;
	[tilespmem:$0x1FF30] =	vst v1;
	v1 =	vor.u32 $0x80, v7  }
0xe7: {  	v50 =	vor.u32 $0x1580, v7;
	v51 =	vor.u32 $0x1600, v7;
	[tilespmem:$0x1FF40] =	vst v1;
	v1 =	vor.u32 $0x100, v7  }
0xe8: {  	v52 =	vor.u32 $0x1680, v7;
	v53 =	vor.u32 $0x1700, v7;
	[tilespmem:$0x1FF50] =	vst v1;
	v1 =	vor.u32 $0x180, v7  }
0xe9: {  	v54 =	vor.u32 $0x1780, v7;
	v55 =	vor.u32 $0x1800, v7;
	[tilespmem:$0x1FF60] =	vst v1;
	v1 =	vor.u32 $0x200, v7  }
0xea: {  	v56 =	vor.u32 $0x1880, v7;
	v57 =	vor.u32 $0x1900, v7;
	[tilespmem:$0x1FF70] =	vst v1;
	v1 =	vor.u32 $0x280, v7  }
0xeb: {  	v58 =	vor.u32 $0x1980, v7;
	v59 =	vor.u32 $0x1A00, v7;
	[tilespmem:$0x1FF80] =	vst v1;
	v1 =	vor.u32 $0x300, v7  }
.Ltmp10:
0xec: {  	v60 =	vor.u32 $0x1A80, v7;
	v61 =	vor.u32 $0x1B00, v7;
	[tilespmem:$0x1FF90] =	vst v1;
	v1 =	vor.u32 $0x380, v7;
	(pc) =	sbr.rel .LBB2_12-.Ltmp10, $4  }
0xed: {  	v62 =	vor.u32 $0x1B80, v7;
	v63 =	vor.u32 $0x1C00, v7;
	[tilespmem:$0x1FFA0] =	vst v1;
	v1 =	vor.u32 $0x400, v7  }
0xee: {  	v8 =	vor.u32 $0x1D80, v7;
	v9 =	vor.u32 $0x1E00, v7;
	[tilespmem:$0x1FFB0] =	vst v1;
	v1 =	vor.u32 $0x480, v7  }
0xef: {  	v11 =	vor.u32 $0x1F80, v7;
	v6 =	vor.u32 $0x1D00, v7;
	[tilespmem:$0x1FFC0] =	vst v1;
	v1 =	vor.u32 $0x500, v7  }
0xf0: {  	s20 =	simm.s32 $0x0;
	s2 =	simm.s32 $0x4480;
	s26 =	simm.s32 $0x4700;
	v2 =	vor.u32 $0x1E80, v7;
	v10 =	vor.u32 $0x1F00, v7;
	[tilespmem:$0x1FFD0] =	vst v1;
	v1 =	vor.u32 $0x1C80, v7  }
.LBB2_14:
0xf1: {  	s20 =	sadd.s32 $0x10, s20  }
0xf2: {  	p1 =	seq.s32 s20, $0x240  }
.Ltmp11:
0xf3: {  	_ = 	snop;
	(pc) =	sbr.rel @p1 .LBB2_8-.Ltmp11, $2  }
0xf4: {  	_ =	sdelay $0x2  }
0xf5: {  	s2 =	sadd.s32 $0x10, s2;
	s26 =	sadd.s32 $0x10, s26  }
.LBB2_12:
0xf6: {  	p1 =	sge.s32 s20, s17  }
.Ltmp12:
0xf7: {  	_ = 	snop;
	(pc) =	sbr.rel @p1 .LBB2_14-.Ltmp12, $1  }
0xf8: {  	_ =	sdelay $0x3  }
0xf9: {  	v14 =	vld [tilespmem:$0x1FF30]  }
0xfa: {  	v12 =	vld [tilespmem:s2+$0x0];
	_ =	sdelay $0x2  }
0xfb: {  	v13 =	vor.u32 s20, v3  }
0xfc: {  	vm0 =	vlt.s32 v13, v14  }
0xfd: {  	v13 =	vnsel vm0, $0x0, v12  }
0xfe: {  	v12 =	vand.u32 $0xFFFFFF80, v13  }
0xff: {  	v14 =	vld [tilespmem:s26+$0x0];
	v13 =	vand.u32 $0x7F, v13;
	v15 =	vadd.s32 v7, v12  }
0x100: {  	v16 =	vld [tilespmem:$0x1FF40];
	v15 =	vor.u32 v13, v15;
	_ =	sdelay $0x3  }
0x101: {  	v14 =	vshll.u32 v14, $0x7  }
0x102: {  	v16 =	vadd.s32 v12, v16;
	v14 =	vnsel vm0, $0x14000, v14;
	v15 =	vld.idx.msk [tilespmem:v15+s3+$0x0], $0xffff  }
0x103: {  	v17 =	vld [tilespmem:$0x1FF50];
	v16 =	vor.u32 v13, v16;
	_ =	sdelay $0x3  }
0x104: {  	[tilespmem:v14+s24+$0x0] =	vst.idx.msk $0xffff, v15  }
0x105: {  	v17 =	vadd.s32 v12, v17;
	v15 =	vld.idx.msk [tilespmem:v16+s3+$0x0], $0xffff;
	v16 =	vor.u32 $0x1, v14  }
0x106: {  	v17 =	vor.u32 v13, v17;
	_ =	sdelay $0x3  }
0x107: {  	[tilespmem:v16+s24+$0x0] =	vst.idx.msk $0xffff, v15  }
0x108: {  	v15 =	vld.idx.msk [tilespmem:v17+s3+$0x0], $0xffff  }
0x109: {  	v17 =	vld [tilespmem:$0x1FF60];
	_ =	sdelay $0x4  }
0x10a: {  	v16 =	vor.u32 $0x2, v14;
	v17 =	vadd.s32 v12, v17  }
0x10b: {  	v17 =	vor.u32 v13, v17;
	_ =	sdelay $0x3  }
0x10c: {  	[tilespmem:v16+s24+$0x0] =	vst.idx.msk $0xffff, v15  }
0x10d: {  	v15 =	vld.idx.msk [tilespmem:v17+s3+$0x0], $0xffff  }
0x10e: {  	v17 =	vld [tilespmem:$0x1FF70];
	_ =	sdelay $0x4  }
0x10f: {  	v16 =	vor.u32 $0x3, v14;
	v17 =	vadd.s32 v12, v17  }
0x110: {  	v17 =	vor.u32 v13, v17;
	_ =	sdelay $0x3  }
0x111: {  	[tilespmem:v16+s24+$0x0] =	vst.idx.msk $0xffff, v15  }
0x112: {  	v15 =	vld.idx.msk [tilespmem:v17+s3+$0x0], $0xffff  }
0x113: {  	v17 =	vld [tilespmem:$0x1FF80];
	_ =	sdelay $0x4  }
0x114: {  	v16 =	vor.u32 $0x4, v14;
	v17 =	vadd.s32 v12, v17  }
0x115: {  	v17 =	vor.u32 v13, v17;
	_ =	sdelay $0x3  }
0x116: {  	[tilespmem:v16+s24+$0x0] =	vst.idx.msk $0xffff, v15  }
0x117: {  	v15 =	vld.idx.msk [tilespmem:v17+s3+$0x0], $0xffff  }
0x118: {  	v17 =	vld [tilespmem:$0x1FF90];
	_ =	sdelay $0x4  }
0x119: {  	v16 =	vor.u32 $0x5, v14;
	v17 =	vadd.s32 v12, v17  }
0x11a: {  	v17 =	vor.u32 v13, v17;
	_ =	sdelay $0x3  }
0x11b: {  	[tilespmem:v16+s24+$0x0] =	vst.idx.msk $0xffff, v15  }
0x11c: {  	v15 =	vld.idx.msk [tilespmem:v17+s3+$0x0], $0xffff  }
0x11d: {  	v17 =	vld [tilespmem:$0x1FFA0];
	_ =	sdelay $0x4  }
0x11e: {  	v16 =	vor.u32 $0x6, v14;
	v17 =	vadd.s32 v12, v17  }
0x11f: {  	v17 =	vor.u32 v13, v17;
	_ =	sdelay $0x3  }
0x120: {  	[tilespmem:v16+s24+$0x0] =	vst.idx.msk $0xffff, v15  }
0x121: {  	v15 =	vld.idx.msk [tilespmem:v17+s3+$0x0], $0xffff  }
0x122: {  	v17 =	vld [tilespmem:$0x1FFB0];
	_ =	sdelay $0x4  }
0x123: {  	v16 =	vor.u32 $0x7, v14;
	v17 =	vadd.s32 v12, v17  }
0x124: {  	v17 =	vor.u32 v13, v17;
	_ =	sdelay $0x3  }
0x125: {  	[tilespmem:v16+s24+$0x0] =	vst.idx.msk $0xffff, v15  }
0x126: {  	v15 =	vld.idx.msk [tilespmem:v17+s3+$0x0], $0xffff  }
0x127: {  	v17 =	vld [tilespmem:$0x1FFC0];
	_ =	sdelay $0x4  }
0x128: {  	v16 =	vor.u32 $0x8, v14;
	v17 =	vadd.s32 v12, v17  }
0x129: {  	v17 =	vor.u32 v13, v17;
	_ =	sdelay $0x3  }
0x12a: {  	[tilespmem:v16+s24+$0x0] =	vst.idx.msk $0xffff, v15  }
0x12b: {  	v15 =	vld.idx.msk [tilespmem:v17+s3+$0x0], $0xffff  }
0x12c: {  	v17 =	vld [tilespmem:$0x1FFD0];
	_ =	sdelay $0x4  }
0x12d: {  	v16 =	vor.u32 $0x9, v14;
	v17 =	vadd.s32 v12, v17  }
0x12e: {  	v17 =	vor.u32 v13, v17;
	_ =	sdelay $0x3  }
0x12f: {  	[tilespmem:v16+s24+$0x0] =	vst.idx.msk $0xffff, v15  }
0x130: {  	v16 =	vor.u32 $0xA, v14;
	v15 =	vld.idx.msk [tilespmem:v17+s3+$0x0], $0xffff;
	v17 =	vadd.s32 v12, v18  }
0x131: {  	v17 =	vor.u32 v13, v17;
	_ =	sdelay $0x3  }
0x132: {  	[tilespmem:v16+s24+$0x0] =	vst.idx.msk $0xffff, v15  }
0x133: {  	v16 =	vor.u32 $0xB, v14;
	v15 =	vld.idx.msk [tilespmem:v17+s3+$0x0], $0xffff;
	v17 =	vadd.s32 v12, v19  }
0x134: {  	v17 =	vor.u32 v13, v17;
	_ =	sdelay $0x3  }
0x135: {  	[tilespmem:v16+s24+$0x0] =	vst.idx.msk $0xffff, v15  }
0x136: {  	v16 =	vor.u32 $0xC, v14;
	v15 =	vld.idx.msk [tilespmem:v17+s3+$0x0], $0xffff;
	v17 =	vadd.s32 v12, v20  }
0x137: {  	v17 =	vor.u32 v13, v17;
	_ =	sdelay $0x3  }
0x138: {  	[tilespmem:v16+s24+$0x0] =	vst.idx.msk $0xffff, v15  }
0x139: {  	v16 =	vor.u32 $0xD, v14;
	v15 =	vld.idx.msk [tilespmem:v17+s3+$0x0], $0xffff;
	v17 =	vadd.s32 v12, v21  }
0x13a: {  	v17 =	vor.u32 v13, v17;
	_ =	sdelay $0x3  }
0x13b: {  	[tilespmem:v16+s24+$0x0] =	vst.idx.msk $0xffff, v15  }
0x13c: {  	v16 =	vor.u32 $0xE, v14;
	v15 =	vld.idx.msk [tilespmem:v17+s3+$0x0], $0xffff;
	v17 =	vadd.s32 v12, v22  }
0x13d: {  	v17 =	vor.u32 v13, v17;
	_ =	sdelay $0x3  }
0x13e: {  	[tilespmem:v16+s24+$0x0] =	vst.idx.msk $0xffff, v15  }
0x13f: {  	v16 =	vor.u32 $0xF, v14;
	v15 =	vld.idx.msk [tilespmem:v17+s3+$0x0], $0xffff;
	v17 =	vadd.s32 v12, v23  }
0x140: {  	v17 =	vor.u32 v13, v17;
	_ =	sdelay $0x3  }
0x141: {  	[tilespmem:v16+s24+$0x0] =	vst.idx.msk $0xffff, v15  }
0x142: {  	v16 =	vor.u32 $0x10, v14;
	v15 =	vld.idx.msk [tilespmem:v17+s3+$0x0], $0xffff;
	v17 =	vadd.s32 v12, v24  }
0x143: {  	v17 =	vor.u32 v13, v17;
	_ =	sdelay $0x3  }
0x144: {  	[tilespmem:v16+s24+$0x0] =	vst.idx.msk $0xffff, v15  }
0x145: {  	v16 =	vor.u32 $0x11, v14;
	v15 =	vld.idx.msk [tilespmem:v17+s3+$0x0], $0xffff;
	v17 =	vadd.s32 v12, v25  }
0x146: {  	v17 =	vor.u32 v13, v17;
	_ =	sdelay $0x3  }
0x147: {  	[tilespmem:v16+s24+$0x0] =	vst.idx.msk $0xffff, v15  }
0x148: {  	v16 =	vor.u32 $0x12, v14;
	v15 =	vld.idx.msk [tilespmem:v17+s3+$0x0], $0xffff;
	v17 =	vadd.s32 v12, v26  }
0x149: {  	v17 =	vor.u32 v13, v17;
	_ =	sdelay $0x3  }
0x14a: {  	[tilespmem:v16+s24+$0x0] =	vst.idx.msk $0xffff, v15  }
0x14b: {  	v16 =	vor.u32 $0x13, v14;
	v15 =	vld.idx.msk [tilespmem:v17+s3+$0x0], $0xffff;
	v17 =	vadd.s32 v12, v27  }
0x14c: {  	v17 =	vor.u32 v13, v17;
	_ =	sdelay $0x3  }
0x14d: {  	[tilespmem:v16+s24+$0x0] =	vst.idx.msk $0xffff, v15  }
0x14e: {  	v16 =	vor.u32 $0x14, v14;
	v15 =	vld.idx.msk [tilespmem:v17+s3+$0x0], $0xffff;
	v17 =	vadd.s32 v12, v28  }
0x14f: {  	v17 =	vor.u32 v13, v17;
	_ =	sdelay $0x3  }
0x150: {  	[tilespmem:v16+s24+$0x0] =	vst.idx.msk $0xffff, v15  }
0x151: {  	v16 =	vor.u32 $0x15, v14;
	v15 =	vld.idx.msk [tilespmem:v17+s3+$0x0], $0xffff;
	v17 =	vadd.s32 v12, v29  }
0x152: {  	v17 =	vor.u32 v13, v17;
	_ =	sdelay $0x3  }
0x153: {  	[tilespmem:v16+s24+$0x0] =	vst.idx.msk $0xffff, v15  }
0x154: {  	v16 =	vor.u32 $0x16, v14;
	v15 =	vld.idx.msk [tilespmem:v17+s3+$0x0], $0xffff;
	v17 =	vadd.s32 v12, v30  }
0x155: {  	v17 =	vor.u32 v13, v17;
	_ =	sdelay $0x3  }
0x156: {  	[tilespmem:v16+s24+$0x0] =	vst.idx.msk $0xffff, v15  }
0x157: {  	v16 =	vor.u32 $0x17, v14;
	v15 =	vld.idx.msk [tilespmem:v17+s3+$0x0], $0xffff;
	v17 =	vadd.s32 v12, v31  }
0x158: {  	v17 =	vor.u32 v13, v17;
	_ =	sdelay $0x3  }
0x159: {  	[tilespmem:v16+s24+$0x0] =	vst.idx.msk $0xffff, v15  }
0x15a: {  	v16 =	vor.u32 $0x18, v14;
	v15 =	vld.idx.msk [tilespmem:v17+s3+$0x0], $0xffff;
	v17 =	vadd.s32 v12, v32  }
0x15b: {  	v17 =	vor.u32 v13, v17;
	_ =	sdelay $0x3  }
0x15c: {  	[tilespmem:v16+s24+$0x0] =	vst.idx.msk $0xffff, v15  }
0x15d: {  	v16 =	vor.u32 $0x19, v14;
	v15 =	vld.idx.msk [tilespmem:v17+s3+$0x0], $0xffff;
	v17 =	vadd.s32 v12, v33  }
0x15e: {  	v17 =	vor.u32 v13, v17;
	_ =	sdelay $0x3  }
0x15f: {  	[tilespmem:v16+s24+$0x0] =	vst.idx.msk $0xffff, v15  }
0x160: {  	v16 =	vor.u32 $0x1A, v14;
	v15 =	vld.idx.msk [tilespmem:v17+s3+$0x0], $0xffff;
	v17 =	vadd.s32 v12, v34  }
0x161: {  	v17 =	vor.u32 v13, v17;
	_ =	sdelay $0x3  }
0x162: {  	[tilespmem:v16+s24+$0x0] =	vst.idx.msk $0xffff, v15  }
0x163: {  	v16 =	vor.u32 $0x1B, v14;
	v15 =	vld.idx.msk [tilespmem:v17+s3+$0x0], $0xffff;
	v17 =	vadd.s32 v12, v35  }
0x164: {  	v17 =	vor.u32 v13, v17;
	_ =	sdelay $0x3  }
0x165: {  	[tilespmem:v16+s24+$0x0] =	vst.idx.msk $0xffff, v15  }
0x166: {  	v16 =	vor.u32 $0x1C, v14;
	v15 =	vld.idx.msk [tilespmem:v17+s3+$0x0], $0xffff;
	v17 =	vadd.s32 v12, v36  }
0x167: {  	v17 =	vor.u32 v13, v17;
	_ =	sdelay $0x3  }
0x168: {  	[tilespmem:v16+s24+$0x0] =	vst.idx.msk $0xffff, v15  }
0x169: {  	v16 =	vor.u32 $0x1D, v14;
	v15 =	vld.idx.msk [tilespmem:v17+s3+$0x0], $0xffff;
	v17 =	vadd.s32 v12, v37  }
0x16a: {  	v17 =	vor.u32 v13, v17;
	_ =	sdelay $0x3  }
0x16b: {  	[tilespmem:v16+s24+$0x0] =	vst.idx.msk $0xffff, v15  }
0x16c: {  	v16 =	vor.u32 $0x1E, v14;
	v15 =	vld.idx.msk [tilespmem:v17+s3+$0x0], $0xffff;
	v17 =	vadd.s32 v12, v38  }
0x16d: {  	v17 =	vor.u32 v13, v17;
	_ =	sdelay $0x3  }
0x16e: {  	[tilespmem:v16+s24+$0x0] =	vst.idx.msk $0xffff, v15  }
0x16f: {  	v16 =	vor.u32 $0x1F, v14;
	v15 =	vld.idx.msk [tilespmem:v17+s3+$0x0], $0xffff;
	v17 =	vadd.s32 v12, v39  }
0x170: {  	v17 =	vor.u32 v13, v17;
	_ =	sdelay $0x3  }
0x171: {  	[tilespmem:v16+s24+$0x0] =	vst.idx.msk $0xffff, v15  }
0x172: {  	v16 =	vor.u32 $0x20, v14;
	v15 =	vld.idx.msk [tilespmem:v17+s3+$0x0], $0xffff;
	v17 =	vadd.s32 v12, v40  }
0x173: {  	v17 =	vor.u32 v13, v17;
	_ =	sdelay $0x3  }
0x174: {  	[tilespmem:v16+s24+$0x0] =	vst.idx.msk $0xffff, v15  }
0x175: {  	v16 =	vor.u32 $0x21, v14;
	v15 =	vld.idx.msk [tilespmem:v17+s3+$0x0], $0xffff;
	v17 =	vadd.s32 v12, v41  }
0x176: {  	v17 =	vor.u32 v13, v17;
	_ =	sdelay $0x3  }
0x177: {  	[tilespmem:v16+s24+$0x0] =	vst.idx.msk $0xffff, v15  }
0x178: {  	v16 =	vor.u32 $0x22, v14;
	v15 =	vld.idx.msk [tilespmem:v17+s3+$0x0], $0xffff;
	v17 =	vadd.s32 v12, v42  }
0x179: {  	v17 =	vor.u32 v13, v17;
	_ =	sdelay $0x3  }
0x17a: {  	[tilespmem:v16+s24+$0x0] =	vst.idx.msk $0xffff, v15  }
0x17b: {  	v16 =	vor.u32 $0x23, v14;
	v15 =	vld.idx.msk [tilespmem:v17+s3+$0x0], $0xffff;
	v17 =	vadd.s32 v12, v43  }
0x17c: {  	v17 =	vor.u32 v13, v17;
	_ =	sdelay $0x3  }
0x17d: {  	[tilespmem:v16+s24+$0x0] =	vst.idx.msk $0xffff, v15  }
0x17e: {  	v16 =	vor.u32 $0x24, v14;
	v15 =	vld.idx.msk [tilespmem:v17+s3+$0x0], $0xffff;
	v17 =	vadd.s32 v12, v44  }
0x17f: {  	v17 =	vor.u32 v13, v17;
	_ =	sdelay $0x3  }
0x180: {  	[tilespmem:v16+s24+$0x0] =	vst.idx.msk $0xffff, v15  }
0x181: {  	v16 =	vor.u32 $0x25, v14;
	v15 =	vld.idx.msk [tilespmem:v17+s3+$0x0], $0xffff;
	v17 =	vadd.s32 v12, v45  }
0x182: {  	v17 =	vor.u32 v13, v17;
	_ =	sdelay $0x3  }
0x183: {  	[tilespmem:v16+s24+$0x0] =	vst.idx.msk $0xffff, v15  }
0x184: {  	v16 =	vor.u32 $0x26, v14;
	v15 =	vld.idx.msk [tilespmem:v17+s3+$0x0], $0xffff;
	v17 =	vadd.s32 v12, v46  }
0x185: {  	v17 =	vor.u32 v13, v17;
	_ =	sdelay $0x3  }
0x186: {  	[tilespmem:v16+s24+$0x0] =	vst.idx.msk $0xffff, v15  }
0x187: {  	v16 =	vor.u32 $0x27, v14;
	v15 =	vld.idx.msk [tilespmem:v17+s3+$0x0], $0xffff;
	v17 =	vadd.s32 v12, v47  }
0x188: {  	v17 =	vor.u32 v13, v17;
	_ =	sdelay $0x3  }
0x189: {  	[tilespmem:v16+s24+$0x0] =	vst.idx.msk $0xffff, v15  }
0x18a: {  	v16 =	vor.u32 $0x28, v14;
	v15 =	vld.idx.msk [tilespmem:v17+s3+$0x0], $0xffff;
	v17 =	vadd.s32 v12, v48  }
0x18b: {  	v17 =	vor.u32 v13, v17;
	_ =	sdelay $0x3  }
0x18c: {  	[tilespmem:v16+s24+$0x0] =	vst.idx.msk $0xffff, v15  }
0x18d: {  	v16 =	vor.u32 $0x29, v14;
	v15 =	vld.idx.msk [tilespmem:v17+s3+$0x0], $0xffff;
	v17 =	vadd.s32 v12, v49  }
0x18e: {  	v17 =	vor.u32 v13, v17;
	_ =	sdelay $0x3  }
0x18f: {  	[tilespmem:v16+s24+$0x0] =	vst.idx.msk $0xffff, v15  }
0x190: {  	v16 =	vor.u32 $0x2A, v14;
	v15 =	vld.idx.msk [tilespmem:v17+s3+$0x0], $0xffff;
	v17 =	vadd.s32 v12, v50  }
0x191: {  	v17 =	vor.u32 v13, v17;
	_ =	sdelay $0x3  }
0x192: {  	[tilespmem:v16+s24+$0x0] =	vst.idx.msk $0xffff, v15  }
0x193: {  	v16 =	vor.u32 $0x2B, v14;
	v15 =	vld.idx.msk [tilespmem:v17+s3+$0x0], $0xffff;
	v17 =	vadd.s32 v12, v51  }
0x194: {  	v17 =	vor.u32 v13, v17;
	_ =	sdelay $0x3  }
0x195: {  	[tilespmem:v16+s24+$0x0] =	vst.idx.msk $0xffff, v15  }
0x196: {  	v16 =	vor.u32 $0x2C, v14;
	v15 =	vld.idx.msk [tilespmem:v17+s3+$0x0], $0xffff;
	v17 =	vadd.s32 v12, v52  }
0x197: {  	v17 =	vor.u32 v13, v17;
	_ =	sdelay $0x3  }
0x198: {  	[tilespmem:v16+s24+$0x0] =	vst.idx.msk $0xffff, v15  }
0x199: {  	v16 =	vor.u32 $0x2D, v14;
	v15 =	vld.idx.msk [tilespmem:v17+s3+$0x0], $0xffff;
	v17 =	vadd.s32 v12, v53  }
0x19a: {  	v17 =	vor.u32 v13, v17;
	_ =	sdelay $0x3  }
0x19b: {  	[tilespmem:v16+s24+$0x0] =	vst.idx.msk $0xffff, v15  }
0x19c: {  	v16 =	vor.u32 $0x2E, v14;
	v15 =	vld.idx.msk [tilespmem:v17+s3+$0x0], $0xffff;
	v17 =	vadd.s32 v12, v54  }
0x19d: {  	v17 =	vor.u32 v13, v17;
	_ =	sdelay $0x3  }
0x19e: {  	[tilespmem:v16+s24+$0x0] =	vst.idx.msk $0xffff, v15  }
0x19f: {  	v16 =	vor.u32 $0x2F, v14;
	v15 =	vld.idx.msk [tilespmem:v17+s3+$0x0], $0xffff;
	v17 =	vadd.s32 v12, v55  }
0x1a0: {  	v17 =	vor.u32 v13, v17;
	_ =	sdelay $0x3  }
0x1a1: {  	[tilespmem:v16+s24+$0x0] =	vst.idx.msk $0xffff, v15  }
0x1a2: {  	v16 =	vor.u32 $0x30, v14;
	v15 =	vld.idx.msk [tilespmem:v17+s3+$0x0], $0xffff;
	v17 =	vadd.s32 v12, v56  }
0x1a3: {  	v17 =	vor.u32 v13, v17;
	_ =	sdelay $0x3  }
0x1a4: {  	[tilespmem:v16+s24+$0x0] =	vst.idx.msk $0xffff, v15  }
0x1a5: {  	v16 =	vor.u32 $0x31, v14;
	v15 =	vld.idx.msk [tilespmem:v17+s3+$0x0], $0xffff;
	v17 =	vadd.s32 v12, v57  }
0x1a6: {  	v17 =	vor.u32 v13, v17;
	_ =	sdelay $0x3  }
0x1a7: {  	[tilespmem:v16+s24+$0x0] =	vst.idx.msk $0xffff, v15  }
0x1a8: {  	v16 =	vor.u32 $0x32, v14;
	v15 =	vld.idx.msk [tilespmem:v17+s3+$0x0], $0xffff;
	v17 =	vadd.s32 v12, v58  }
0x1a9: {  	v17 =	vor.u32 v13, v17;
	_ =	sdelay $0x3  }
0x1aa: {  	[tilespmem:v16+s24+$0x0] =	vst.idx.msk $0xffff, v15  }
0x1ab: {  	v16 =	vor.u32 $0x33, v14;
	v15 =	vld.idx.msk [tilespmem:v17+s3+$0x0], $0xffff;
	v17 =	vadd.s32 v12, v59  }
0x1ac: {  	v17 =	vor.u32 v13, v17;
	_ =	sdelay $0x3  }
0x1ad: {  	[tilespmem:v16+s24+$0x0] =	vst.idx.msk $0xffff, v15  }
0x1ae: {  	v16 =	vor.u32 $0x34, v14;
	v15 =	vld.idx.msk [tilespmem:v17+s3+$0x0], $0xffff;
	v17 =	vadd.s32 v12, v60  }
0x1af: {  	v17 =	vor.u32 v13, v17;
	_ =	sdelay $0x3  }
0x1b0: {  	[tilespmem:v16+s24+$0x0] =	vst.idx.msk $0xffff, v15  }
0x1b1: {  	v16 =	vor.u32 $0x35, v14;
	v15 =	vld.idx.msk [tilespmem:v17+s3+$0x0], $0xffff;
	v17 =	vadd.s32 v12, v61  }
0x1b2: {  	v17 =	vor.u32 v13, v17;
	_ =	sdelay $0x3  }
0x1b3: {  	[tilespmem:v16+s24+$0x0] =	vst.idx.msk $0xffff, v15  }
0x1b4: {  	v16 =	vor.u32 $0x36, v14;
	v15 =	vld.idx.msk [tilespmem:v17+s3+$0x0], $0xffff;
	v17 =	vadd.s32 v12, v62  }
0x1b5: {  	v17 =	vor.u32 v13, v17;
	_ =	sdelay $0x3  }
0x1b6: {  	[tilespmem:v16+s24+$0x0] =	vst.idx.msk $0xffff, v15  }
0x1b7: {  	v16 =	vor.u32 $0x37, v14;
	v15 =	vld.idx.msk [tilespmem:v17+s3+$0x0], $0xffff;
	v17 =	vadd.s32 v12, v63  }
0x1b8: {  	v17 =	vor.u32 v13, v17;
	_ =	sdelay $0x3  }
0x1b9: {  	[tilespmem:v16+s24+$0x0] =	vst.idx.msk $0xffff, v15  }
0x1ba: {  	v16 =	vor.u32 $0x38, v14;
	v15 =	vld.idx.msk [tilespmem:v17+s3+$0x0], $0xffff;
	v17 =	vadd.s32 v12, v1  }
0x1bb: {  	v17 =	vor.u32 v13, v17;
	_ =	sdelay $0x3  }
0x1bc: {  	[tilespmem:v16+s24+$0x0] =	vst.idx.msk $0xffff, v15  }
0x1bd: {  	v16 =	vor.u32 $0x39, v14;
	v15 =	vld.idx.msk [tilespmem:v17+s3+$0x0], $0xffff;
	v17 =	vadd.s32 v12, v6  }
0x1be: {  	v17 =	vor.u32 v13, v17;
	_ =	sdelay $0x3  }
0x1bf: {  	[tilespmem:v16+s24+$0x0] =	vst.idx.msk $0xffff, v15  }
0x1c0: {  	v16 =	vor.u32 $0x3A, v14;
	v15 =	vld.idx.msk [tilespmem:v17+s3+$0x0], $0xffff;
	v17 =	vadd.s32 v12, v8  }
0x1c1: {  	v17 =	vor.u32 v13, v17;
	_ =	sdelay $0x3  }
0x1c2: {  	[tilespmem:v16+s24+$0x0] =	vst.idx.msk $0xffff, v15  }
0x1c3: {  	v16 =	vor.u32 $0x3B, v14;
	v15 =	vld.idx.msk [tilespmem:v17+s3+$0x0], $0xffff;
	v17 =	vadd.s32 v12, v9  }
0x1c4: {  	v17 =	vor.u32 v13, v17;
	_ =	sdelay $0x3  }
0x1c5: {  	[tilespmem:v16+s24+$0x0] =	vst.idx.msk $0xffff, v15  }
0x1c6: {  	v16 =	vor.u32 $0x3C, v14;
	v15 =	vld.idx.msk [tilespmem:v17+s3+$0x0], $0xffff;
	v17 =	vadd.s32 v12, v2  }
0x1c7: {  	v17 =	vor.u32 v13, v17;
	_ =	sdelay $0x3  }
0x1c8: {  	[tilespmem:v16+s24+$0x0] =	vst.idx.msk $0xffff, v15  }
0x1c9: {  	v16 =	vor.u32 $0x3D, v14;
	v15 =	vld.idx.msk [tilespmem:v17+s3+$0x0], $0xffff;
	v17 =	vadd.s32 v12, v10  }
0x1ca: {  	v17 =	vor.u32 v13, v17;
	_ =	sdelay $0x3  }
0x1cb: {  	[tilespmem:v16+s24+$0x0] =	vst.idx.msk $0xffff, v15  }
0x1cc: {  	v12 =	vadd.s32 v12, v11;
	v16 =	vor.u32 $0x3E, v14;
	v15 =	vld.idx.msk [tilespmem:v17+s3+$0x0], $0xffff  }
0x1cd: {  	v12 =	vor.u32 v13, v12;
	_ =	sdelay $0x3  }
0x1ce: {  	[tilespmem:v16+s24+$0x0] =	vst.idx.msk $0xffff, v15  }
0x1cf: {  	v13 =	vor.u32 $0x3F, v14;
	v12 =	vld.idx.msk [tilespmem:v12+s3+$0x0], $0xffff  }
.Ltmp13:
0x1d0: {  	_ = 	snop;
	(pc) =	sbr.rel .LBB2_14-.Ltmp13, $2  }
0x1d1: {  	_ =	sdelay $0x2  }
0x1d2: {  	[tilespmem:v13+s24+$0x0] =	vst.idx.msk $0xffff, v12  }
.LBB2_15:
0x1d3: {  	s2 =	simm.s32 $0x0;
	s0 =	rddreg [dreg:$0x1]  }
0x1d4: {  	[tilespmem:s3], [sflag:$0x1] =	stream.linear.gather [hbm4b:s0+s2], $0x400, $0x38;
	[tilespmem:$0x1EA00] =	vst v63  }
0x1d5: {  	s26 =	rddreg [dreg:$0xe];
	s20 =	simm.s32 $0x4D80  }
0x1d6: {  	[tilespmem:s20], [sflag:$0x1] =	stream.linear.gather [hbm4b:s26+s2], $0x400, $0x38;
	[tilespmem:$0x1EA00] =	vst v63  }
0x1d7: {  	s28 =	rddreg [dreg:$0x10];
	s26 =	simm.s32 $0x5180  }
0x1d8: {  	[tilespmem:s26], [sflag:$0x1] =	stream.linear.gather [hbm4b:s28+s2], $0x400, $0x38;
	[tilespmem:$0x1EA00] =	vst v63  }
0x1d9: {  	s31 =	rddreg [dreg:$0x11];
	s14 =	simm.s32 $0x5580  }
0x1da: {  	[tilespmem:s14], [sflag:$0x1] =	stream.linear.gather [hbm4b:s31+s2], $0x400, $0x38;
	[tilespmem:$0x1EA00] =	vst v63  }
0x1db: {  	s15 =	rddreg [dreg:$0x12];
	s17 =	simm.s32 $0x5980  }
0x1dc: {  	[tilespmem:s17], [sflag:$0x1] =	stream.linear.gather [hbm4b:s15+s2], $0x400, $0x38;
	[tilespmem:$0x1EA00] =	vst v63  }
0x1dd: {  	s28 =	rddreg [dreg:$0x13];
	s31 =	simm.s32 $0x5D80  }
0x1de: {  	[tilespmem:s31], [sflag:$0x1] =	stream.linear.gather [hbm4b:s28+s2], $0x400, $0x38;
	[tilespmem:$0x1EA00] =	vst v63  }
0x1df: {  	s15 =	rddreg [dreg:$0x14];
	s17 =	simm.s32 $0x6180  }
0x1e0: {  	[tilespmem:s17], [sflag:$0x1] =	stream.linear.gather [hbm4b:s15+s2], $0x400, $0x38;
	[tilespmem:$0x1EA00] =	vst v63  }
0x1e1: {  	s28 =	rddreg [dreg:$0x15];
	s31 =	simm.s32 $0x6580  }
0x1e2: {  	[tilespmem:s31], [sflag:$0x1] =	stream.linear.gather [hbm4b:s28+s2], $0x400, $0x38;
	[tilespmem:$0x1EA00] =	vst v63  }
0x1e3: {  	_ =	swait.ge [sflag:s5], $0x400  }
0x1e4: {  	[sflag:s5] =	ssyncset.done $0x0  }
0x1e5: {  	[sflag:s5] =	ssyncadd.s32 $0xFFFFFC00  }
0x1e6: {  	_ =	swait.ge [sflag:s5], $0x400  }
0x1e7: {  	[sflag:s5] =	ssyncset.done $0x0  }
0x1e8: {  	[sflag:s5] =	ssyncadd.s32 $0xFFFFFC00  }
0x1e9: {  	_ =	swait.ge [sflag:s5], $0x400  }
0x1ea: {  	[sflag:s5] =	ssyncset.done $0x0  }
0x1eb: {  	[sflag:s5] =	ssyncadd.s32 $0xFFFFFC00  }
0x1ec: {  	_ =	swait.ge [sflag:s5], $0x400  }
0x1ed: {  	[sflag:s5] =	ssyncset.done $0x0  }
0x1ee: {  	[sflag:s5] =	ssyncadd.s32 $0xFFFFFC00  }
0x1ef: {  	_ =	swait.ge [sflag:s5], $0x400  }
0x1f0: {  	[sflag:s5] =	ssyncset.done $0x0  }
0x1f1: {  	[sflag:s5] =	ssyncadd.s32 $0xFFFFFC00  }
0x1f2: {  	_ =	swait.ge [sflag:s5], $0x400  }
0x1f3: {  	[sflag:s5] =	ssyncset.done $0x0  }
0x1f4: {  	[sflag:s5] =	ssyncadd.s32 $0xFFFFFC00  }
0x1f5: {  	_ =	swait.ge [sflag:s5], $0x400  }
0x1f6: {  	[sflag:s5] =	ssyncset.done $0x0  }
0x1f7: {  	[sflag:s5] =	ssyncadd.s32 $0xFFFFFC00  }
0x1f8: {  	_ =	swait.ge [sflag:s5], $0x400  }
0x1f9: {  	[sflag:s5] =	ssyncset.done $0x0  }
0x1fa: {  	[sflag:s5] =	ssyncadd.s32 $0xFFFFFC00  }
0x1fb: {  	v1 =	vld [tilespmem:s30+$0x0];
	_ =	sdelay $0x1  }
0x1fc: {  	v10 =	vld [tilespmem:$0x1FFE0];
	_ =	sdelay $0x2  }
0x1fd: {  	v2 =	vor.u32 s2, v3;
	v1 =	vshra.s32 v1, $0xE  }
0x1fe: {  	vm0 =	vlt.u32 v2, v5;
	vm1 =	vge.s32 v1, v0  }
0x1ff: {  	vm15 =	vlt.s32 v1, v10;
	vm0 =	vmand vm0, vm1  }
0x200: {  	vm0 =	vmand vm15, vm0  }
0x201: {  	v6 =	vsel vm0, $0x1, v4  }
0x202: {  	(xrf0) =	vadd.scan.msk.s32 $0xffff, v6;
	_ =	sdelay $0x2  }
0x203: {  	v6 =	vmov s2  }
0x204: {  	v6 =	vadd.s32 $0xFFFFFFFF, v6  }
0x205: {  	v6 =	vbroadcast v6, $0x0  }
0x206: {  	v7, _, _ =	vpop (xrf0)  }
0x207: {  	v6 =	vadd.s32 v7, v6;
	(v2sf) =	vpush v7, $0xF  }
0x208: {  	v6 =	vnsel vm0, $0x24F, v6;
	_ =	sdelay $0x3  }
0x209: {  	v1 =	vsub.s32 v1, v0  }
0x20a: {  	[tilespmem:v6+s21+$0x0] =	vst.idx.msk $0xffff, v1  }
0x20b: {  	s15 =	sadd.s32 $0x10, s30;
	v11 =	vld [tilespmem:$0x1FFF0];
	[tilespmem:v6+s23+$0x0] =	vst.idx.msk $0xffff, v2  }
0x20c: {  	s14 =	simm.s32 $0x10;
	s17 =	simm.s32 $0x20;
	v1 =	vld [tilespmem:s15+$0x0]  }
.LBB2_16:
0x20d: {  	p1 =	seq.s32 s17, $0x230;
	_ =	sdelay $0x3  }
0x20e: {  	v2 =	vor.u32 s14, v3;
	s14 =	smov.u32 s17;
	v1 =	vshra.s32 v1, $0xE  }
0x20f: {  	vm0 =	vlt.u32 v2, v5;
	vm1 =	vge.s32 v1, v0;
	v6 =	vsub.s32 v1, v0  }
0x210: {  	vm0 =	vmand vm0, vm1;
	vm1 =	vlt.s32 v1, v10;
	s0 =	spop (v2sf)  }
0x211: {  	vm0 =	vmand vm1, vm0;
	s2 =	sadd.s32 s2, s0  }
0x212: {  	v1 =	vsel vm0, $0x1, v4;
	v7 =	vmov s2  }
0x213: {  	v7 =	vadd.s32 $0xFFFFFFFF, v7;
	(xrf0) =	vadd.scan.msk.s32 $0xffff, v1  }
0x214: {  	v1 =	vbroadcast v7, $0x0;
	_ =	sdelay $0x4  }
0x215: {  	v7, _, _ =	vpop (xrf0)  }
0x216: {  	v1 =	vadd.s32 v7, v1;
	(v2sf) =	vpush v7, $0xF  }
0x217: {  	v1 =	vnsel vm0, $0x24F, v1;
	_ =	sdelay $0x2  }
.Ltmp14:
0x218: {  	(pc) =	sbr.rel @!p1 .LBB2_16-.Ltmp14, $4  }
0x219: {  	_ = 	snop  }
0x21a: {  	[tilespmem:v1+s21+$0x0] =	vst.idx.msk $0xffff, v6  }
0x21b: {  	s15 =	sadd.s32 $0x10, s15;
	[tilespmem:v1+s23+$0x0] =	vst.idx.msk $0xffff, v2  }
0x21c: {  	s17 =	sadd.s32 $0x10, s17;
	v1 =	vld [tilespmem:s15+$0x0]  }
0x21d: {  	_ =	sdelay $0x3  }
0x21e: {  	v2 =	vor.u32 s14, v3;
	v1 =	vshra.s32 v1, $0xE  }
0x21f: {  	vm0 =	vlt.u32 v2, v5;
	vm1 =	vge.s32 v1, v0  }
0x220: {  	vm15 =	vlt.s32 v1, v10;
	vm0 =	vmand vm0, vm1  }
0x221: {  	vm0 =	vmand vm15, vm0  }
0x222: {  	v6 =	vsel vm0, $0x1, v4  }
0x223: {  	(xrf0) =	vadd.scan.msk.s32 $0xffff, v6;
	_ =	sdelay $0x5  }
0x224: {  	v6, _, _ =	vpop (xrf0)  }
0x225: {  	(v2sf) =	vpush v6, $0xF;
	_ =	sdelay $0x3  }
0x226: {  	s0 =	spop (v2sf)  }
0x227: {  	s0 =	sadd.s32 s2, s0  }
0x228: {  	v7 =	vmov s0  }
0x229: {  	v7 =	vadd.s32 $0xFFFFFFFF, v7  }
0x22a: {  	v7 =	vbroadcast v7, $0x0;
	_ =	sdelay $0x1  }
0x22b: {  	v6 =	vadd.s32 v6, v7  }
0x22c: {  	v6 =	vnsel vm0, $0x24F, v6;
	_ =	sdelay $0x1  }
.Ltmp15:
0x22d: {  	_ = 	snop;
	(pc) =	sbr.rel .LBB2_18-.Ltmp15, $4  }
0x22e: {  	_ = 	snop  }
0x22f: {  	v1 =	vsub.s32 v1, v0;
	s31 =	spop (v2sf)  }
0x230: {  	[tilespmem:v6+s21+$0x0] =	vst.idx.msk $0xffff, v1;
	s2 =	sadd.s32 s0, s31  }
0x231: {  	s14 =	simm.s32 $0x0;
	s15 =	simm.s32 $0x4480;
	s17 =	simm.s32 $0x4700;
	[tilespmem:v6+s23+$0x0] =	vst.idx.msk $0xffff, v2;
	v1 =	vmov s2  }
.LBB2_20:
0x232: {  	s14 =	sadd.s32 $0x10, s14  }
0x233: {  	p1 =	sne.s32 s14, $0x240  }
.Ltmp16:
0x234: {  	_ = 	snop;
	(pc) =	sbr.rel @!p1 .LBB2_21-.Ltmp16, $2  }
0x235: {  	_ =	sdelay $0x2  }
0x236: {  	s15 =	sadd.s32 $0x10, s15;
	s17 =	sadd.s32 $0x10, s17  }
.LBB2_18:
0x237: {  	p1 =	sge.s32 s14, s2  }
.Ltmp17:
0x238: {  	_ = 	snop;
	(pc) =	sbr.rel @p1 .LBB2_20-.Ltmp17, $1  }
0x239: {  	_ =	sdelay $0x3  }
0x23a: {  	v2 =	vld [tilespmem:s15+$0x0];
	_ =	sdelay $0x2  }
0x23b: {  	v6 =	vor.u32 s14, v3  }
0x23c: {  	v7 =	vld [tilespmem:s17+$0x0];
	vm0 =	vlt.s32 v6, v1  }
0x23d: {  	v2 =	vnsel vm0, $0x0, v2;
	_ =	sdelay $0x3  }
0x23e: {  	v6 =	vshll.u32 v7, $0x7  }
0x23f: {  	v6 =	vnsel vm0, $0x14000, v6;
	v7 =	vld.idx.msk [tilespmem:v2+s3+$0x0], $0xffff  }
0x240: {  	v8 =	vadd.s32 $0x80, v2;
	_ =	sdelay $0x3  }
0x241: {  	[tilespmem:v6+s24+$0x0] =	vst.idx.msk $0xffff, v7  }
0x242: {  	v7 =	vld.idx.msk [tilespmem:v8+s3+$0x0], $0xffff;
	v8 =	vor.u32 $0x1, v6  }
0x243: {  	v9 =	vadd.s32 $0x100, v2;
	_ =	sdelay $0x3  }
0x244: {  	[tilespmem:v8+s24+$0x0] =	vst.idx.msk $0xffff, v7  }
0x245: {  	v8 =	vor.u32 $0x2, v6;
	v7 =	vld.idx.msk [tilespmem:v9+s3+$0x0], $0xffff  }
0x246: {  	v9 =	vadd.s32 $0x180, v2;
	_ =	sdelay $0x3  }
0x247: {  	[tilespmem:v8+s24+$0x0] =	vst.idx.msk $0xffff, v7  }
0x248: {  	v8 =	vor.u32 $0x3, v6;
	v7 =	vld.idx.msk [tilespmem:v9+s3+$0x0], $0xffff  }
0x249: {  	v9 =	vadd.s32 $0x200, v2;
	_ =	sdelay $0x3  }
0x24a: {  	[tilespmem:v8+s24+$0x0] =	vst.idx.msk $0xffff, v7  }
0x24b: {  	v8 =	vor.u32 $0x4, v6;
	v7 =	vld.idx.msk [tilespmem:v9+s3+$0x0], $0xffff  }
0x24c: {  	v9 =	vadd.s32 $0x280, v2;
	_ =	sdelay $0x3  }
0x24d: {  	[tilespmem:v8+s24+$0x0] =	vst.idx.msk $0xffff, v7  }
0x24e: {  	v8 =	vor.u32 $0x5, v6;
	v7 =	vld.idx.msk [tilespmem:v9+s3+$0x0], $0xffff  }
0x24f: {  	v9 =	vadd.s32 $0x300, v2;
	_ =	sdelay $0x3  }
0x250: {  	[tilespmem:v8+s24+$0x0] =	vst.idx.msk $0xffff, v7  }
0x251: {  	v8 =	vor.u32 $0x6, v6;
	v7 =	vld.idx.msk [tilespmem:v9+s3+$0x0], $0xffff  }
0x252: {  	v9 =	vadd.s32 $0x380, v2;
	_ =	sdelay $0x3  }
0x253: {  	[tilespmem:v8+s24+$0x0] =	vst.idx.msk $0xffff, v7  }
0x254: {  	v8 =	vor.u32 $0x7, v6;
	v7 =	vld.idx.msk [tilespmem:v9+s3+$0x0], $0xffff  }
0x255: {  	v9 =	vadd.s32 $0x400, v2;
	_ =	sdelay $0x3  }
0x256: {  	[tilespmem:v8+s24+$0x0] =	vst.idx.msk $0xffff, v7  }
0x257: {  	v8 =	vor.u32 $0x8, v6;
	v7 =	vld.idx.msk [tilespmem:v9+s3+$0x0], $0xffff  }
0x258: {  	v9 =	vadd.s32 $0x480, v2;
	_ =	sdelay $0x3  }
0x259: {  	[tilespmem:v8+s24+$0x0] =	vst.idx.msk $0xffff, v7  }
0x25a: {  	v8 =	vor.u32 $0x9, v6;
	v7 =	vld.idx.msk [tilespmem:v9+s3+$0x0], $0xffff  }
0x25b: {  	v9 =	vadd.s32 $0x500, v2;
	_ =	sdelay $0x3  }
0x25c: {  	[tilespmem:v8+s24+$0x0] =	vst.idx.msk $0xffff, v7  }
0x25d: {  	v8 =	vor.u32 $0xA, v6;
	v7 =	vld.idx.msk [tilespmem:v9+s3+$0x0], $0xffff  }
0x25e: {  	v9 =	vadd.s32 $0x580, v2;
	_ =	sdelay $0x3  }
0x25f: {  	[tilespmem:v8+s24+$0x0] =	vst.idx.msk $0xffff, v7  }
0x260: {  	v8 =	vor.u32 $0xB, v6;
	v7 =	vld.idx.msk [tilespmem:v9+s3+$0x0], $0xffff  }
0x261: {  	v9 =	vadd.s32 $0x600, v2;
	_ =	sdelay $0x3  }
0x262: {  	[tilespmem:v8+s24+$0x0] =	vst.idx.msk $0xffff, v7  }
0x263: {  	v8 =	vor.u32 $0xC, v6;
	v7 =	vld.idx.msk [tilespmem:v9+s3+$0x0], $0xffff  }
0x264: {  	v9 =	vadd.s32 $0x680, v2;
	_ =	sdelay $0x3  }
0x265: {  	[tilespmem:v8+s24+$0x0] =	vst.idx.msk $0xffff, v7  }
0x266: {  	v8 =	vor.u32 $0xD, v6;
	v7 =	vld.idx.msk [tilespmem:v9+s3+$0x0], $0xffff  }
0x267: {  	v9 =	vadd.s32 $0x700, v2;
	_ =	sdelay $0x3  }
0x268: {  	[tilespmem:v8+s24+$0x0] =	vst.idx.msk $0xffff, v7  }
0x269: {  	v8 =	vor.u32 $0xE, v6;
	v7 =	vld.idx.msk [tilespmem:v9+s3+$0x0], $0xffff  }
0x26a: {  	v9 =	vadd.s32 $0x780, v2;
	_ =	sdelay $0x3  }
0x26b: {  	[tilespmem:v8+s24+$0x0] =	vst.idx.msk $0xffff, v7  }
0x26c: {  	v8 =	vor.u32 $0xF, v6;
	v7 =	vld.idx.msk [tilespmem:v9+s3+$0x0], $0xffff  }
0x26d: {  	v9 =	vadd.s32 $0x800, v2;
	_ =	sdelay $0x3  }
0x26e: {  	[tilespmem:v8+s24+$0x0] =	vst.idx.msk $0xffff, v7  }
0x26f: {  	v8 =	vor.u32 $0x10, v6;
	v7 =	vld.idx.msk [tilespmem:v9+s3+$0x0], $0xffff  }
0x270: {  	v9 =	vadd.s32 $0x880, v2;
	_ =	sdelay $0x3  }
0x271: {  	[tilespmem:v8+s24+$0x0] =	vst.idx.msk $0xffff, v7  }
0x272: {  	v8 =	vor.u32 $0x11, v6;
	v7 =	vld.idx.msk [tilespmem:v9+s3+$0x0], $0xffff  }
0x273: {  	v9 =	vadd.s32 $0x900, v2;
	_ =	sdelay $0x3  }
0x274: {  	[tilespmem:v8+s24+$0x0] =	vst.idx.msk $0xffff, v7  }
0x275: {  	v8 =	vor.u32 $0x12, v6;
	v7 =	vld.idx.msk [tilespmem:v9+s3+$0x0], $0xffff  }
0x276: {  	v9 =	vadd.s32 $0x980, v2;
	_ =	sdelay $0x3  }
0x277: {  	[tilespmem:v8+s24+$0x0] =	vst.idx.msk $0xffff, v7  }
0x278: {  	v8 =	vor.u32 $0x13, v6;
	v7 =	vld.idx.msk [tilespmem:v9+s3+$0x0], $0xffff  }
0x279: {  	v9 =	vadd.s32 $0xA00, v2;
	_ =	sdelay $0x3  }
0x27a: {  	[tilespmem:v8+s24+$0x0] =	vst.idx.msk $0xffff, v7  }
0x27b: {  	v8 =	vor.u32 $0x14, v6;
	v7 =	vld.idx.msk [tilespmem:v9+s3+$0x0], $0xffff  }
0x27c: {  	v9 =	vadd.s32 $0xA80, v2;
	_ =	sdelay $0x3  }
0x27d: {  	[tilespmem:v8+s24+$0x0] =	vst.idx.msk $0xffff, v7  }
0x27e: {  	v8 =	vor.u32 $0x15, v6;
	v7 =	vld.idx.msk [tilespmem:v9+s3+$0x0], $0xffff  }
0x27f: {  	v9 =	vadd.s32 $0xB00, v2;
	_ =	sdelay $0x3  }
0x280: {  	[tilespmem:v8+s24+$0x0] =	vst.idx.msk $0xffff, v7  }
0x281: {  	v8 =	vor.u32 $0x16, v6;
	v7 =	vld.idx.msk [tilespmem:v9+s3+$0x0], $0xffff  }
0x282: {  	v9 =	vadd.s32 $0xB80, v2;
	_ =	sdelay $0x3  }
0x283: {  	[tilespmem:v8+s24+$0x0] =	vst.idx.msk $0xffff, v7  }
0x284: {  	v8 =	vor.u32 $0x17, v6;
	v7 =	vld.idx.msk [tilespmem:v9+s3+$0x0], $0xffff  }
0x285: {  	v9 =	vadd.s32 $0xC00, v2;
	_ =	sdelay $0x3  }
0x286: {  	[tilespmem:v8+s24+$0x0] =	vst.idx.msk $0xffff, v7  }
0x287: {  	v8 =	vor.u32 $0x18, v6;
	v7 =	vld.idx.msk [tilespmem:v9+s3+$0x0], $0xffff  }
0x288: {  	v9 =	vadd.s32 $0xC80, v2;
	_ =	sdelay $0x3  }
0x289: {  	[tilespmem:v8+s24+$0x0] =	vst.idx.msk $0xffff, v7  }
0x28a: {  	v8 =	vor.u32 $0x19, v6;
	v7 =	vld.idx.msk [tilespmem:v9+s3+$0x0], $0xffff  }
0x28b: {  	v9 =	vadd.s32 $0xD00, v2;
	_ =	sdelay $0x3  }
0x28c: {  	[tilespmem:v8+s24+$0x0] =	vst.idx.msk $0xffff, v7  }
0x28d: {  	v8 =	vor.u32 $0x1A, v6;
	v7 =	vld.idx.msk [tilespmem:v9+s3+$0x0], $0xffff  }
0x28e: {  	v9 =	vadd.s32 $0xD80, v2;
	_ =	sdelay $0x3  }
0x28f: {  	[tilespmem:v8+s24+$0x0] =	vst.idx.msk $0xffff, v7  }
0x290: {  	v8 =	vor.u32 $0x1B, v6;
	v7 =	vld.idx.msk [tilespmem:v9+s3+$0x0], $0xffff  }
0x291: {  	v9 =	vadd.s32 $0xE00, v2;
	_ =	sdelay $0x3  }
0x292: {  	[tilespmem:v8+s24+$0x0] =	vst.idx.msk $0xffff, v7  }
0x293: {  	v8 =	vor.u32 $0x1C, v6;
	v7 =	vld.idx.msk [tilespmem:v9+s3+$0x0], $0xffff  }
0x294: {  	v9 =	vadd.s32 $0xE80, v2;
	_ =	sdelay $0x3  }
0x295: {  	[tilespmem:v8+s24+$0x0] =	vst.idx.msk $0xffff, v7  }
0x296: {  	v8 =	vor.u32 $0x1D, v6;
	v7 =	vld.idx.msk [tilespmem:v9+s3+$0x0], $0xffff  }
0x297: {  	v9 =	vadd.s32 $0xF00, v2;
	_ =	sdelay $0x3  }
0x298: {  	[tilespmem:v8+s24+$0x0] =	vst.idx.msk $0xffff, v7  }
0x299: {  	v8 =	vor.u32 $0x1E, v6;
	v7 =	vld.idx.msk [tilespmem:v9+s3+$0x0], $0xffff  }
0x29a: {  	v9 =	vadd.s32 $0xF80, v2;
	_ =	sdelay $0x3  }
0x29b: {  	[tilespmem:v8+s24+$0x0] =	vst.idx.msk $0xffff, v7  }
0x29c: {  	v8 =	vor.u32 $0x1F, v6;
	v7 =	vld.idx.msk [tilespmem:v9+s3+$0x0], $0xffff  }
0x29d: {  	v9 =	vadd.s32 $0x1000, v2;
	_ =	sdelay $0x3  }
0x29e: {  	[tilespmem:v8+s24+$0x0] =	vst.idx.msk $0xffff, v7  }
0x29f: {  	v8 =	vor.u32 $0x20, v6;
	v7 =	vld.idx.msk [tilespmem:v9+s3+$0x0], $0xffff  }
0x2a0: {  	v9 =	vadd.s32 $0x1080, v2;
	_ =	sdelay $0x3  }
0x2a1: {  	[tilespmem:v8+s24+$0x0] =	vst.idx.msk $0xffff, v7  }
0x2a2: {  	v8 =	vor.u32 $0x21, v6;
	v7 =	vld.idx.msk [tilespmem:v9+s3+$0x0], $0xffff  }
0x2a3: {  	v9 =	vadd.s32 $0x1100, v2;
	_ =	sdelay $0x3  }
0x2a4: {  	[tilespmem:v8+s24+$0x0] =	vst.idx.msk $0xffff, v7  }
0x2a5: {  	v8 =	vor.u32 $0x22, v6;
	v7 =	vld.idx.msk [tilespmem:v9+s3+$0x0], $0xffff  }
0x2a6: {  	v9 =	vadd.s32 $0x1180, v2;
	_ =	sdelay $0x3  }
0x2a7: {  	[tilespmem:v8+s24+$0x0] =	vst.idx.msk $0xffff, v7  }
0x2a8: {  	v8 =	vor.u32 $0x23, v6;
	v7 =	vld.idx.msk [tilespmem:v9+s3+$0x0], $0xffff  }
0x2a9: {  	v9 =	vadd.s32 $0x1200, v2;
	_ =	sdelay $0x3  }
0x2aa: {  	[tilespmem:v8+s24+$0x0] =	vst.idx.msk $0xffff, v7  }
0x2ab: {  	v8 =	vor.u32 $0x24, v6;
	v7 =	vld.idx.msk [tilespmem:v9+s3+$0x0], $0xffff  }
0x2ac: {  	v9 =	vadd.s32 $0x1280, v2;
	_ =	sdelay $0x3  }
0x2ad: {  	[tilespmem:v8+s24+$0x0] =	vst.idx.msk $0xffff, v7  }
0x2ae: {  	v8 =	vor.u32 $0x25, v6;
	v7 =	vld.idx.msk [tilespmem:v9+s3+$0x0], $0xffff  }
0x2af: {  	v9 =	vadd.s32 $0x1300, v2;
	_ =	sdelay $0x3  }
0x2b0: {  	[tilespmem:v8+s24+$0x0] =	vst.idx.msk $0xffff, v7  }
0x2b1: {  	v8 =	vor.u32 $0x26, v6;
	v7 =	vld.idx.msk [tilespmem:v9+s3+$0x0], $0xffff  }
0x2b2: {  	v9 =	vadd.s32 $0x1380, v2;
	_ =	sdelay $0x3  }
0x2b3: {  	[tilespmem:v8+s24+$0x0] =	vst.idx.msk $0xffff, v7  }
0x2b4: {  	v8 =	vor.u32 $0x27, v6;
	v7 =	vld.idx.msk [tilespmem:v9+s3+$0x0], $0xffff  }
0x2b5: {  	v9 =	vadd.s32 $0x1400, v2;
	_ =	sdelay $0x3  }
0x2b6: {  	[tilespmem:v8+s24+$0x0] =	vst.idx.msk $0xffff, v7  }
0x2b7: {  	v8 =	vor.u32 $0x28, v6;
	v7 =	vld.idx.msk [tilespmem:v9+s3+$0x0], $0xffff  }
0x2b8: {  	v9 =	vadd.s32 $0x1480, v2;
	_ =	sdelay $0x3  }
0x2b9: {  	[tilespmem:v8+s24+$0x0] =	vst.idx.msk $0xffff, v7  }
0x2ba: {  	v8 =	vor.u32 $0x29, v6;
	v7 =	vld.idx.msk [tilespmem:v9+s3+$0x0], $0xffff  }
0x2bb: {  	v9 =	vadd.s32 $0x1500, v2;
	_ =	sdelay $0x3  }
0x2bc: {  	[tilespmem:v8+s24+$0x0] =	vst.idx.msk $0xffff, v7  }
0x2bd: {  	v8 =	vor.u32 $0x2A, v6;
	v7 =	vld.idx.msk [tilespmem:v9+s3+$0x0], $0xffff  }
0x2be: {  	v9 =	vadd.s32 $0x1580, v2;
	_ =	sdelay $0x3  }
0x2bf: {  	[tilespmem:v8+s24+$0x0] =	vst.idx.msk $0xffff, v7  }
0x2c0: {  	v8 =	vor.u32 $0x2B, v6;
	v7 =	vld.idx.msk [tilespmem:v9+s3+$0x0], $0xffff  }
0x2c1: {  	v9 =	vadd.s32 $0x1600, v2;
	_ =	sdelay $0x3  }
0x2c2: {  	[tilespmem:v8+s24+$0x0] =	vst.idx.msk $0xffff, v7  }
0x2c3: {  	v8 =	vor.u32 $0x2C, v6;
	v7 =	vld.idx.msk [tilespmem:v9+s3+$0x0], $0xffff  }
0x2c4: {  	v9 =	vadd.s32 $0x1680, v2;
	_ =	sdelay $0x3  }
0x2c5: {  	[tilespmem:v8+s24+$0x0] =	vst.idx.msk $0xffff, v7  }
0x2c6: {  	v8 =	vor.u32 $0x2D, v6;
	v7 =	vld.idx.msk [tilespmem:v9+s3+$0x0], $0xffff  }
0x2c7: {  	v9 =	vadd.s32 $0x1700, v2;
	_ =	sdelay $0x3  }
0x2c8: {  	[tilespmem:v8+s24+$0x0] =	vst.idx.msk $0xffff, v7  }
0x2c9: {  	v8 =	vor.u32 $0x2E, v6;
	v7 =	vld.idx.msk [tilespmem:v9+s3+$0x0], $0xffff  }
0x2ca: {  	v9 =	vadd.s32 $0x1780, v2;
	_ =	sdelay $0x3  }
0x2cb: {  	[tilespmem:v8+s24+$0x0] =	vst.idx.msk $0xffff, v7  }
0x2cc: {  	v8 =	vor.u32 $0x2F, v6;
	v7 =	vld.idx.msk [tilespmem:v9+s3+$0x0], $0xffff  }
0x2cd: {  	v9 =	vadd.s32 $0x1800, v2;
	_ =	sdelay $0x3  }
0x2ce: {  	[tilespmem:v8+s24+$0x0] =	vst.idx.msk $0xffff, v7  }
0x2cf: {  	v8 =	vor.u32 $0x30, v6;
	v7 =	vld.idx.msk [tilespmem:v9+s3+$0x0], $0xffff  }
0x2d0: {  	v9 =	vadd.s32 $0x1880, v2;
	_ =	sdelay $0x3  }
0x2d1: {  	[tilespmem:v8+s24+$0x0] =	vst.idx.msk $0xffff, v7  }
0x2d2: {  	v8 =	vor.u32 $0x31, v6;
	v7 =	vld.idx.msk [tilespmem:v9+s3+$0x0], $0xffff  }
0x2d3: {  	v9 =	vadd.s32 $0x1900, v2;
	_ =	sdelay $0x3  }
0x2d4: {  	[tilespmem:v8+s24+$0x0] =	vst.idx.msk $0xffff, v7  }
0x2d5: {  	v8 =	vor.u32 $0x32, v6;
	v7 =	vld.idx.msk [tilespmem:v9+s3+$0x0], $0xffff  }
0x2d6: {  	v9 =	vadd.s32 $0x1980, v2;
	_ =	sdelay $0x3  }
0x2d7: {  	[tilespmem:v8+s24+$0x0] =	vst.idx.msk $0xffff, v7  }
0x2d8: {  	v8 =	vor.u32 $0x33, v6;
	v7 =	vld.idx.msk [tilespmem:v9+s3+$0x0], $0xffff  }
0x2d9: {  	v9 =	vadd.s32 $0x1A00, v2;
	_ =	sdelay $0x3  }
0x2da: {  	[tilespmem:v8+s24+$0x0] =	vst.idx.msk $0xffff, v7  }
0x2db: {  	v8 =	vor.u32 $0x34, v6;
	v7 =	vld.idx.msk [tilespmem:v9+s3+$0x0], $0xffff  }
0x2dc: {  	v9 =	vadd.s32 $0x1A80, v2;
	_ =	sdelay $0x3  }
0x2dd: {  	[tilespmem:v8+s24+$0x0] =	vst.idx.msk $0xffff, v7  }
0x2de: {  	v8 =	vor.u32 $0x35, v6;
	v7 =	vld.idx.msk [tilespmem:v9+s3+$0x0], $0xffff  }
0x2df: {  	v9 =	vadd.s32 $0x1B00, v2;
	_ =	sdelay $0x3  }
0x2e0: {  	[tilespmem:v8+s24+$0x0] =	vst.idx.msk $0xffff, v7  }
0x2e1: {  	v8 =	vor.u32 $0x36, v6;
	v7 =	vld.idx.msk [tilespmem:v9+s3+$0x0], $0xffff  }
0x2e2: {  	v9 =	vadd.s32 $0x1B80, v2;
	_ =	sdelay $0x3  }
0x2e3: {  	[tilespmem:v8+s24+$0x0] =	vst.idx.msk $0xffff, v7  }
0x2e4: {  	v8 =	vor.u32 $0x37, v6;
	v7 =	vld.idx.msk [tilespmem:v9+s3+$0x0], $0xffff  }
0x2e5: {  	v9 =	vadd.s32 $0x1C00, v2;
	_ =	sdelay $0x3  }
0x2e6: {  	[tilespmem:v8+s24+$0x0] =	vst.idx.msk $0xffff, v7  }
0x2e7: {  	v8 =	vor.u32 $0x38, v6;
	v7 =	vld.idx.msk [tilespmem:v9+s3+$0x0], $0xffff  }
0x2e8: {  	v9 =	vadd.s32 $0x1C80, v2;
	_ =	sdelay $0x3  }
0x2e9: {  	[tilespmem:v8+s24+$0x0] =	vst.idx.msk $0xffff, v7  }
0x2ea: {  	v8 =	vor.u32 $0x39, v6;
	v7 =	vld.idx.msk [tilespmem:v9+s3+$0x0], $0xffff  }
0x2eb: {  	v9 =	vadd.s32 $0x1D00, v2;
	_ =	sdelay $0x3  }
0x2ec: {  	[tilespmem:v8+s24+$0x0] =	vst.idx.msk $0xffff, v7  }
0x2ed: {  	v8 =	vor.u32 $0x3A, v6;
	v7 =	vld.idx.msk [tilespmem:v9+s3+$0x0], $0xffff  }
0x2ee: {  	v9 =	vadd.s32 $0x1D80, v2;
	_ =	sdelay $0x3  }
0x2ef: {  	[tilespmem:v8+s24+$0x0] =	vst.idx.msk $0xffff, v7  }
0x2f0: {  	v8 =	vor.u32 $0x3B, v6;
	v7 =	vld.idx.msk [tilespmem:v9+s3+$0x0], $0xffff  }
0x2f1: {  	v9 =	vadd.s32 $0x1E00, v2;
	_ =	sdelay $0x3  }
0x2f2: {  	[tilespmem:v8+s24+$0x0] =	vst.idx.msk $0xffff, v7  }
0x2f3: {  	v8 =	vor.u32 $0x3C, v6;
	v7 =	vld.idx.msk [tilespmem:v9+s3+$0x0], $0xffff  }
0x2f4: {  	v9 =	vadd.s32 $0x1E80, v2;
	_ =	sdelay $0x3  }
0x2f5: {  	[tilespmem:v8+s24+$0x0] =	vst.idx.msk $0xffff, v7  }
0x2f6: {  	v8 =	vor.u32 $0x3D, v6;
	v7 =	vld.idx.msk [tilespmem:v9+s3+$0x0], $0xffff  }
0x2f7: {  	v9 =	vadd.s32 $0x1F00, v2;
	_ =	sdelay $0x3  }
0x2f8: {  	[tilespmem:v8+s24+$0x0] =	vst.idx.msk $0xffff, v7  }
0x2f9: {  	v8 =	vor.u32 $0x3E, v6;
	v7 =	vld.idx.msk [tilespmem:v9+s3+$0x0], $0xffff  }
0x2fa: {  	v2 =	vadd.s32 $0x1F80, v2;
	_ =	sdelay $0x3  }
0x2fb: {  	[tilespmem:v8+s24+$0x0] =	vst.idx.msk $0xffff, v7  }
0x2fc: {  	v6 =	vor.u32 $0x3F, v6;
	v2 =	vld.idx.msk [tilespmem:v2+s3+$0x0], $0xffff  }
.Ltmp18:
0x2fd: {  	_ = 	snop;
	(pc) =	sbr.rel .LBB2_20-.Ltmp18, $2  }
0x2fe: {  	_ =	sdelay $0x2  }
0x2ff: {  	[tilespmem:v6+s24+$0x0] =	vst.idx.msk $0xffff, v2  }
.LBB2_21:
.Ltmp19:
0x300: {  	(pc) =	sbr.rel .LBB2_22-.Ltmp19, $3  }
0x301: {  	_ =	sdelay $0x1  }
0x302: {  	s2 =	simm.s32 $0x0  }
0x303: {  	s14 =	simm.s32 $0x8980;
	s15 =	rddreg [dreg:$0x17];
	s17 =	simm.s32 $0x80  }
.LBB2_24:
0x304: {  	s2 =	sadd.s32 $0x80, s2  }
0x305: {  	p1 =	sne.s32 s2, $0x280  }
.Ltmp20:
0x306: {  	_ = 	snop;
	(pc) =	sbr.rel @!p1 .LBB2_25-.Ltmp20, $2  }
0x307: {  	_ =	sdelay $0x2  }
0x308: {  	s14 =	sadd.s32 $0x4000, s14;
	s11 =	sadd.s32 $0x80, s11;
	s15 =	sadd.s32 $0x80, s15  }
.LBB2_22:
0x309: {  	p1 =	sge.u32 s2, s9  }
.Ltmp21:
0x30a: {  	_ = 	snop;
	(pc) =	sbr.rel @p1 .LBB2_24-.Ltmp21, $1  }
0x30b: {  	_ =	sdelay $0x3  }
0x30c: {  	v1 =	vld [tilespmem:s11+$0x0];
	_ =	sdelay $0x3  }
0x30d: {  	v2 =	vor.u32 s2, v3  }
0x30e: {  	vm0 =	vlt.u32 v2, v5;
	v2 =	vor.u32 $0x4000, v3;
	v1 =	vand.u32 $0x3FFF, v1  }
0x30f: {  	v1 =	vsel vm0, v1, v2  }
0x310: {  	[tilespmem:$0x1E980] =	vst v1  }
0x311: {  	v1 =	vld [tilespmem:s15+$0xFFFFFFD0];
	_ =	sdelay $0x2  }
0x312: {  	s0 =	sadd.s32 $0x10, s2  }
0x313: {  	v2 =	vor.u32 s0, v3  }
0x314: {  	vm9 =	vlt.u32 v2, v5;
	v2 =	vor.u32 $0x4010, v3;
	v1 =	vand.u32 $0x3FFF, v1  }
0x315: {  	v1 =	vsel vm9, v1, v2  }
0x316: {  	[tilespmem:$0x1E990] =	vst v1  }
0x317: {  	v1 =	vld [tilespmem:s15+$0xFFFFFFE0];
	_ =	sdelay $0x2  }
0x318: {  	s31 =	sadd.s32 $0x20, s2  }
0x319: {  	v2 =	vor.u32 s31, v3  }
0x31a: {  	vm10 =	vlt.u32 v2, v5;
	v2 =	vor.u32 $0x4020, v3;
	v1 =	vand.u32 $0x3FFF, v1  }
0x31b: {  	v1 =	vsel vm10, v1, v2  }
0x31c: {  	[tilespmem:$0x1E9A0] =	vst v1  }
0x31d: {  	v1 =	vld [tilespmem:s15+$0xFFFFFFF0];
	_ =	sdelay $0x2  }
0x31e: {  	s28 =	sadd.s32 $0x30, s2  }
0x31f: {  	v2 =	vor.u32 s28, v3  }
0x320: {  	vm11 =	vlt.u32 v2, v5;
	v2 =	vor.u32 $0x4030, v3;
	v1 =	vand.u32 $0x3FFF, v1  }
0x321: {  	v1 =	vsel vm11, v1, v2  }
0x322: {  	[tilespmem:$0x1E9B0] =	vst v1  }
0x323: {  	v1 =	vld [tilespmem:s15+$0x0];
	_ =	sdelay $0x2  }
0x324: {  	s31 =	sadd.s32 $0x40, s2  }
0x325: {  	v2 =	vor.u32 s31, v3  }
0x326: {  	vm12 =	vlt.u32 v2, v5;
	v2 =	vor.u32 $0x4040, v3;
	v1 =	vand.u32 $0x3FFF, v1  }
0x327: {  	v1 =	vsel vm12, v1, v2  }
0x328: {  	[tilespmem:$0x1E9C0] =	vst v1  }
0x329: {  	v1 =	vld [tilespmem:s15+$0x10];
	_ =	sdelay $0x2  }
0x32a: {  	s28 =	sadd.s32 $0x50, s2  }
0x32b: {  	v2 =	vor.u32 s28, v3  }
0x32c: {  	vm13 =	vlt.u32 v2, v5;
	v2 =	vor.u32 $0x4050, v3;
	v1 =	vand.u32 $0x3FFF, v1  }
0x32d: {  	v1 =	vsel vm13, v1, v2  }
0x32e: {  	[tilespmem:$0x1E9D0] =	vst v1  }
0x32f: {  	v1 =	vld [tilespmem:s15+$0x20];
	_ =	sdelay $0x2  }
0x330: {  	s31 =	sadd.s32 $0x60, s2  }
0x331: {  	v2 =	vor.u32 s31, v3  }
0x332: {  	vm14 =	vlt.u32 v2, v5;
	v2 =	vor.u32 $0x4060, v3;
	v1 =	vand.u32 $0x3FFF, v1  }
0x333: {  	v1 =	vsel vm14, v1, v2  }
0x334: {  	[tilespmem:$0x1E9E0] =	vst v1  }
0x335: {  	v1 =	vld [tilespmem:s15+$0x30];
	_ =	sdelay $0x2  }
0x336: {  	s28 =	sadd.s32 $0x70, s2  }
0x337: {  	v2 =	vor.u32 s28, v3  }
0x338: {  	vm15 =	vlt.u32 v2, v5;
	v2 =	vor.u32 $0x4070, v3;
	v1 =	vand.u32 $0x3FFF, v1  }
0x339: {  	v1 =	vsel vm15, v1, v2  }
.Ltmp22:
0x33a: {  	s31 =	simm.s32 $0x1E980;
	[tilespmem:$0x1E9F0] =	vst v1;
	(pc) =	sbr.rel .LBB2_24-.Ltmp22, $4  }
0x33b: {  	[hbm4b:s7+s17] =	stream.indirect.scatter [tilespmem:s14], [sflag:$0x1], $0x80, s31, s17, $0xb8;
	[tilespmem:$0x1EA00] =	vst v63  }
0x33c: {  	_ =	swait.ge [sflag:s5], $0x4000  }
0x33d: {  	[sflag:s5] =	ssyncset.done $0x0  }
0x33e: {  	[sflag:s5] =	ssyncadd.s32 $0xFFFFC000  }
.LBB2_27:
0x33f: {  	_ =	sfence.sel $0x180000  }
0x340: {  	[bflag:$0x0] =	sbarrier.arrive $0xFFFF  }
0x341: {  	_ =	strace $0x90000047  }
0x342: {  	s0 =	stileid.u32;
	[bflag:$0x2] =	sbarrier.arrive $0xFFFF  }
0x343: {  	p0 =	sne.s32 s0, $0x0;
	s0 =	rddreg [dreg:$0x4]  }
0x344: {  	s0 =	sadd.s32 @!p0 $0x100000, s0  }
0x345: {  	[sflag:s0] =	ssyncadd.tile.s32 @!p0 $0x1;
	_ =	shalt  }
.Lfunc_end2:
_tile_overlayer_lowered:
.L_overlay_start_2:
0x346: {  	(tag) =	ssettag $0x2  }
0x347: {  	s0 =	rddreg [dreg:$0x0];
	s2 =	stileid.u32  }
0x348: {  	s1 =	rddreg [dreg:$0x1];
	p0 =	sne.s32 s2, $0x0  }
0x349: {  	s3 =	rddreg [dreg:$0x2];
	[bflag:$0x3] =	sbarrier.arrive $0xFFFF;
	s2 =	simm.s32 @!p0 $0x1C02  }
0x34a: {  	[timem:s3], [sflag:s2] =	dma.local @!p0 [hbm:s0], s1  }
0x34b: {  	s0 =	simm.s32 @!p0 $0x2  }
0x34c: {  	_ =	swait.ge @!p0 [sflag:s0], s1  }
0x34d: {  	s1 =	ssub.s32 @!p0 $0x0, s1;
	[sflag:s0] =	ssyncset.done @!p0 $0x0  }
0x34e: {  	[sflag:s0] =	ssyncadd.s32 @!p0 s1  }
0x34f: {  	[bflag:$0x3] =	sbarrier.arrive $0xFFFF  }
0x350: {  	_ =	shalt  }

</sc_bundles>
